<compile_context>
chip_gen: v7x
topology: tpu7x:2x2x1
jax: 0.10.2.dev20260603
libtpu: 0.0.44.dev20260713+nightly
codegen_flags: <defaults>
</compile_context>

<pallas_src>
import functools

import jax
import jax.numpy as jnp
from jax import lax
from jax.experimental import pallas as pl
from jax.experimental.pallas import tpu as pltpu
from jax.experimental.pallas import tpu_sc as plsc

N = 10000
E = 320000
D = 128
G = 64
NPAD = 10240
NT = 32
CW = 128
NCHUNK = 80
SEG = 40
CH = 160
TCHUNK = 16 * CH
EPAD = TCHUNK * CW
RPT = NPAD // 16


@functools.cache
def _mesh():
    return plsc.VectorSubcoreMesh(
        core_axis_name="c", subcore_axis_name="s",
        num_cores=2, num_subcores=16)


@functools.cache
def _mesh1():
    return plsc.VectorSubcoreMesh(
        core_axis_name="c", subcore_axis_name="s",
        num_cores=1, num_subcores=16)


def _sc_deg_body(col_hbm, out_hbm, colv, onesb, dsh):
    cid = lax.axis_index("c")
    sid = lax.axis_index("s")
    t = cid * 16 + sid

    def zfill(i, _):
        onesb[i, :] = jnp.zeros((16,), jnp.float32)
        return 0
    lax.fori_loop(0, CW, zfill, 0)

    def zcopy(k, _):
        pltpu.sync_copy(onesb, dsh.at[pl.ds(sid * RPT + k * CW, CW)])
        return 0
    lax.fori_loop(0, RPT // CW, zcopy, 0)

    def ofill(i, _):
        onesb[i, :] = jnp.ones((16,), jnp.float32)
        return 0
    lax.fori_loop(0, CW, ofill, 0)

    pltpu.sync_copy(col_hbm.at[pl.ds(t * NCHUNK, NCHUNK)], colv)
    plsc.subcore_barrier()

    def scat(j, _):
        pltpu.sync_copy(onesb, dsh.at[colv.at[j]], add=True)
        return 0
    lax.fori_loop(0, NCHUNK, scat, 0)
    plsc.subcore_barrier()

    pltpu.sync_copy(dsh.at[pl.ds(sid * RPT, RPT)],
                    out_hbm.at[cid, pl.ds(sid * RPT, RPT)])


@functools.cache
def _sc_deg():
    return pl.kernel(
        _sc_deg_body,
        out_type=jax.ShapeDtypeStruct((2, NPAD, 16), jnp.float32),
        mesh=_mesh(),
        scratch_types=[
            pltpu.VMEM((NCHUNK, CW), jnp.int32),
            pltpu.VMEM((CW, 16), jnp.float32),
            pltpu.VMEM_SHARED((NPAD, 16), jnp.float32),
        ],
    )


def _sc_agg_body(g_hbm, row_hbm, col_hbm, out_hbm,
                 rowv, colv, bufa, bufb, ssh, sema, semb):
    sid = lax.axis_index("s")

    def zf(i, _):
        bufa[i // 8, pl.ds((i % 8) * 16, 16)] = jnp.zeros((16,), jnp.float32)
        return 0
    lax.fori_loop(0, CW * 8, zf, 0)

    def zc(k, _):
        pltpu.sync_copy(bufa, ssh.at[pl.ds(sid * RPT + k * CW, CW)])
        return 0
    lax.fori_loop(0, RPT // CW, zc, 0)
    plsc.subcore_barrier()

    for seg in range(CH // SEG):
        start = sid * CH + seg * SEG
        pltpu.sync_copy(row_hbm.at[pl.ds(start, SEG)], rowv)
        pltpu.sync_copy(col_hbm.at[pl.ds(start, SEG)], colv)

        def body(j2, _):
            j = j2 * 2
            ha = pltpu.async_copy(g_hbm.at[rowv.at[j]], bufa, sema)
            ha.wait()
            hb = pltpu.async_copy(g_hbm.at[rowv.at[j + 1]], bufb, semb)
            pltpu.sync_copy(bufa, ssh.at[colv.at[j]], add=True)
            hb.wait()
            pltpu.sync_copy(bufb, ssh.at[colv.at[j + 1]], add=True)
            return 0
        lax.fori_loop(0, SEG // 2, body, 0)
    plsc.subcore_barrier()

    pltpu.sync_copy(ssh.at[pl.ds(sid * RPT, RPT)],
                    out_hbm.at[pl.ds(sid * RPT, RPT)])


@functools.cache
def _sc_agg():
    return pl.kernel(
        _sc_agg_body,
        out_type=jax.ShapeDtypeStruct((NPAD, D), jnp.float32),
        mesh=_mesh1(),
        scratch_types=[
            pltpu.VMEM((SEG, CW), jnp.int32),
            pltpu.VMEM((SEG, CW), jnp.int32),
            pltpu.VMEM((CW, D), jnp.float32),
            pltpu.VMEM((CW, D), jnp.float32),
            pltpu.VMEM_SHARED((NPAD, D), jnp.float32),
            pltpu.SemaphoreType.DMA,
            pltpu.SemaphoreType.DMA,
        ],
    )


_BLK = 1024
_GRID = NPAD // _BLK


def _tc1_body(deg_ref, x_ref, w_ref, g_ref, dv_ref):
    deg = deg_ref[0, :, 0:1] + deg_ref[1, :, 0:1] + 1.0
    dinv = lax.rsqrt(deg)
    h = jnp.dot(x_ref[...], w_ref[...], preferred_element_type=jnp.float32)
    g_ref[...] = h * dinv
    dv_ref[...] = jnp.broadcast_to(dinv, (_BLK, D))


_tc1 = pl.pallas_call(
    _tc1_body,
    grid=(_GRID,),
    in_specs=[
        pl.BlockSpec((2, _BLK, 16), lambda i: (0, i, 0)),
        pl.BlockSpec((_BLK, D), lambda i: (i, 0)),
        pl.BlockSpec((D, D), lambda i: (0, 0)),
    ],
    out_specs=[
        pl.BlockSpec((_BLK, D), lambda i: (i, 0)),
        pl.BlockSpec((_BLK, D), lambda i: (i, 0)),
    ],
    out_shape=[
        jax.ShapeDtypeStruct((NPAD, D), jnp.float32),
        jax.ShapeDtypeStruct((NPAD, D), jnp.float32),
    ],
)


def _tc2_body(s_ref, g_ref, dv_ref, b_ref, w_ref, out_ref):
    s = s_ref[...] + g_ref[...]
    z = jnp.maximum(s * dv_ref[...] + b_ref[...], 0.0)
    h = jnp.dot(z, w_ref[...], preferred_element_type=jnp.float32)
    out_ref[...] = h * dv_ref[...]


_tc2 = pl.pallas_call(
    _tc2_body,
    grid=(_GRID,),
    in_specs=[
        pl.BlockSpec((_BLK, D), lambda i: (i, 0)),
        pl.BlockSpec((_BLK, D), lambda i: (i, 0)),
        pl.BlockSpec((_BLK, D), lambda i: (i, 0)),
        pl.BlockSpec((1, D), lambda i: (0, 0)),
        pl.BlockSpec((D, D), lambda i: (0, 0)),
    ],
    out_specs=pl.BlockSpec((_BLK, D), lambda i: (i, 0)),
    out_shape=jax.ShapeDtypeStruct((NPAD, D), jnp.float32),
)


def _tc3_body(s_ref, g_ref, dv_ref, b_ref, bt_ref, wl_ref, bl_ref,
              out_ref, acc, cacc):
    i = pl.program_id(0)
    z = jnp.maximum((s_ref[...] + g_ref[...]) * dv_ref[...]
                    + b_ref[...], 0.0)
    gids = lax.broadcasted_iota(jnp.int32, (1, G), 1)
    mask = (bt_ref[...] == gids).astype(jnp.float32)
    psum = lax.dot_general(mask, z, (((0,), (0,)), ((), ())),
                           preferred_element_type=jnp.float32)
    ones = jnp.ones((_BLK, 1), jnp.float32)
    csum = lax.dot_general(mask, ones, (((0,), (0,)), ((), ())),
                           preferred_element_type=jnp.float32)

    @pl.when(i == 0)
    def _():
        acc[...] = psum
        cacc[...] = csum

    @pl.when(i > 0)
    def _():
        acc[...] += psum
        cacc[...] += csum

    @pl.when(i == pl.num_programs(0) - 1)
    def _():
        pooled = acc[...] / jnp.maximum(cacc[...], 1.0)
        out_ref[...] = jnp.dot(pooled, wl_ref[...],
                               preferred_element_type=jnp.float32) + bl_ref[...]


_tc3 = pl.pallas_call(
    _tc3_body,
    grid=(_GRID,),
    in_specs=[
        pl.BlockSpec((_BLK, D), lambda i: (i, 0)),
        pl.BlockSpec((_BLK, D), lambda i: (i, 0)),
        pl.BlockSpec((_BLK, D), lambda i: (i, 0)),
        pl.BlockSpec((1, D), lambda i: (0, 0)),
        pl.BlockSpec((_BLK, 1), lambda i: (i, 0)),
        pl.BlockSpec((D, 16), lambda i: (0, 0)),
        pl.BlockSpec((1, 16), lambda i: (0, 0)),
    ],
    out_specs=pl.BlockSpec((G, 16), lambda i: (0, 0)),
    out_shape=jax.ShapeDtypeStruct((G, 16), jnp.float32),
    scratch_shapes=[
        pltpu.VMEM((G, D), jnp.float32),
        pltpu.VMEM((G, 1), jnp.float32),
    ],
)


def kernel(x, edge_index, batch, W1, b1, W2, b2, Wl, bl):
    row = edge_index[0]
    col = edge_index[1]
    pad = EPAD - E
    rowp = jnp.concatenate(
        [row, jnp.zeros((pad,), jnp.int32)]).reshape(TCHUNK, CW)
    colp = jnp.concatenate(
        [col, jnp.full((pad,), N, jnp.int32)]).reshape(TCHUNK, CW)
    xp = jnp.pad(x, ((0, NPAD - N), (0, 0)))
    b2d = jnp.pad(batch, (0, NPAD - N), constant_values=G)[:, None]

    deg = _sc_deg()(colp)
    g1, dinvb = _tc1(deg, xp, W1)
    S1 = _sc_agg()(g1, rowp, colp)
    g2 = _tc2(S1, g1, dinvb, b1.reshape(1, D), W2)
    S2 = _sc_agg()(g2, rowp, colp)
    out = _tc3(S2, g2, dinvb, b2.reshape(1, D), b2d, Wl, bl.reshape(1, 16))
    return out

# --- scband reference (transcript-rebuilt; emitter-appended) ---
"""Pipeline reference for scband-graph-task-node-gcn2-3659312136457 (READ-ONLY COPY).

The authoritative reference and input builder live on the scoring server;
editing this copy changes nothing except your own understanding.
"""

import jax, jax.numpy as jnp
import numpy as np

N = 10000
E = 320000
D_IN = 128
D_H = 128
D_OUT = 16
NUM_GRAPHS = 64


def gcn_conv(x, edge_index, W, b):
    # GCNConv: symmetric-normalized aggregation with self-loops.
    n = x.shape[0]
    row = edge_index[0]
    col = edge_index[1]
    loop = jnp.arange(n, dtype=row.dtype)
    row = jnp.concatenate([row, loop])
    col = jnp.concatenate([col, loop])
    deg = jnp.zeros((n,), x.dtype).at[col].add(1.0)
    dinv = jnp.where(deg > 0, jax.lax.rsqrt(deg), 0.0)
    norm = dinv[row] * dinv[col]
    h = x @ W
    msg = jnp.take(h, row, axis=0) * norm[:, None]
    out = jnp.zeros((n, h.shape[1]), x.dtype).at[col].add(msg)
    return out + b


def setup_inputs(seed: int = 0):
    key = jax.random.key(seed)
    k1, k2, k3, k4, k5, k6 = jax.random.split(key, 6)
    x = jax.random.normal(k1, (N, D_IN), dtype=jnp.float32)
    edge_index = jax.random.randint(k2, (2, E), 0, N, dtype=jnp.int32)
    batch = jnp.sort(jax.random.randint(k3, (N,), 0, NUM_GRAPHS, dtype=jnp.int32))
    W1 = jax.random.normal(k4, (D_IN, D_H), dtype=jnp.float32) * (1.0 / np.sqrt(D_IN))
    b1 = jnp.zeros((D_H,), dtype=jnp.float32)
    W2 = jax.random.normal(k5, (D_H, D_H), dtype=jnp.float32) * (1.0 / np.sqrt(D_H))
    b2 = jnp.zeros((D_H,), dtype=jnp.float32)
    Wl = jax.random.normal(k6, (D_H, D_OUT), dtype=jnp.float32) * (1.0 / np.sqrt(D_H))
    bl = jnp.zeros((D_OUT,), dtype=jnp.float32)
    return {"x": x, "edge_index": edge_index, "batch": batch,
            "W1": W1, "b1": b1, "W2": W2, "b2": b2, "Wl": Wl, "bl": bl}


def reference(x, edge_index, batch, W1, b1, W2, b2, Wl, bl):
    # NodeGCN2 forward (eval mode: dropout is identity)
    h = gcn_conv(x, edge_index, W1, b1)
    h = jax.nn.relu(h)
    h = gcn_conv(h, edge_index, W2, b2)
    # GraphTaskNodeGCN2 head
    h = jax.nn.relu(h)
    sums = jax.ops.segment_sum(h, batch, num_segments=NUM_GRAPHS)
    cnts = jax.ops.segment_sum(jnp.ones((h.shape[0], 1), h.dtype), batch, num_segments=NUM_GRAPHS)
    pooled = sums / jnp.maximum(cnts, 1.0)
    out = pooled @ Wl + bl
    return out

if __name__ == "__main__":
    import jax
    _d = setup_inputs()
    print(jax.jit(kernel)(*tuple(_d.values())))

</pallas_src>

<mosaic_0001>
#map = affine_map<(d0, d1) -> (0, 0)>
#map1 = affine_map<(d0, d1) -> (0, 0, 0)>
module attributes {stable_mosaic.version = 14 : i64} {
  func.func @_sc_deg_body(%arg0: i32, %arg1: i32, %arg2: memref<2560x128xi32, #tpu.memory_space<hbm>>, %arg3: memref<2x10240x16xf32, #tpu.memory_space<hbm>>, %arg4: memref<80x128xi32, #tpu.memory_space<vmem>>, %arg5: memref<128x16xf32, #tpu.memory_space<vmem>>, %arg6: memref<10240x16xf32, #tpu.memory_space<vmem_shared>>) attributes {dimension_semantics = [#tpu.dimension_semantics<core_parallel>, #tpu.dimension_semantics<subcore_parallel>], iteration_bounds = array<i64: 2, 16>, scalar_prefetch = 0 : i64, scratch_operands = 3 : i64, tpu.core_type = #tpu.core_type<sc_vector_subcore>, window_params = [{transform_indices = #map}, {transform_indices = #map1}]} {
    %mul3A = arith.constant 16 : i32
    %mul3A_0 = arith.muli %arg0, %mul3A : i32
    %add3A = arith.addi %mul3A_0, %arg1 : i32
    %scan3A = arith.constant 0 : i32
    %scan3A_1 = arith.constant 0 : i32
    %scan3A_2 = arith.constant 128 : i32
    %scan3A_3 = arith.addi %scan3A_1, %scan3A_2 : i32
    %scan3A_4 = arith.constant 1 : i32
    %scan3A_5 = scf.for %scan3A_35 = %scan3A_1 to %scan3A_3 step %scan3A_4 iter_args(%scan3A_36 = %scan3A) -> (i32)  : i32 {
      %broadcast_in_dim3A = arith.constant 0.000000e+00 : f32
      %broadcast_in_dim3A_37 = vector.broadcast %broadcast_in_dim3A : f32 to vector<16xf32>
      %swap3A = arith.index_cast %scan3A_35 : i32 to index
      %swap3A_38 = arith.constant 0 : index
      %swap3A_39 = tpu.vector_load %arg5[%swap3A, %swap3A_38] {strides = array<i32>} : memref<128x16xf32, #tpu.memory_space<vmem>>, vector<1x16xf32>,
      %swap3A_40 = vector.shape_cast %swap3A_39 : vector<1x16xf32> to vector<16xf32>
      %swap3A_41 = vector.shape_cast %broadcast_in_dim3A_37 : vector<16xf32> to vector<1x16xf32>
      tpu.vector_store %arg5[%swap3A, %swap3A_38], %swap3A_41 {strides = array<i32>} : memref<128x16xf32, #tpu.memory_space<vmem>>, vector<1x16xf32>,
      %scan3A_42 = arith.constant 0 : i32
      scf.yield %scan3A_42 : i32
    }
    %scan3A_6 = arith.constant 128 : i32
    %scan3A_7 = arith.constant 0 : i32
    %scan3A_8 = arith.constant 0 : i32
    %scan3A_9 = arith.constant 5 : i32
    %scan3A_10 = arith.addi %scan3A_8, %scan3A_9 : i32
    %scan3A_11 = arith.constant 1 : i32
    %scan3A_12 = scf.for %scan3A_35 = %scan3A_8 to %scan3A_10 step %scan3A_11 iter_args(%scan3A_36 = %scan3A_7) -> (i32)  : i32 {
      %mul3A_37 = arith.constant 640 : i32
      %mul3A_38 = arith.muli %arg1, %mul3A_37 : i32
      %mul3A_39 = arith.constant 128 : i32
      %mul3A_40 = arith.muli %scan3A_35, %mul3A_39 : i32
      %add3A_41 = arith.addi %mul3A_38, %mul3A_40 : i32
      "tpu.region"() ({
        %run_scoped3A = tpu.sem_alloc : memref<!tpu.dma_semaphore, #tpu.memory_space<semaphore_mem>>
        %dma_start3A = arith.constant 0 : i32
        %dma_start3A_43 = tpu.memref_slice %arg6[%add3A_41, %dma_start3A] : memref<10240x16xf32, #tpu.memory_space<vmem_shared>> -> memref<128x16xf32, #tpu.memory_space<vmem_shared>>
        %dma_start3A_44 = arith.constant 0 : i32
        %dma_start3A_45 = tpu.memref_slice %arg6[%add3A_41, %dma_start3A_44] : memref<10240x16xf32, #tpu.memory_space<vmem_shared>> -> memref<128x16xf32, #tpu.memory_space<vmem_shared>>
        tpu.enqueue_dma source(%arg5 : memref<128x16xf32, #tpu.memory_space<vmem>>) target(%dma_start3A_45 : memref<128x16xf32, #tpu.memory_space<vmem_shared>>) target_semaphore(%run_scoped3A : memref<!tpu.dma_semaphore, #tpu.memory_space<semaphore_mem>>)
        %dma_wait3A = arith.constant 0 : i32
        %dma_wait3A_46 = tpu.memref_slice %arg6[%add3A_41, %dma_wait3A] : memref<10240x16xf32, #tpu.memory_space<vmem_shared>> -> memref<128x16xf32, #tpu.memory_space<vmem_shared>>
        %dma_wait3A_47 = arith.constant 0 : i32
        %dma_wait3A_48 = tpu.memref_slice %arg6[%add3A_41, %dma_wait3A_47] : memref<10240x16xf32, #tpu.memory_space<vmem_shared>> -> memref<128x16xf32, #tpu.memory_space<vmem_shared>>
        tpu.wait_dma2 semaphore(%run_scoped3A : memref<!tpu.dma_semaphore, #tpu.memory_space<semaphore_mem>>) src(%arg5 : memref<128x16xf32, #tpu.memory_space<vmem>>) dst(%dma_wait3A_48 : memref<128x16xf32, #tpu.memory_space<vmem_shared>>)
        tpu.yield
      }) : () -> ()
      %scan3A_42 = arith.constant 0 : i32
      scf.yield %scan3A_42 : i32
    }
    %scan3A_13 = arith.constant 5 : i32
    %scan3A_14 = arith.constant 0 : i32
    %scan3A_15 = arith.constant 0 : i32
    %scan3A_16 = arith.constant 128 : i32
    %scan3A_17 = arith.addi %scan3A_15, %scan3A_16 : i32
    %scan3A_18 = arith.constant 1 : i32
    %scan3A_19 = scf.for %scan3A_35 = %scan3A_15 to %scan3A_17 step %scan3A_18 iter_args(%scan3A_36 = %scan3A_14) -> (i32)  : i32 {
      %broadcast_in_dim3A = arith.constant 1.000000e+00 : f32
      %broadcast_in_dim3A_37 = vector.broadcast %broadcast_in_dim3A : f32 to vector<16xf32>
      %swap3A = arith.index_cast %scan3A_35 : i32 to index
      %swap3A_38 = arith.constant 0 : index
      %swap3A_39 = tpu.vector_load %arg5[%swap3A, %swap3A_38] {strides = array<i32>} : memref<128x16xf32, #tpu.memory_space<vmem>>, vector<1x16xf32>,
      %swap3A_40 = vector.shape_cast %swap3A_39 : vector<1x16xf32> to vector<16xf32>
      %swap3A_41 = vector.shape_cast %broadcast_in_dim3A_37 : vector<16xf32> to vector<1x16xf32>
      tpu.vector_store %arg5[%swap3A, %swap3A_38], %swap3A_41 {strides = array<i32>} : memref<128x16xf32, #tpu.memory_space<vmem>>, vector<1x16xf32>,
      %scan3A_42 = arith.constant 0 : i32
      scf.yield %scan3A_42 : i32
    }
    %scan3A_20 = arith.constant 128 : i32
    %mul3A_21 = arith.constant 80 : i32
    %mul3A_22 = arith.muli %add3A, %mul3A_21 : i32
    "tpu.region"() ({
      %run_scoped3A = tpu.sem_alloc : memref<!tpu.dma_semaphore, #tpu.memory_space<semaphore_mem>>
      %dma_start3A = arith.constant 0 : i32
      %dma_start3A_35 = tpu.memref_slice %arg2[%mul3A_22, %dma_start3A] : memref<2560x128xi32, #tpu.memory_space<hbm>> -> memref<80x128xi32, #tpu.memory_space<hbm>>
      %dma_start3A_36 = arith.constant 0 : i32
      %dma_start3A_37 = tpu.memref_slice %arg2[%mul3A_22, %dma_start3A_36] : memref<2560x128xi32, #tpu.memory_space<hbm>> -> memref<80x128xi32, #tpu.memory_space<hbm>>
      tpu.enqueue_dma source(%dma_start3A_37 : memref<80x128xi32, #tpu.memory_space<hbm>>) target(%arg4 : memref<80x128xi32, #tpu.memory_space<vmem>>) target_semaphore(%run_scoped3A : memref<!tpu.dma_semaphore, #tpu.memory_space<semaphore_mem>>)
      %dma_wait3A = arith.constant 0 : i32
      %dma_wait3A_38 = tpu.memref_slice %arg2[%mul3A_22, %dma_wait3A] : memref<2560x128xi32, #tpu.memory_space<hbm>> -> memref<80x128xi32, #tpu.memory_space<hbm>>
      %dma_wait3A_39 = arith.constant 0 : i32
      %dma_wait3A_40 = tpu.memref_slice %arg2[%mul3A_22, %dma_wait3A_39] : memref<2560x128xi32, #tpu.memory_space<hbm>> -> memref<80x128xi32, #tpu.memory_space<hbm>>
      tpu.wait_dma2 semaphore(%run_scoped3A : memref<!tpu.dma_semaphore, #tpu.memory_space<semaphore_mem>>) src(%dma_wait3A_40 : memref<80x128xi32, #tpu.memory_space<hbm>>) dst(%arg4 : memref<80x128xi32, #tpu.memory_space<vmem>>)
      tpu.yield
    }) : () -> ()
    %barrier3A = arith.constant 0 : index
    tpu.barrier barrier_id(%barrier3A)
    %scan3A_23 = arith.constant 0 : i32
    %scan3A_24 = arith.constant 0 : i32
    %scan3A_25 = arith.constant 80 : i32
    %scan3A_26 = arith.addi %scan3A_24, %scan3A_25 : i32
    %scan3A_27 = arith.constant 1 : i32
    %scan3A_28 = scf.for %scan3A_35 = %scan3A_24 to %scan3A_26 step %scan3A_27 iter_args(%scan3A_36 = %scan3A_23) -> (i32)  : i32 {
      "tpu.region"() ({
        %run_scoped3A = tpu.sem_alloc : memref<!tpu.dma_semaphore, #tpu.memory_space<semaphore_mem>>
        %dma_start3A = arith.constant 0 : i32
        %dma_start3A_38 = tpu.memref_slice %arg4[%scan3A_35, %dma_start3A] : memref<80x128xi32, #tpu.memory_space<vmem>> -> memref<1x128xi32, #tpu.memory_space<vmem>>
        %dma_start3A_39 = tpu.memref_squeeze %dma_start3A_38 : memref<1x128xi32, #tpu.memory_space<vmem>> -> memref<128xi32, #tpu.memory_space<vmem>>
        %dma_start3A_40 = arith.constant 0 : i32
        %dma_start3A_41 = arith.constant 0 : i32
        %dma_start3A_42 = tpu.memref_slice %arg6[%dma_start3A_40, %dma_start3A_41] : memref<10240x16xf32, #tpu.memory_space<vmem_shared>> -> memref<10240x16xf32, #tpu.memory_space<vmem_shared>>
        tpu.enqueue_indirect_dma source(%arg5 : memref<128x16xf32, #tpu.memory_space<vmem>>) target(%dma_start3A_42 : memref<10240x16xf32, #tpu.memory_space<vmem_shared>>) offsets(%dma_start3A_39 : memref<128xi32, #tpu.memory_space<vmem>>) semaphore(%run_scoped3A : memref<!tpu.dma_semaphore, #tpu.memory_space<semaphore_mem>>) {add = true}
        %dma_wait3A = arith.constant 0 : i32
        %dma_wait3A_43 = tpu.memref_slice %arg4[%scan3A_35, %dma_wait3A] : memref<80x128xi32, #tpu.memory_space<vmem>> -> memref<1x128xi32, #tpu.memory_space<vmem>>
        %dma_wait3A_44 = tpu.memref_squeeze %dma_wait3A_43 : memref<1x128xi32, #tpu.memory_space<vmem>> -> memref<128xi32, #tpu.memory_space<vmem>>
        %dma_wait3A_45 = arith.constant 0 : i32
        %dma_wait3A_46 = arith.constant 0 : i32
        %dma_wait3A_47 = tpu.memref_slice %arg6[%dma_wait3A_45, %dma_wait3A_46] : memref<10240x16xf32, #tpu.memory_space<vmem_shared>> -> memref<10240x16xf32, #tpu.memory_space<vmem_shared>>
        tpu.wait_indirect_dma semaphore(%run_scoped3A : memref<!tpu.dma_semaphore, #tpu.memory_space<semaphore_mem>>) src(%arg5 : memref<128x16xf32, #tpu.memory_space<vmem>>) dst(%dma_wait3A_47 : memref<10240x16xf32, #tpu.memory_space<vmem_shared>>)
        tpu.yield
      }) : () -> ()
      %scan3A_37 = arith.constant 0 : i32
      scf.yield %scan3A_37 : i32
    }
    %scan3A_29 = arith.constant 80 : i32
    %barrier3A_30 = arith.constant 0 : index
    tpu.barrier barrier_id(%barrier3A_30)
    %mul3A_31 = arith.constant 640 : i32
    %mul3A_32 = arith.muli %arg1, %mul3A_31 : i32
    %mul3A_33 = arith.constant 640 : i32
    %mul3A_34 = arith.muli %arg1, %mul3A_33 : i32
    "tpu.region"() ({
      %run_scoped3A = tpu.sem_alloc : memref<!tpu.dma_semaphore, #tpu.memory_space<semaphore_mem>>
      %dma_start3A = arith.constant 0 : i32
      %dma_start3A_35 = tpu.memref_slice %arg3[%arg0, %mul3A_34, %dma_start3A] : memref<2x10240x16xf32, #tpu.memory_space<hbm>> -> memref<1x640x16xf32, #tpu.memory_space<hbm>>
      %dma_start3A_36 = tpu.memref_squeeze %dma_start3A_35 : memref<1x640x16xf32, #tpu.memory_space<hbm>> -> memref<640x16xf32, #tpu.memory_space<hbm>>
      %dma_start3A_37 = arith.constant 0 : i32
      %dma_start3A_38 = tpu.memref_slice %arg6[%mul3A_32, %dma_start3A_37] : memref<10240x16xf32, #tpu.memory_space<vmem_shared>> -> memref<640x16xf32, #tpu.memory_space<vmem_shared>>
      tpu.enqueue_dma source(%dma_start3A_38 : memref<640x16xf32, #tpu.memory_space<vmem_shared>>) target(%dma_start3A_36 : memref<640x16xf32, #tpu.memory_space<hbm>>) target_semaphore(%run_scoped3A : memref<!tpu.dma_semaphore, #tpu.memory_space<semaphore_mem>>)
      %dma_wait3A = arith.constant 0 : i32
      %dma_wait3A_39 = tpu.memref_slice %arg3[%arg0, %mul3A_34, %dma_wait3A] : memref<2x10240x16xf32, #tpu.memory_space<hbm>> -> memref<1x640x16xf32, #tpu.memory_space<hbm>>
      %dma_wait3A_40 = tpu.memref_squeeze %dma_wait3A_39 : memref<1x640x16xf32, #tpu.memory_space<hbm>> -> memref<640x16xf32, #tpu.memory_space<hbm>>
      %dma_wait3A_41 = arith.constant 0 : i32
      %dma_wait3A_42 = tpu.memref_slice %arg6[%mul3A_32, %dma_wait3A_41] : memref<10240x16xf32, #tpu.memory_space<vmem_shared>> -> memref<640x16xf32, #tpu.memory_space<vmem_shared>>
      tpu.wait_dma2 semaphore(%run_scoped3A : memref<!tpu.dma_semaphore, #tpu.memory_space<semaphore_mem>>) src(%dma_wait3A_42 : memref<640x16xf32, #tpu.memory_space<vmem_shared>>) dst(%dma_wait3A_40 : memref<640x16xf32, #tpu.memory_space<hbm>>)
      tpu.yield
    }) : () -> ()
    return
  }
}

#map = affine_map<(d0, d1) -> (0, 0)>
module attributes {stable_mosaic.version = 14 : i64} {
  func.func @_sc_agg_body(%arg0: i32, %arg1: i32, %arg2: memref<10240x128xf32, #tpu.memory_space<hbm>>, %arg3: memref<2560x128xi32, #tpu.memory_space<hbm>>, %arg4: memref<2560x128xi32, #tpu.memory_space<hbm>>, %arg5: memref<10240x128xf32, #tpu.memory_space<hbm>>, %arg6: memref<40x128xi32, #tpu.memory_space<vmem>>, %arg7: memref<40x128xi32, #tpu.memory_space<vmem>>, %arg8: memref<128x128xf32, #tpu.memory_space<vmem>>, %arg9: memref<128x128xf32, #tpu.memory_space<vmem>>, %arg10: memref<10240x128xf32, #tpu.memory_space<vmem_shared>>, %arg11: memref<!tpu.dma_semaphore, #tpu.memory_space<semaphore_mem>>, %arg12: memref<!tpu.dma_semaphore, #tpu.memory_space<semaphore_mem>>) attributes {dimension_semantics = [#tpu.dimension_semantics<core_parallel>, #tpu.dimension_semantics<subcore_parallel>], iteration_bounds = array<i64: 1, 16>, scalar_prefetch = 0 : i64, scratch_operands = 7 : i64, tpu.core_type = #tpu.core_type<sc_vector_subcore>, window_params = [{transform_indices = #map}, {transform_indices = #map}, {transform_indices = #map}, {transform_indices = #map}]} {
    %scan3A = arith.constant 0 : i32
    %scan3A_0 = arith.constant 0 : i32
    %scan3A_1 = arith.constant 1024 : i32
    %scan3A_2 = arith.addi %scan3A_0, %scan3A_1 : i32
    %scan3A_3 = arith.constant 1 : i32
    %scan3A_4 = scf.for %scan3A_60 = %scan3A_0 to %scan3A_2 step %scan3A_3 iter_args(%scan3A_61 = %scan3A) -> (i32)  : i32 {
      %broadcast_in_dim3A = arith.constant 0.000000e+00 : f32
      %broadcast_in_dim3A_62 = vector.broadcast %broadcast_in_dim3A : f32 to vector<16xf32>
      %jit3A = arith.constant 8 : i32
      %div3A = arith.divsi %scan3A_60, %jit3A : i32
      %sign3A = arith.constant 0 : i32
      %sign3A_63 = arith.cmpi sgt, %scan3A_60, %sign3A : i32
      %sign3A_64 = arith.extui %sign3A_63 : i1 to i32
      %sign3A_65 = arith.constant 0 : i32
      %sign3A_66 = arith.cmpi slt, %scan3A_60, %sign3A_65 : i32
      %sign3A_67 = arith.extui %sign3A_66 : i1 to i32
      %sign3A_68 = arith.subi %sign3A_64, %sign3A_67 : i32
      %sign3A_69 = arith.constant 0 : i32
      %sign3A_70 = arith.cmpi sgt, %jit3A, %sign3A_69 : i32
      %sign3A_71 = arith.extui %sign3A_70 : i1 to i32
      %sign3A_72 = arith.constant 0 : i32
      %sign3A_73 = arith.cmpi slt, %jit3A, %sign3A_72 : i32
      %sign3A_74 = arith.extui %sign3A_73 : i1 to i32
      %sign3A_75 = arith.subi %sign3A_71, %sign3A_74 : i32
      %ne3A = arith.cmpi ne, %sign3A_68, %sign3A_75 : i32
      %rem3A = arith.remsi %scan3A_60, %jit3A : i32
      %ne3A_76 = arith.constant 0 : i32
      %ne3A_77 = arith.cmpi ne, %rem3A, %ne3A_76 : i32
      %and3A = arith.andi %ne3A, %ne3A_77 : i1
      %sub3A = arith.constant 1 : i32
      %sub3A_78 = arith.subi %div3A, %sub3A : i32
      %select_n3A = arith.select %and3A, %sub3A_78, %div3A : i32
      %jit3A_79 = arith.constant 8 : i32
      %eq3A = arith.constant 0 : i32
      %eq3A_80 = arith.cmpi eq, %jit3A_79, %eq3A : i32
      %jit3A_81 = arith.constant 1 : i32
      %select_n3A_82 = arith.select %eq3A_80, %jit3A_81, %jit3A_79 : i32
      %rem3A_83 = arith.remsi %scan3A_60, %select_n3A_82 : i32
      %ne3A_84 = arith.constant 0 : i32
      %ne3A_85 = arith.cmpi ne, %rem3A_83, %ne3A_84 : i32
      %lt3A = arith.constant 0 : i32
      %lt3A_86 = arith.cmpi slt, %rem3A_83, %lt3A : i32
      %lt3A_87 = arith.constant 0 : i32
      %lt3A_88 = arith.cmpi slt, %select_n3A_82, %lt3A_87 : i32
      %ne3A_89 = arith.xori %lt3A_86, %lt3A_88 : i1
      %and3A_90 = arith.andi %ne3A_89, %ne3A_85 : i1
      %add3A_91 = arith.addi %rem3A_83, %select_n3A_82 : i32
      %select_n3A_92 = arith.select %and3A_90, %add3A_91, %rem3A_83 : i32
      %mul3A_93 = arith.constant 16 : i32
      %mul3A_94 = arith.muli %select_n3A_92, %mul3A_93 : i32
      %swap3A = arith.index_cast %select_n3A : i32 to index
      %swap3A_95 = arith.index_cast %mul3A_94 : i32 to index
      %swap3A_96 = tpu.vector_load %arg8[%swap3A, %swap3A_95] {strides = array<i32>} : memref<128x128xf32, #tpu.memory_space<vmem>>, vector<1x16xf32>,
      %swap3A_97 = vector.shape_cast %swap3A_96 : vector<1x16xf32> to vector<16xf32>
      %swap3A_98 = vector.shape_cast %broadcast_in_dim3A_62 : vector<16xf32> to vector<1x16xf32>
      tpu.vector_store %arg8[%swap3A, %swap3A_95], %swap3A_98 {strides = array<i32>} : memref<128x128xf32, #tpu.memory_space<vmem>>, vector<1x16xf32>,
      %scan3A_99 = arith.constant 0 : i32
      scf.yield %scan3A_99 : i32
    }
    %scan3A_5 = arith.constant 1024 : i32
    %scan3A_6 = arith.constant 0 : i32
    %scan3A_7 = arith.constant 0 : i32
    %scan3A_8 = arith.constant 5 : i32
    %scan3A_9 = arith.addi %scan3A_7, %scan3A_8 : i32
    %scan3A_10 = arith.constant 1 : i32
    %scan3A_11 = scf.for %scan3A_60 = %scan3A_7 to %scan3A_9 step %scan3A_10 iter_args(%scan3A_61 = %scan3A_6) -> (i32)  : i32 {
      %mul3A_62 = arith.constant 640 : i32
      %mul3A_63 = arith.muli %arg1, %mul3A_62 : i32
      %mul3A_64 = arith.constant 128 : i32
      %mul3A_65 = arith.muli %scan3A_60, %mul3A_64 : i32
      %add3A_66 = arith.addi %mul3A_63, %mul3A_65 : i32
      "tpu.region"() ({
        %run_scoped3A = tpu.sem_alloc : memref<!tpu.dma_semaphore, #tpu.memory_space<semaphore_mem>>
        %dma_start3A = arith.constant 0 : i32
        %dma_start3A_68 = tpu.memref_slice %arg10[%add3A_66, %dma_start3A] : memref<10240x128xf32, #tpu.memory_space<vmem_shared>> -> memref<128x128xf32, #tpu.memory_space<vmem_shared>>
        %dma_start3A_69 = arith.constant 0 : i32
        %dma_start3A_70 = tpu.memref_slice %arg10[%add3A_66, %dma_start3A_69] : memref<10240x128xf32, #tpu.memory_space<vmem_shared>> -> memref<128x128xf32, #tpu.memory_space<vmem_shared>>
        tpu.enqueue_dma source(%arg8 : memref<128x128xf32, #tpu.memory_space<vmem>>) target(%dma_start3A_70 : memref<128x128xf32, #tpu.memory_space<vmem_shared>>) target_semaphore(%run_scoped3A : memref<!tpu.dma_semaphore, #tpu.memory_space<semaphore_mem>>)
        %dma_wait3A = arith.constant 0 : i32
        %dma_wait3A_71 = tpu.memref_slice %arg10[%add3A_66, %dma_wait3A] : memref<10240x128xf32, #tpu.memory_space<vmem_shared>> -> memref<128x128xf32, #tpu.memory_space<vmem_shared>>
        %dma_wait3A_72 = arith.constant 0 : i32
        %dma_wait3A_73 = tpu.memref_slice %arg10[%add3A_66, %dma_wait3A_72] : memref<10240x128xf32, #tpu.memory_space<vmem_shared>> -> memref<128x128xf32, #tpu.memory_space<vmem_shared>>
        tpu.wait_dma2 semaphore(%run_scoped3A : memref<!tpu.dma_semaphore, #tpu.memory_space<semaphore_mem>>) src(%arg8 : memref<128x128xf32, #tpu.memory_space<vmem>>) dst(%dma_wait3A_73 : memref<128x128xf32, #tpu.memory_space<vmem_shared>>)
        tpu.yield
      }) : () -> ()
      %scan3A_67 = arith.constant 0 : i32
      scf.yield %scan3A_67 : i32
    }
    %scan3A_12 = arith.constant 5 : i32
    %barrier3A = arith.constant 0 : index
    tpu.barrier barrier_id(%barrier3A)
    %mul3A = arith.constant 160 : i32
    %mul3A_13 = arith.muli %arg1, %mul3A : i32
    %add3A = arith.constant 0 : i32
    %add3A_14 = arith.addi %mul3A_13, %add3A : i32
    "tpu.region"() ({
      %run_scoped3A = tpu.sem_alloc : memref<!tpu.dma_semaphore, #tpu.memory_space<semaphore_mem>>
      %dma_start3A = arith.constant 0 : i32
      %dma_start3A_60 = tpu.memref_slice %arg3[%add3A_14, %dma_start3A] : memref<2560x128xi32, #tpu.memory_space<hbm>> -> memref<40x128xi32, #tpu.memory_space<hbm>>
      %dma_start3A_61 = arith.constant 0 : i32
      %dma_start3A_62 = tpu.memref_slice %arg3[%add3A_14, %dma_start3A_61] : memref<2560x128xi32, #tpu.memory_space<hbm>> -> memref<40x128xi32, #tpu.memory_space<hbm>>
      tpu.enqueue_dma source(%dma_start3A_62 : memref<40x128xi32, #tpu.memory_space<hbm>>) target(%arg6 : memref<40x128xi32, #tpu.memory_space<vmem>>) target_semaphore(%run_scoped3A : memref<!tpu.dma_semaphore, #tpu.memory_space<semaphore_mem>>)
      %dma_wait3A = arith.constant 0 : i32
      %dma_wait3A_63 = tpu.memref_slice %arg3[%add3A_14, %dma_wait3A] : memref<2560x128xi32, #tpu.memory_space<hbm>> -> memref<40x128xi32, #tpu.memory_space<hbm>>
      %dma_wait3A_64 = arith.constant 0 : i32
      %dma_wait3A_65 = tpu.memref_slice %arg3[%add3A_14, %dma_wait3A_64] : memref<2560x128xi32, #tpu.memory_space<hbm>> -> memref<40x128xi32, #tpu.memory_space<hbm>>
      tpu.wait_dma2 semaphore(%run_scoped3A : memref<!tpu.dma_semaphore, #tpu.memory_space<semaphore_mem>>) src(%dma_wait3A_65 : memref<40x128xi32, #tpu.memory_space<hbm>>) dst(%arg6 : memref<40x128xi32, #tpu.memory_space<vmem>>)
      tpu.yield
    }) : () -> ()
    "tpu.region"() ({
      %run_scoped3A = tpu.sem_alloc : memref<!tpu.dma_semaphore, #tpu.memory_space<semaphore_mem>>
      %dma_start3A = arith.constant 0 : i32
      %dma_start3A_60 = tpu.memref_slice %arg4[%add3A_14, %dma_start3A] : memref<2560x128xi32, #tpu.memory_space<hbm>> -> memref<40x128xi32, #tpu.memory_space<hbm>>
      %dma_start3A_61 = arith.constant 0 : i32
      %dma_start3A_62 = tpu.memref_slice %arg4[%add3A_14, %dma_start3A_61] : memref<2560x128xi32, #tpu.memory_space<hbm>> -> memref<40x128xi32, #tpu.memory_space<hbm>>
      tpu.enqueue_dma source(%dma_start3A_62 : memref<40x128xi32, #tpu.memory_space<hbm>>) target(%arg7 : memref<40x128xi32, #tpu.memory_space<vmem>>) target_semaphore(%run_scoped3A : memref<!tpu.dma_semaphore, #tpu.memory_space<semaphore_mem>>)
      %dma_wait3A = arith.constant 0 : i32
      %dma_wait3A_63 = tpu.memref_slice %arg4[%add3A_14, %dma_wait3A] : memref<2560x128xi32, #tpu.memory_space<hbm>> -> memref<40x128xi32, #tpu.memory_space<hbm>>
      %dma_wait3A_64 = arith.constant 0 : i32
      %dma_wait3A_65 = tpu.memref_slice %arg4[%add3A_14, %dma_wait3A_64] : memref<2560x128xi32, #tpu.memory_space<hbm>> -> memref<40x128xi32, #tpu.memory_space<hbm>>
      tpu.wait_dma2 semaphore(%run_scoped3A : memref<!tpu.dma_semaphore, #tpu.memory_space<semaphore_mem>>) src(%dma_wait3A_65 : memref<40x128xi32, #tpu.memory_space<hbm>>) dst(%arg7 : memref<40x128xi32, #tpu.memory_space<vmem>>)
      tpu.yield
    }) : () -> ()
    %scan3A_15 = arith.constant 0 : i32
    %scan3A_16 = arith.constant 0 : i32
    %scan3A_17 = arith.constant 20 : i32
    %scan3A_18 = arith.addi %scan3A_16, %scan3A_17 : i32
    %scan3A_19 = arith.constant 1 : i32
    %scan3A_20 = scf.for %scan3A_60 = %scan3A_16 to %scan3A_18 step %scan3A_19 iter_args(%scan3A_61 = %scan3A_15) -> (i32)  : i32 {
      %mul3A_62 = arith.constant 2 : i32
      %mul3A_63 = arith.muli %scan3A_60, %mul3A_62 : i32
      %dma_start3A = arith.constant 0 : i32
      %dma_start3A_64 = tpu.memref_slice %arg6[%mul3A_63, %dma_start3A] : memref<40x128xi32, #tpu.memory_space<vmem>> -> memref<1x128xi32, #tpu.memory_space<vmem>>
      %dma_start3A_65 = tpu.memref_squeeze %dma_start3A_64 : memref<1x128xi32, #tpu.memory_space<vmem>> -> memref<128xi32, #tpu.memory_space<vmem>>
      %dma_start3A_66 = arith.constant 0 : i32
      %dma_start3A_67 = arith.constant 0 : i32
      %dma_start3A_68 = tpu.memref_slice %arg2[%dma_start3A_66, %dma_start3A_67] : memref<10240x128xf32, #tpu.memory_space<hbm>> -> memref<10240x128xf32, #tpu.memory_space<hbm>>
      tpu.enqueue_indirect_dma source(%dma_start3A_68 : memref<10240x128xf32, #tpu.memory_space<hbm>>) target(%arg8 : memref<128x128xf32, #tpu.memory_space<vmem>>) offsets(%dma_start3A_65 : memref<128xi32, #tpu.memory_space<vmem>>) semaphore(%arg11 : memref<!tpu.dma_semaphore, #tpu.memory_space<semaphore_mem>>)
      %dma_wait3A = arith.constant 0 : i32
      %dma_wait3A_69 = tpu.memref_slice %arg6[%mul3A_63, %dma_wait3A] : memref<40x128xi32, #tpu.memory_space<vmem>> -> memref<1x128xi32, #tpu.memory_space<vmem>>
      %dma_wait3A_70 = tpu.memref_squeeze %dma_wait3A_69 : memref<1x128xi32, #tpu.memory_space<vmem>> -> memref<128xi32, #tpu.memory_space<vmem>>
      %dma_wait3A_71 = arith.constant 0 : i32
      %dma_wait3A_72 = arith.constant 0 : i32
      %dma_wait3A_73 = tpu.memref_slice %arg2[%dma_wait3A_71, %dma_wait3A_72] : memref<10240x128xf32, #tpu.memory_space<hbm>> -> memref<10240x128xf32, #tpu.memory_space<hbm>>
      tpu.wait_indirect_dma semaphore(%arg11 : memref<!tpu.dma_semaphore, #tpu.memory_space<semaphore_mem>>) src(%dma_wait3A_73 : memref<10240x128xf32, #tpu.memory_space<hbm>>) dst(%arg8 : memref<128x128xf32, #tpu.memory_space<vmem>>)
      %add3A_74 = arith.constant 1 : i32
      %add3A_75 = arith.addi %mul3A_63, %add3A_74 : i32
      %dma_start3A_76 = arith.constant 0 : i32
      %dma_start3A_77 = tpu.memref_slice %arg6[%add3A_75, %dma_start3A_76] : memref<40x128xi32, #tpu.memory_space<vmem>> -> memref<1x128xi32, #tpu.memory_space<vmem>>
      %dma_start3A_78 = tpu.memref_squeeze %dma_start3A_77 : memref<1x128xi32, #tpu.memory_space<vmem>> -> memref<128xi32, #tpu.memory_space<vmem>>
      %dma_start3A_79 = arith.constant 0 : i32
      %dma_start3A_80 = arith.constant 0 : i32
      %dma_start3A_81 = tpu.memref_slice %arg2[%dma_start3A_79, %dma_start3A_80] : memref<10240x128xf32, #tpu.memory_space<hbm>> -> memref<10240x128xf32, #tpu.memory_space<hbm>>
      tpu.enqueue_indirect_dma source(%dma_start3A_81 : memref<10240x128xf32, #tpu.memory_space<hbm>>) target(%arg9 : memref<128x128xf32, #tpu.memory_space<vmem>>) offsets(%dma_start3A_78 : memref<128xi32, #tpu.memory_space<vmem>>) semaphore(%arg12 : memref<!tpu.dma_semaphore, #tpu.memory_space<semaphore_mem>>)
      "tpu.region"() ({
        %run_scoped3A = tpu.sem_alloc : memref<!tpu.dma_semaphore, #tpu.memory_space<semaphore_mem>>
        %dma_start3A_91 = arith.constant 0 : i32
        %dma_start3A_92 = tpu.memref_slice %arg7[%mul3A_63, %dma_start3A_91] : memref<40x128xi32, #tpu.memory_space<vmem>> -> memref<1x128xi32, #tpu.memory_space<vmem>>
        %dma_start3A_93 = tpu.memref_squeeze %dma_start3A_92 : memref<1x128xi32, #tpu.memory_space<vmem>> -> memref<128xi32, #tpu.memory_space<vmem>>
        %dma_start3A_94 = arith.constant 0 : i32
        %dma_start3A_95 = arith.constant 0 : i32
        %dma_start3A_96 = tpu.memref_slice %arg10[%dma_start3A_94, %dma_start3A_95] : memref<10240x128xf32, #tpu.memory_space<vmem_shared>> -> memref<10240x128xf32, #tpu.memory_space<vmem_shared>>
        tpu.enqueue_indirect_dma source(%arg8 : memref<128x128xf32, #tpu.memory_space<vmem>>) target(%dma_start3A_96 : memref<10240x128xf32, #tpu.memory_space<vmem_shared>>) offsets(%dma_start3A_93 : memref<128xi32, #tpu.memory_space<vmem>>) semaphore(%run_scoped3A : memref<!tpu.dma_semaphore, #tpu.memory_space<semaphore_mem>>) {add = true}
        %dma_wait3A_97 = arith.constant 0 : i32
        %dma_wait3A_98 = tpu.memref_slice %arg7[%mul3A_63, %dma_wait3A_97] : memref<40x128xi32, #tpu.memory_space<vmem>> -> memref<1x128xi32, #tpu.memory_space<vmem>>
        %dma_wait3A_99 = tpu.memref_squeeze %dma_wait3A_98 : memref<1x128xi32, #tpu.memory_space<vmem>> -> memref<128xi32, #tpu.memory_space<vmem>>
        %dma_wait3A_100 = arith.constant 0 : i32
        %dma_wait3A_101 = arith.constant 0 : i32
        %dma_wait3A_102 = tpu.memref_slice %arg10[%dma_wait3A_100, %dma_wait3A_101] : memref<10240x128xf32, #tpu.memory_space<vmem_shared>> -> memref<10240x128xf32, #tpu.memory_space<vmem_shared>>
        tpu.wait_indirect_dma semaphore(%run_scoped3A : memref<!tpu.dma_semaphore, #tpu.memory_space<semaphore_mem>>) src(%arg8 : memref<128x128xf32, #tpu.memory_space<vmem>>) dst(%dma_wait3A_102 : memref<10240x128xf32, #tpu.memory_space<vmem_shared>>)
        tpu.yield
      }) : () -> ()
      %dma_wait3A_82 = arith.constant 0 : i32
      %dma_wait3A_83 = tpu.memref_slice %arg6[%add3A_75, %dma_wait3A_82] : memref<40x128xi32, #tpu.memory_space<vmem>> -> memref<1x128xi32, #tpu.memory_space<vmem>>
      %dma_wait3A_84 = tpu.memref_squeeze %dma_wait3A_83 : memref<1x128xi32, #tpu.memory_space<vmem>> -> memref<128xi32, #tpu.memory_space<vmem>>
      %dma_wait3A_85 = arith.constant 0 : i32
      %dma_wait3A_86 = arith.constant 0 : i32
      %dma_wait3A_87 = tpu.memref_slice %arg2[%dma_wait3A_85, %dma_wait3A_86] : memref<10240x128xf32, #tpu.memory_space<hbm>> -> memref<10240x128xf32, #tpu.memory_space<hbm>>
      tpu.wait_indirect_dma semaphore(%arg12 : memref<!tpu.dma_semaphore, #tpu.memory_space<semaphore_mem>>) src(%dma_wait3A_87 : memref<10240x128xf32, #tpu.memory_space<hbm>>) dst(%arg9 : memref<128x128xf32, #tpu.memory_space<vmem>>)
      %add3A_88 = arith.constant 1 : i32
      %add3A_89 = arith.addi %mul3A_63, %add3A_88 : i32
      "tpu.region"() ({
        %run_scoped3A = tpu.sem_alloc : memref<!tpu.dma_semaphore, #tpu.memory_space<semaphore_mem>>
        %dma_start3A_91 = arith.constant 0 : i32
        %dma_start3A_92 = tpu.memref_slice %arg7[%add3A_89, %dma_start3A_91] : memref<40x128xi32, #tpu.memory_space<vmem>> -> memref<1x128xi32, #tpu.memory_space<vmem>>
        %dma_start3A_93 = tpu.memref_squeeze %dma_start3A_92 : memref<1x128xi32, #tpu.memory_space<vmem>> -> memref<128xi32, #tpu.memory_space<vmem>>
        %dma_start3A_94 = arith.constant 0 : i32
        %dma_start3A_95 = arith.constant 0 : i32
        %dma_start3A_96 = tpu.memref_slice %arg10[%dma_start3A_94, %dma_start3A_95] : memref<10240x128xf32, #tpu.memory_space<vmem_shared>> -> memref<10240x128xf32, #tpu.memory_space<vmem_shared>>
        tpu.enqueue_indirect_dma source(%arg9 : memref<128x128xf32, #tpu.memory_space<vmem>>) target(%dma_start3A_96 : memref<10240x128xf32, #tpu.memory_space<vmem_shared>>) offsets(%dma_start3A_93 : memref<128xi32, #tpu.memory_space<vmem>>) semaphore(%run_scoped3A : memref<!tpu.dma_semaphore, #tpu.memory_space<semaphore_mem>>) {add = true}
        %dma_wait3A_97 = arith.constant 0 : i32
        %dma_wait3A_98 = tpu.memref_slice %arg7[%add3A_89, %dma_wait3A_97] : memref<40x128xi32, #tpu.memory_space<vmem>> -> memref<1x128xi32, #tpu.memory_space<vmem>>
        %dma_wait3A_99 = tpu.memref_squeeze %dma_wait3A_98 : memref<1x128xi32, #tpu.memory_space<vmem>> -> memref<128xi32, #tpu.memory_space<vmem>>
        %dma_wait3A_100 = arith.constant 0 : i32
        %dma_wait3A_101 = arith.constant 0 : i32
        %dma_wait3A_102 = tpu.memref_slice %arg10[%dma_wait3A_100, %dma_wait3A_101] : memref<10240x128xf32, #tpu.memory_space<vmem_shared>> -> memref<10240x128xf32, #tpu.memory_space<vmem_shared>>
        tpu.wait_indirect_dma semaphore(%run_scoped3A : memref<!tpu.dma_semaphore, #tpu.memory_space<semaphore_mem>>) src(%arg9 : memref<128x128xf32, #tpu.memory_space<vmem>>) dst(%dma_wait3A_102 : memref<10240x128xf32, #tpu.memory_space<vmem_shared>>)
        tpu.yield
      }) : () -> ()
      %scan3A_90 = arith.constant 0 : i32
      scf.yield %scan3A_90 : i32
    }
    %scan3A_21 = arith.constant 20 : i32
    %mul3A_22 = arith.constant 160 : i32
    %mul3A_23 = arith.muli %arg1, %mul3A_22 : i32
    %add3A_24 = arith.constant 40 : i32
    %add3A_25 = arith.addi %mul3A_23, %add3A_24 : i32
    "tpu.region"() ({
      %run_scoped3A = tpu.sem_alloc : memref<!tpu.dma_semaphore, #tpu.memory_space<semaphore_mem>>
      %dma_start3A = arith.constant 0 : i32
      %dma_start3A_60 = tpu.memref_slice %arg3[%add3A_25, %dma_start3A] : memref<2560x128xi32, #tpu.memory_space<hbm>> -> memref<40x128xi32, #tpu.memory_space<hbm>>
      %dma_start3A_61 = arith.constant 0 : i32
      %dma_start3A_62 = tpu.memref_slice %arg3[%add3A_25, %dma_start3A_61] : memref<2560x128xi32, #tpu.memory_space<hbm>> -> memref<40x128xi32, #tpu.memory_space<hbm>>
      tpu.enqueue_dma source(%dma_start3A_62 : memref<40x128xi32, #tpu.memory_space<hbm>>) target(%arg6 : memref<40x128xi32, #tpu.memory_space<vmem>>) target_semaphore(%run_scoped3A : memref<!tpu.dma_semaphore, #tpu.memory_space<semaphore_mem>>)
      %dma_wait3A = arith.constant 0 : i32
      %dma_wait3A_63 = tpu.memref_slice %arg3[%add3A_25, %dma_wait3A] : memref<2560x128xi32, #tpu.memory_space<hbm>> -> memref<40x128xi32, #tpu.memory_space<hbm>>
      %dma_wait3A_64 = arith.constant 0 : i32
      %dma_wait3A_65 = tpu.memref_slice %arg3[%add3A_25, %dma_wait3A_64] : memref<2560x128xi32, #tpu.memory_space<hbm>> -> memref<40x128xi32, #tpu.memory_space<hbm>>
      tpu.wait_dma2 semaphore(%run_scoped3A : memref<!tpu.dma_semaphore, #tpu.memory_space<semaphore_mem>>) src(%dma_wait3A_65 : memref<40x128xi32, #tpu.memory_space<hbm>>) dst(%arg6 : memref<40x128xi32, #tpu.memory_space<vmem>>)
      tpu.yield
    }) : () -> ()
    "tpu.region"() ({
      %run_scoped3A = tpu.sem_alloc : memref<!tpu.dma_semaphore, #tpu.memory_space<semaphore_mem>>
      %dma_start3A = arith.constant 0 : i32
      %dma_start3A_60 = tpu.memref_slice %arg4[%add3A_25, %dma_start3A] : memref<2560x128xi32, #tpu.memory_space<hbm>> -> memref<40x128xi32, #tpu.memory_space<hbm>>
      %dma_start3A_61 = arith.constant 0 : i32
      %dma_start3A_62 = tpu.memref_slice %arg4[%add3A_25, %dma_start3A_61] : memref<2560x128xi32, #tpu.memory_space<hbm>> -> memref<40x128xi32, #tpu.memory_space<hbm>>
      tpu.enqueue_dma source(%dma_start3A_62 : memref<40x128xi32, #tpu.memory_space<hbm>>) target(%arg7 : memref<40x128xi32, #tpu.memory_space<vmem>>) target_semaphore(%run_scoped3A : memref<!tpu.dma_semaphore, #tpu.memory_space<semaphore_mem>>)
      %dma_wait3A = arith.constant 0 : i32
      %dma_wait3A_63 = tpu.memref_slice %arg4[%add3A_25, %dma_wait3A] : memref<2560x128xi32, #tpu.memory_space<hbm>> -> memref<40x128xi32, #tpu.memory_space<hbm>>
      %dma_wait3A_64 = arith.constant 0 : i32
      %dma_wait3A_65 = tpu.memref_slice %arg4[%add3A_25, %dma_wait3A_64] : memref<2560x128xi32, #tpu.memory_space<hbm>> -> memref<40x128xi32, #tpu.memory_space<hbm>>
      tpu.wait_dma2 semaphore(%run_scoped3A : memref<!tpu.dma_semaphore, #tpu.memory_space<semaphore_mem>>) src(%dma_wait3A_65 : memref<40x128xi32, #tpu.memory_space<hbm>>) dst(%arg7 : memref<40x128xi32, #tpu.memory_space<vmem>>)
      tpu.yield
    }) : () -> ()
    %scan3A_26 = arith.constant 0 : i32
    %scan3A_27 = arith.constant 0 : i32
    %scan3A_28 = arith.constant 20 : i32
    %scan3A_29 = arith.addi %scan3A_27, %scan3A_28 : i32
    %scan3A_30 = arith.constant 1 : i32
    %scan3A_31 = scf.for %scan3A_60 = %scan3A_27 to %scan3A_29 step %scan3A_30 iter_args(%scan3A_61 = %scan3A_26) -> (i32)  : i32 {
      %mul3A_62 = arith.constant 2 : i32
      %mul3A_63 = arith.muli %scan3A_60, %mul3A_62 : i32
      %dma_start3A = arith.constant 0 : i32
      %dma_start3A_64 = tpu.memref_slice %arg6[%mul3A_63, %dma_start3A] : memref<40x128xi32, #tpu.memory_space<vmem>> -> memref<1x128xi32, #tpu.memory_space<vmem>>
      %dma_start3A_65 = tpu.memref_squeeze %dma_start3A_64 : memref<1x128xi32, #tpu.memory_space<vmem>> -> memref<128xi32, #tpu.memory_space<vmem>>
      %dma_start3A_66 = arith.constant 0 : i32
      %dma_start3A_67 = arith.constant 0 : i32
      %dma_start3A_68 = tpu.memref_slice %arg2[%dma_start3A_66, %dma_start3A_67] : memref<10240x128xf32, #tpu.memory_space<hbm>> -> memref<10240x128xf32, #tpu.memory_space<hbm>>
      tpu.enqueue_indirect_dma source(%dma_start3A_68 : memref<10240x128xf32, #tpu.memory_space<hbm>>) target(%arg8 : memref<128x128xf32, #tpu.memory_space<vmem>>) offsets(%dma_start3A_65 : memref<128xi32, #tpu.memory_space<vmem>>) semaphore(%arg11 : memref<!tpu.dma_semaphore, #tpu.memory_space<semaphore_mem>>)
      %dma_wait3A = arith.constant 0 : i32
      %dma_wait3A_69 = tpu.memref_slice %arg6[%mul3A_63, %dma_wait3A] : memref<40x128xi32, #tpu.memory_space<vmem>> -> memref<1x128xi32, #tpu.memory_space<vmem>>
      %dma_wait3A_70 = tpu.memref_squeeze %dma_wait3A_69 : memref<1x128xi32, #tpu.memory_space<vmem>> -> memref<128xi32, #tpu.memory_space<vmem>>
      %dma_wait3A_71 = arith.constant 0 : i32
      %dma_wait3A_72 = arith.constant 0 : i32
      %dma_wait3A_73 = tpu.memref_slice %arg2[%dma_wait3A_71, %dma_wait3A_72] : memref<10240x128xf32, #tpu.memory_space<hbm>> -> memref<10240x128xf32, #tpu.memory_space<hbm>>
      tpu.wait_indirect_dma semaphore(%arg11 : memref<!tpu.dma_semaphore, #tpu.memory_space<semaphore_mem>>) src(%dma_wait3A_73 : memref<10240x128xf32, #tpu.memory_space<hbm>>) dst(%arg8 : memref<128x128xf32, #tpu.memory_space<vmem>>)
      %add3A_74 = arith.constant 1 : i32
      %add3A_75 = arith.addi %mul3A_63, %add3A_74 : i32
      %dma_start3A_76 = arith.constant 0 : i32
      %dma_start3A_77 = tpu.memref_slice %arg6[%add3A_75, %dma_start3A_76] : memref<40x128xi32, #tpu.memory_space<vmem>> -> memref<1x128xi32, #tpu.memory_space<vmem>>
      %dma_start3A_78 = tpu.memref_squeeze %dma_start3A_77 : memref<1x128xi32, #tpu.memory_space<vmem>> -> memref<128xi32, #tpu.memory_space<vmem>>
      %dma_start3A_79 = arith.constant 0 : i32
      %dma_start3A_80 = arith.constant 0 : i32
      %dma_start3A_81 = tpu.memref_slice %arg2[%dma_start3A_79, %dma_start3A_80] : memref<10240x128xf32, #tpu.memory_space<hbm>> -> memref<10240x128xf32, #tpu.memory_space<hbm>>
      tpu.enqueue_indirect_dma source(%dma_start3A_81 : memref<10240x128xf32, #tpu.memory_space<hbm>>) target(%arg9 : memref<128x128xf32, #tpu.memory_space<vmem>>) offsets(%dma_start3A_78 : memref<128xi32, #tpu.memory_space<vmem>>) semaphore(%arg12 : memref<!tpu.dma_semaphore, #tpu.memory_space<semaphore_mem>>)
      "tpu.region"() ({
        %run_scoped3A = tpu.sem_alloc : memref<!tpu.dma_semaphore, #tpu.memory_space<semaphore_mem>>
        %dma_start3A_91 = arith.constant 0 : i32
        %dma_start3A_92 = tpu.memref_slice %arg7[%mul3A_63, %dma_start3A_91] : memref<40x128xi32, #tpu.memory_space<vmem>> -> memref<1x128xi32, #tpu.memory_space<vmem>>
        %dma_start3A_93 = tpu.memref_squeeze %dma_start3A_92 : memref<1x128xi32, #tpu.memory_space<vmem>> -> memref<128xi32, #tpu.memory_space<vmem>>
        %dma_start3A_94 = arith.constant 0 : i32
        %dma_start3A_95 = arith.constant 0 : i32
        %dma_start3A_96 = tpu.memref_slice %arg10[%dma_start3A_94, %dma_start3A_95] : memref<10240x128xf32, #tpu.memory_space<vmem_shared>> -> memref<10240x128xf32, #tpu.memory_space<vmem_shared>>
        tpu.enqueue_indirect_dma source(%arg8 : memref<128x128xf32, #tpu.memory_space<vmem>>) target(%dma_start3A_96 : memref<10240x128xf32, #tpu.memory_space<vmem_shared>>) offsets(%dma_start3A_93 : memref<128xi32, #tpu.memory_space<vmem>>) semaphore(%run_scoped3A : memref<!tpu.dma_semaphore, #tpu.memory_space<semaphore_mem>>) {add = true}
        %dma_wait3A_97 = arith.constant 0 : i32
        %dma_wait3A_98 = tpu.memref_slice %arg7[%mul3A_63, %dma_wait3A_97] : memref<40x128xi32, #tpu.memory_space<vmem>> -> memref<1x128xi32, #tpu.memory_space<vmem>>
        %dma_wait3A_99 = tpu.memref_squeeze %dma_wait3A_98 : memref<1x128xi32, #tpu.memory_space<vmem>> -> memref<128xi32, #tpu.memory_space<vmem>>
        %dma_wait3A_100 = arith.constant 0 : i32
        %dma_wait3A_101 = arith.constant 0 : i32
        %dma_wait3A_102 = tpu.memref_slice %arg10[%dma_wait3A_100, %dma_wait3A_101] : memref<10240x128xf32, #tpu.memory_space<vmem_shared>> -> memref<10240x128xf32, #tpu.memory_space<vmem_shared>>
        tpu.wait_indirect_dma semaphore(%run_scoped3A : memref<!tpu.dma_semaphore, #tpu.memory_space<semaphore_mem>>) src(%arg8 : memref<128x128xf32, #tpu.memory_space<vmem>>) dst(%dma_wait3A_102 : memref<10240x128xf32, #tpu.memory_space<vmem_shared>>)
        tpu.yield
      }) : () -> ()
      %dma_wait3A_82 = arith.constant 0 : i32
      %dma_wait3A_83 = tpu.memref_slice %arg6[%add3A_75, %dma_wait3A_82] : memref<40x128xi32, #tpu.memory_space<vmem>> -> memref<1x128xi32, #tpu.memory_space<vmem>>
      %dma_wait3A_84 = tpu.memref_squeeze %dma_wait3A_83 : memref<1x128xi32, #tpu.memory_space<vmem>> -> memref<128xi32, #tpu.memory_space<vmem>>
      %dma_wait3A_85 = arith.constant 0 : i32
      %dma_wait3A_86 = arith.constant 0 : i32
      %dma_wait3A_87 = tpu.memref_slice %arg2[%dma_wait3A_85, %dma_wait3A_86] : memref<10240x128xf32, #tpu.memory_space<hbm>> -> memref<10240x128xf32, #tpu.memory_space<hbm>>
      tpu.wait_indirect_dma semaphore(%arg12 : memref<!tpu.dma_semaphore, #tpu.memory_space<semaphore_mem>>) src(%dma_wait3A_87 : memref<10240x128xf32, #tpu.memory_space<hbm>>) dst(%arg9 : memref<128x128xf32, #tpu.memory_space<vmem>>)
      %add3A_88 = arith.constant 1 : i32
      %add3A_89 = arith.addi %mul3A_63, %add3A_88 : i32
      "tpu.region"() ({
        %run_scoped3A = tpu.sem_alloc : memref<!tpu.dma_semaphore, #tpu.memory_space<semaphore_mem>>
        %dma_start3A_91 = arith.constant 0 : i32
        %dma_start3A_92 = tpu.memref_slice %arg7[%add3A_89, %dma_start3A_91] : memref<40x128xi32, #tpu.memory_space<vmem>> -> memref<1x128xi32, #tpu.memory_space<vmem>>
        %dma_start3A_93 = tpu.memref_squeeze %dma_start3A_92 : memref<1x128xi32, #tpu.memory_space<vmem>> -> memref<128xi32, #tpu.memory_space<vmem>>
        %dma_start3A_94 = arith.constant 0 : i32
        %dma_start3A_95 = arith.constant 0 : i32
        %dma_start3A_96 = tpu.memref_slice %arg10[%dma_start3A_94, %dma_start3A_95] : memref<10240x128xf32, #tpu.memory_space<vmem_shared>> -> memref<10240x128xf32, #tpu.memory_space<vmem_shared>>
        tpu.enqueue_indirect_dma source(%arg9 : memref<128x128xf32, #tpu.memory_space<vmem>>) target(%dma_start3A_96 : memref<10240x128xf32, #tpu.memory_space<vmem_shared>>) offsets(%dma_start3A_93 : memref<128xi32, #tpu.memory_space<vmem>>) semaphore(%run_scoped3A : memref<!tpu.dma_semaphore, #tpu.memory_space<semaphore_mem>>) {add = true}
        %dma_wait3A_97 = arith.constant 0 : i32
        %dma_wait3A_98 = tpu.memref_slice %arg7[%add3A_89, %dma_wait3A_97] : memref<40x128xi32, #tpu.memory_space<vmem>> -> memref<1x128xi32, #tpu.memory_space<vmem>>
        %dma_wait3A_99 = tpu.memref_squeeze %dma_wait3A_98 : memref<1x128xi32, #tpu.memory_space<vmem>> -> memref<128xi32, #tpu.memory_space<vmem>>
        %dma_wait3A_100 = arith.constant 0 : i32
        %dma_wait3A_101 = arith.constant 0 : i32
        %dma_wait3A_102 = tpu.memref_slice %arg10[%dma_wait3A_100, %dma_wait3A_101] : memref<10240x128xf32, #tpu.memory_space<vmem_shared>> -> memref<10240x128xf32, #tpu.memory_space<vmem_shared>>
        tpu.wait_indirect_dma semaphore(%run_scoped3A : memref<!tpu.dma_semaphore, #tpu.memory_space<semaphore_mem>>) src(%arg9 : memref<128x128xf32, #tpu.memory_space<vmem>>) dst(%dma_wait3A_102 : memref<10240x128xf32, #tpu.memory_space<vmem_shared>>)
        tpu.yield
      }) : () -> ()
      %scan3A_90 = arith.constant 0 : i32
      scf.yield %scan3A_90 : i32
    }
    %scan3A_32 = arith.constant 20 : i32
    %mul3A_33 = arith.constant 160 : i32
    %mul3A_34 = arith.muli %arg1, %mul3A_33 : i32
    %add3A_35 = arith.constant 80 : i32
    %add3A_36 = arith.addi %mul3A_34, %add3A_35 : i32
    "tpu.region"() ({
      %run_scoped3A = tpu.sem_alloc : memref<!tpu.dma_semaphore, #tpu.memory_space<semaphore_mem>>
      %dma_start3A = arith.constant 0 : i32
      %dma_start3A_60 = tpu.memref_slice %arg3[%add3A_36, %dma_start3A] : memref<2560x128xi32, #tpu.memory_space<hbm>> -> memref<40x128xi32, #tpu.memory_space<hbm>>
      %dma_start3A_61 = arith.constant 0 : i32
      %dma_start3A_62 = tpu.memref_slice %arg3[%add3A_36, %dma_start3A_61] : memref<2560x128xi32, #tpu.memory_space<hbm>> -> memref<40x128xi32, #tpu.memory_space<hbm>>
      tpu.enqueue_dma source(%dma_start3A_62 : memref<40x128xi32, #tpu.memory_space<hbm>>) target(%arg6 : memref<40x128xi32, #tpu.memory_space<vmem>>) target_semaphore(%run_scoped3A : memref<!tpu.dma_semaphore, #tpu.memory_space<semaphore_mem>>)
      %dma_wait3A = arith.constant 0 : i32
      %dma_wait3A_63 = tpu.memref_slice %arg3[%add3A_36, %dma_wait3A] : memref<2560x128xi32, #tpu.memory_space<hbm>> -> memref<40x128xi32, #tpu.memory_space<hbm>>
      %dma_wait3A_64 = arith.constant 0 : i32
      %dma_wait3A_65 = tpu.memref_slice %arg3[%add3A_36, %dma_wait3A_64] : memref<2560x128xi32, #tpu.memory_space<hbm>> -> memref<40x128xi32, #tpu.memory_space<hbm>>
      tpu.wait_dma2 semaphore(%run_scoped3A : memref<!tpu.dma_semaphore, #tpu.memory_space<semaphore_mem>>) src(%dma_wait3A_65 : memref<40x128xi32, #tpu.memory_space<hbm>>) dst(%arg6 : memref<40x128xi32, #tpu.memory_space<vmem>>)
      tpu.yield
    }) : () -> ()
    "tpu.region"() ({
      %run_scoped3A = tpu.sem_alloc : memref<!tpu.dma_semaphore, #tpu.memory_space<semaphore_mem>>
      %dma_start3A = arith.constant 0 : i32
      %dma_start3A_60 = tpu.memref_slice %arg4[%add3A_36, %dma_start3A] : memref<2560x128xi32, #tpu.memory_space<hbm>> -> memref<40x128xi32, #tpu.memory_space<hbm>>
      %dma_start3A_61 = arith.constant 0 : i32
      %dma_start3A_62 = tpu.memref_slice %arg4[%add3A_36, %dma_start3A_61] : memref<2560x128xi32, #tpu.memory_space<hbm>> -> memref<40x128xi32, #tpu.memory_space<hbm>>
      tpu.enqueue_dma source(%dma_start3A_62 : memref<40x128xi32, #tpu.memory_space<hbm>>) target(%arg7 : memref<40x128xi32, #tpu.memory_space<vmem>>) target_semaphore(%run_scoped3A : memref<!tpu.dma_semaphore, #tpu.memory_space<semaphore_mem>>)
      %dma_wait3A = arith.constant 0 : i32
      %dma_wait3A_63 = tpu.memref_slice %arg4[%add3A_36, %dma_wait3A] : memref<2560x128xi32, #tpu.memory_space<hbm>> -> memref<40x128xi32, #tpu.memory_space<hbm>>
      %dma_wait3A_64 = arith.constant 0 : i32
      %dma_wait3A_65 = tpu.memref_slice %arg4[%add3A_36, %dma_wait3A_64] : memref<2560x128xi32, #tpu.memory_space<hbm>> -> memref<40x128xi32, #tpu.memory_space<hbm>>
      tpu.wait_dma2 semaphore(%run_scoped3A : memref<!tpu.dma_semaphore, #tpu.memory_space<semaphore_mem>>) src(%dma_wait3A_65 : memref<40x128xi32, #tpu.memory_space<hbm>>) dst(%arg7 : memref<40x128xi32, #tpu.memory_space<vmem>>)
      tpu.yield
    }) : () -> ()
    %scan3A_37 = arith.constant 0 : i32
    %scan3A_38 = arith.constant 0 : i32
    %scan3A_39 = arith.constant 20 : i32
    %scan3A_40 = arith.addi %scan3A_38, %scan3A_39 : i32
    %scan3A_41 = arith.constant 1 : i32
    %scan3A_42 = scf.for %scan3A_60 = %scan3A_38 to %scan3A_40 step %scan3A_41 iter_args(%scan3A_61 = %scan3A_37) -> (i32)  : i32 {
      %mul3A_62 = arith.constant 2 : i32
      %mul3A_63 = arith.muli %scan3A_60, %mul3A_62 : i32
      %dma_start3A = arith.constant 0 : i32
      %dma_start3A_64 = tpu.memref_slice %arg6[%mul3A_63, %dma_start3A] : memref<40x128xi32, #tpu.memory_space<vmem>> -> memref<1x128xi32, #tpu.memory_space<vmem>>
      %dma_start3A_65 = tpu.memref_squeeze %dma_start3A_64 : memref<1x128xi32, #tpu.memory_space<vmem>> -> memref<128xi32, #tpu.memory_space<vmem>>
      %dma_start3A_66 = arith.constant 0 : i32
      %dma_start3A_67 = arith.constant 0 : i32
      %dma_start3A_68 = tpu.memref_slice %arg2[%dma_start3A_66, %dma_start3A_67] : memref<10240x128xf32, #tpu.memory_space<hbm>> -> memref<10240x128xf32, #tpu.memory_space<hbm>>
      tpu.enqueue_indirect_dma source(%dma_start3A_68 : memref<10240x128xf32, #tpu.memory_space<hbm>>) target(%arg8 : memref<128x128xf32, #tpu.memory_space<vmem>>) offsets(%dma_start3A_65 : memref<128xi32, #tpu.memory_space<vmem>>) semaphore(%arg11 : memref<!tpu.dma_semaphore, #tpu.memory_space<semaphore_mem>>)
      %dma_wait3A = arith.constant 0 : i32
      %dma_wait3A_69 = tpu.memref_slice %arg6[%mul3A_63, %dma_wait3A] : memref<40x128xi32, #tpu.memory_space<vmem>> -> memref<1x128xi32, #tpu.memory_space<vmem>>
      %dma_wait3A_70 = tpu.memref_squeeze %dma_wait3A_69 : memref<1x128xi32, #tpu.memory_space<vmem>> -> memref<128xi32, #tpu.memory_space<vmem>>
      %dma_wait3A_71 = arith.constant 0 : i32
      %dma_wait3A_72 = arith.constant 0 : i32
      %dma_wait3A_73 = tpu.memref_slice %arg2[%dma_wait3A_71, %dma_wait3A_72] : memref<10240x128xf32, #tpu.memory_space<hbm>> -> memref<10240x128xf32, #tpu.memory_space<hbm>>
      tpu.wait_indirect_dma semaphore(%arg11 : memref<!tpu.dma_semaphore, #tpu.memory_space<semaphore_mem>>) src(%dma_wait3A_73 : memref<10240x128xf32, #tpu.memory_space<hbm>>) dst(%arg8 : memref<128x128xf32, #tpu.memory_space<vmem>>)
      %add3A_74 = arith.constant 1 : i32
      %add3A_75 = arith.addi %mul3A_63, %add3A_74 : i32
      %dma_start3A_76 = arith.constant 0 : i32
      %dma_start3A_77 = tpu.memref_slice %arg6[%add3A_75, %dma_start3A_76] : memref<40x128xi32, #tpu.memory_space<vmem>> -> memref<1x128xi32, #tpu.memory_space<vmem>>
      %dma_start3A_78 = tpu.memref_squeeze %dma_start3A_77 : memref<1x128xi32, #tpu.memory_space<vmem>> -> memref<128xi32, #tpu.memory_space<vmem>>
      %dma_start3A_79 = arith.constant 0 : i32
      %dma_start3A_80 = arith.constant 0 : i32
      %dma_start3A_81 = tpu.memref_slice %arg2[%dma_start3A_79, %dma_start3A_80] : memref<10240x128xf32, #tpu.memory_space<hbm>> -> memref<10240x128xf32, #tpu.memory_space<hbm>>
      tpu.enqueue_indirect_dma source(%dma_start3A_81 : memref<10240x128xf32, #tpu.memory_space<hbm>>) target(%arg9 : memref<128x128xf32, #tpu.memory_space<vmem>>) offsets(%dma_start3A_78 : memref<128xi32, #tpu.memory_space<vmem>>) semaphore(%arg12 : memref<!tpu.dma_semaphore, #tpu.memory_space<semaphore_mem>>)
      "tpu.region"() ({
        %run_scoped3A = tpu.sem_alloc : memref<!tpu.dma_semaphore, #tpu.memory_space<semaphore_mem>>
        %dma_start3A_91 = arith.constant 0 : i32
        %dma_start3A_92 = tpu.memref_slice %arg7[%mul3A_63, %dma_start3A_91] : memref<40x128xi32, #tpu.memory_space<vmem>> -> memref<1x128xi32, #tpu.memory_space<vmem>>
        %dma_start3A_93 = tpu.memref_squeeze %dma_start3A_92 : memref<1x128xi32, #tpu.memory_space<vmem>> -> memref<128xi32, #tpu.memory_space<vmem>>
        %dma_start3A_94 = arith.constant 0 : i32
        %dma_start3A_95 = arith.constant 0 : i32
        %dma_start3A_96 = tpu.memref_slice %arg10[%dma_start3A_94, %dma_start3A_95] : memref<10240x128xf32, #tpu.memory_space<vmem_shared>> -> memref<10240x128xf32, #tpu.memory_space<vmem_shared>>
        tpu.enqueue_indirect_dma source(%arg8 : memref<128x128xf32, #tpu.memory_space<vmem>>) target(%dma_start3A_96 : memref<10240x128xf32, #tpu.memory_space<vmem_shared>>) offsets(%dma_start3A_93 : memref<128xi32, #tpu.memory_space<vmem>>) semaphore(%run_scoped3A : memref<!tpu.dma_semaphore, #tpu.memory_space<semaphore_mem>>) {add = true}
        %dma_wait3A_97 = arith.constant 0 : i32
        %dma_wait3A_98 = tpu.memref_slice %arg7[%mul3A_63, %dma_wait3A_97] : memref<40x128xi32, #tpu.memory_space<vmem>> -> memref<1x128xi32, #tpu.memory_space<vmem>>
        %dma_wait3A_99 = tpu.memref_squeeze %dma_wait3A_98 : memref<1x128xi32, #tpu.memory_space<vmem>> -> memref<128xi32, #tpu.memory_space<vmem>>
        %dma_wait3A_100 = arith.constant 0 : i32
        %dma_wait3A_101 = arith.constant 0 : i32
        %dma_wait3A_102 = tpu.memref_slice %arg10[%dma_wait3A_100, %dma_wait3A_101] : memref<10240x128xf32, #tpu.memory_space<vmem_shared>> -> memref<10240x128xf32, #tpu.memory_space<vmem_shared>>
        tpu.wait_indirect_dma semaphore(%run_scoped3A : memref<!tpu.dma_semaphore, #tpu.memory_space<semaphore_mem>>) src(%arg8 : memref<128x128xf32, #tpu.memory_space<vmem>>) dst(%dma_wait3A_102 : memref<10240x128xf32, #tpu.memory_space<vmem_shared>>)
        tpu.yield
      }) : () -> ()
      %dma_wait3A_82 = arith.constant 0 : i32
      %dma_wait3A_83 = tpu.memref_slice %arg6[%add3A_75, %dma_wait3A_82] : memref<40x128xi32, #tpu.memory_space<vmem>> -> memref<1x128xi32, #tpu.memory_space<vmem>>
      %dma_wait3A_84 = tpu.memref_squeeze %dma_wait3A_83 : memref<1x128xi32, #tpu.memory_space<vmem>> -> memref<128xi32, #tpu.memory_space<vmem>>
      %dma_wait3A_85 = arith.constant 0 : i32
      %dma_wait3A_86 = arith.constant 0 : i32
      %dma_wait3A_87 = tpu.memref_slice %arg2[%dma_wait3A_85, %dma_wait3A_86] : memref<10240x128xf32, #tpu.memory_space<hbm>> -> memref<10240x128xf32, #tpu.memory_space<hbm>>
      tpu.wait_indirect_dma semaphore(%arg12 : memref<!tpu.dma_semaphore, #tpu.memory_space<semaphore_mem>>) src(%dma_wait3A_87 : memref<10240x128xf32, #tpu.memory_space<hbm>>) dst(%arg9 : memref<128x128xf32, #tpu.memory_space<vmem>>)
      %add3A_88 = arith.constant 1 : i32
      %add3A_89 = arith.addi %mul3A_63, %add3A_88 : i32
      "tpu.region"() ({
        %run_scoped3A = tpu.sem_alloc : memref<!tpu.dma_semaphore, #tpu.memory_space<semaphore_mem>>
        %dma_start3A_91 = arith.constant 0 : i32
        %dma_start3A_92 = tpu.memref_slice %arg7[%add3A_89, %dma_start3A_91] : memref<40x128xi32, #tpu.memory_space<vmem>> -> memref<1x128xi32, #tpu.memory_space<vmem>>
        %dma_start3A_93 = tpu.memref_squeeze %dma_start3A_92 : memref<1x128xi32, #tpu.memory_space<vmem>> -> memref<128xi32, #tpu.memory_space<vmem>>
        %dma_start3A_94 = arith.constant 0 : i32
        %dma_start3A_95 = arith.constant 0 : i32
        %dma_start3A_96 = tpu.memref_slice %arg10[%dma_start3A_94, %dma_start3A_95] : memref<10240x128xf32, #tpu.memory_space<vmem_shared>> -> memref<10240x128xf32, #tpu.memory_space<vmem_shared>>
        tpu.enqueue_indirect_dma source(%arg9 : memref<128x128xf32, #tpu.memory_space<vmem>>) target(%dma_start3A_96 : memref<10240x128xf32, #tpu.memory_space<vmem_shared>>) offsets(%dma_start3A_93 : memref<128xi32, #tpu.memory_space<vmem>>) semaphore(%run_scoped3A : memref<!tpu.dma_semaphore, #tpu.memory_space<semaphore_mem>>) {add = true}
        %dma_wait3A_97 = arith.constant 0 : i32
        %dma_wait3A_98 = tpu.memref_slice %arg7[%add3A_89, %dma_wait3A_97] : memref<40x128xi32, #tpu.memory_space<vmem>> -> memref<1x128xi32, #tpu.memory_space<vmem>>
        %dma_wait3A_99 = tpu.memref_squeeze %dma_wait3A_98 : memref<1x128xi32, #tpu.memory_space<vmem>> -> memref<128xi32, #tpu.memory_space<vmem>>
        %dma_wait3A_100 = arith.constant 0 : i32
        %dma_wait3A_101 = arith.constant 0 : i32
        %dma_wait3A_102 = tpu.memref_slice %arg10[%dma_wait3A_100, %dma_wait3A_101] : memref<10240x128xf32, #tpu.memory_space<vmem_shared>> -> memref<10240x128xf32, #tpu.memory_space<vmem_shared>>
        tpu.wait_indirect_dma semaphore(%run_scoped3A : memref<!tpu.dma_semaphore, #tpu.memory_space<semaphore_mem>>) src(%arg9 : memref<128x128xf32, #tpu.memory_space<vmem>>) dst(%dma_wait3A_102 : memref<10240x128xf32, #tpu.memory_space<vmem_shared>>)
        tpu.yield
      }) : () -> ()
      %scan3A_90 = arith.constant 0 : i32
      scf.yield %scan3A_90 : i32
    }
    %scan3A_43 = arith.constant 20 : i32
    %mul3A_44 = arith.constant 160 : i32
    %mul3A_45 = arith.muli %arg1, %mul3A_44 : i32
    %add3A_46 = arith.constant 120 : i32
    %add3A_47 = arith.addi %mul3A_45, %add3A_46 : i32
    "tpu.region"() ({
      %run_scoped3A = tpu.sem_alloc : memref<!tpu.dma_semaphore, #tpu.memory_space<semaphore_mem>>
      %dma_start3A = arith.constant 0 : i32
      %dma_start3A_60 = tpu.memref_slice %arg3[%add3A_47, %dma_start3A] : memref<2560x128xi32, #tpu.memory_space<hbm>> -> memref<40x128xi32, #tpu.memory_space<hbm>>
      %dma_start3A_61 = arith.constant 0 : i32
      %dma_start3A_62 = tpu.memref_slice %arg3[%add3A_47, %dma_start3A_61] : memref<2560x128xi32, #tpu.memory_space<hbm>> -> memref<40x128xi32, #tpu.memory_space<hbm>>
      tpu.enqueue_dma source(%dma_start3A_62 : memref<40x128xi32, #tpu.memory_space<hbm>>) target(%arg6 : memref<40x128xi32, #tpu.memory_space<vmem>>) target_semaphore(%run_scoped3A : memref<!tpu.dma_semaphore, #tpu.memory_space<semaphore_mem>>)
      %dma_wait3A = arith.constant 0 : i32
      %dma_wait3A_63 = tpu.memref_slice %arg3[%add3A_47, %dma_wait3A] : memref<2560x128xi32, #tpu.memory_space<hbm>> -> memref<40x128xi32, #tpu.memory_space<hbm>>
      %dma_wait3A_64 = arith.constant 0 : i32
      %dma_wait3A_65 = tpu.memref_slice %arg3[%add3A_47, %dma_wait3A_64] : memref<2560x128xi32, #tpu.memory_space<hbm>> -> memref<40x128xi32, #tpu.memory_space<hbm>>
      tpu.wait_dma2 semaphore(%run_scoped3A : memref<!tpu.dma_semaphore, #tpu.memory_space<semaphore_mem>>) src(%dma_wait3A_65 : memref<40x128xi32, #tpu.memory_space<hbm>>) dst(%arg6 : memref<40x128xi32, #tpu.memory_space<vmem>>)
      tpu.yield
    }) : () -> ()
    "tpu.region"() ({
      %run_scoped3A = tpu.sem_alloc : memref<!tpu.dma_semaphore, #tpu.memory_space<semaphore_mem>>
      %dma_start3A = arith.constant 0 : i32
      %dma_start3A_60 = tpu.memref_slice %arg4[%add3A_47, %dma_start3A] : memref<2560x128xi32, #tpu.memory_space<hbm>> -> memref<40x128xi32, #tpu.memory_space<hbm>>
      %dma_start3A_61 = arith.constant 0 : i32
      %dma_start3A_62 = tpu.memref_slice %arg4[%add3A_47, %dma_start3A_61] : memref<2560x128xi32, #tpu.memory_space<hbm>> -> memref<40x128xi32, #tpu.memory_space<hbm>>
      tpu.enqueue_dma source(%dma_start3A_62 : memref<40x128xi32, #tpu.memory_space<hbm>>) target(%arg7 : memref<40x128xi32, #tpu.memory_space<vmem>>) target_semaphore(%run_scoped3A : memref<!tpu.dma_semaphore, #tpu.memory_space<semaphore_mem>>)
      %dma_wait3A = arith.constant 0 : i32
      %dma_wait3A_63 = tpu.memref_slice %arg4[%add3A_47, %dma_wait3A] : memref<2560x128xi32, #tpu.memory_space<hbm>> -> memref<40x128xi32, #tpu.memory_space<hbm>>
      %dma_wait3A_64 = arith.constant 0 : i32
      %dma_wait3A_65 = tpu.memref_slice %arg4[%add3A_47, %dma_wait3A_64] : memref<2560x128xi32, #tpu.memory_space<hbm>> -> memref<40x128xi32, #tpu.memory_space<hbm>>
      tpu.wait_dma2 semaphore(%run_scoped3A : memref<!tpu.dma_semaphore, #tpu.memory_space<semaphore_mem>>) src(%dma_wait3A_65 : memref<40x128xi32, #tpu.memory_space<hbm>>) dst(%arg7 : memref<40x128xi32, #tpu.memory_space<vmem>>)
      tpu.yield
    }) : () -> ()
    %scan3A_48 = arith.constant 0 : i32
    %scan3A_49 = arith.constant 0 : i32
    %scan3A_50 = arith.constant 20 : i32
    %scan3A_51 = arith.addi %scan3A_49, %scan3A_50 : i32
    %scan3A_52 = arith.constant 1 : i32
    %scan3A_53 = scf.for %scan3A_60 = %scan3A_49 to %scan3A_51 step %scan3A_52 iter_args(%scan3A_61 = %scan3A_48) -> (i32)  : i32 {
      %mul3A_62 = arith.constant 2 : i32
      %mul3A_63 = arith.muli %scan3A_60, %mul3A_62 : i32
      %dma_start3A = arith.constant 0 : i32
      %dma_start3A_64 = tpu.memref_slice %arg6[%mul3A_63, %dma_start3A] : memref<40x128xi32, #tpu.memory_space<vmem>> -> memref<1x128xi32, #tpu.memory_space<vmem>>
      %dma_start3A_65 = tpu.memref_squeeze %dma_start3A_64 : memref<1x128xi32, #tpu.memory_space<vmem>> -> memref<128xi32, #tpu.memory_space<vmem>>
      %dma_start3A_66 = arith.constant 0 : i32
      %dma_start3A_67 = arith.constant 0 : i32
      %dma_start3A_68 = tpu.memref_slice %arg2[%dma_start3A_66, %dma_start3A_67] : memref<10240x128xf32, #tpu.memory_space<hbm>> -> memref<10240x128xf32, #tpu.memory_space<hbm>>
      tpu.enqueue_indirect_dma source(%dma_start3A_68 : memref<10240x128xf32, #tpu.memory_space<hbm>>) target(%arg8 : memref<128x128xf32, #tpu.memory_space<vmem>>) offsets(%dma_start3A_65 : memref<128xi32, #tpu.memory_space<vmem>>) semaphore(%arg11 : memref<!tpu.dma_semaphore, #tpu.memory_space<semaphore_mem>>)
      %dma_wait3A = arith.constant 0 : i32
      %dma_wait3A_69 = tpu.memref_slice %arg6[%mul3A_63, %dma_wait3A] : memref<40x128xi32, #tpu.memory_space<vmem>> -> memref<1x128xi32, #tpu.memory_space<vmem>>
      %dma_wait3A_70 = tpu.memref_squeeze %dma_wait3A_69 : memref<1x128xi32, #tpu.memory_space<vmem>> -> memref<128xi32, #tpu.memory_space<vmem>>
      %dma_wait3A_71 = arith.constant 0 : i32
      %dma_wait3A_72 = arith.constant 0 : i32
      %dma_wait3A_73 = tpu.memref_slice %arg2[%dma_wait3A_71, %dma_wait3A_72] : memref<10240x128xf32, #tpu.memory_space<hbm>> -> memref<10240x128xf32, #tpu.memory_space<hbm>>
      tpu.wait_indirect_dma semaphore(%arg11 : memref<!tpu.dma_semaphore, #tpu.memory_space<semaphore_mem>>) src(%dma_wait3A_73 : memref<10240x128xf32, #tpu.memory_space<hbm>>) dst(%arg8 : memref<128x128xf32, #tpu.memory_space<vmem>>)
      %add3A_74 = arith.constant 1 : i32
      %add3A_75 = arith.addi %mul3A_63, %add3A_74 : i32
      %dma_start3A_76 = arith.constant 0 : i32
      %dma_start3A_77 = tpu.memref_slice %arg6[%add3A_75, %dma_start3A_76] : memref<40x128xi32, #tpu.memory_space<vmem>> -> memref<1x128xi32, #tpu.memory_space<vmem>>
      %dma_start3A_78 = tpu.memref_squeeze %dma_start3A_77 : memref<1x128xi32, #tpu.memory_space<vmem>> -> memref<128xi32, #tpu.memory_space<vmem>>
      %dma_start3A_79 = arith.constant 0 : i32
      %dma_start3A_80 = arith.constant 0 : i32
      %dma_start3A_81 = tpu.memref_slice %arg2[%dma_start3A_79, %dma_start3A_80] : memref<10240x128xf32, #tpu.memory_space<hbm>> -> memref<10240x128xf32, #tpu.memory_space<hbm>>
      tpu.enqueue_indirect_dma source(%dma_start3A_81 : memref<10240x128xf32, #tpu.memory_space<hbm>>) target(%arg9 : memref<128x128xf32, #tpu.memory_space<vmem>>) offsets(%dma_start3A_78 : memref<128xi32, #tpu.memory_space<vmem>>) semaphore(%arg12 : memref<!tpu.dma_semaphore, #tpu.memory_space<semaphore_mem>>)
      "tpu.region"() ({
        %run_scoped3A = tpu.sem_alloc : memref<!tpu.dma_semaphore, #tpu.memory_space<semaphore_mem>>
        %dma_start3A_91 = arith.constant 0 : i32
        %dma_start3A_92 = tpu.memref_slice %arg7[%mul3A_63, %dma_start3A_91] : memref<40x128xi32, #tpu.memory_space<vmem>> -> memref<1x128xi32, #tpu.memory_space<vmem>>
        %dma_start3A_93 = tpu.memref_squeeze %dma_start3A_92 : memref<1x128xi32, #tpu.memory_space<vmem>> -> memref<128xi32, #tpu.memory_space<vmem>>
        %dma_start3A_94 = arith.constant 0 : i32
        %dma_start3A_95 = arith.constant 0 : i32
        %dma_start3A_96 = tpu.memref_slice %arg10[%dma_start3A_94, %dma_start3A_95] : memref<10240x128xf32, #tpu.memory_space<vmem_shared>> -> memref<10240x128xf32, #tpu.memory_space<vmem_shared>>
        tpu.enqueue_indirect_dma source(%arg8 : memref<128x128xf32, #tpu.memory_space<vmem>>) target(%dma_start3A_96 : memref<10240x128xf32, #tpu.memory_space<vmem_shared>>) offsets(%dma_start3A_93 : memref<128xi32, #tpu.memory_space<vmem>>) semaphore(%run_scoped3A : memref<!tpu.dma_semaphore, #tpu.memory_space<semaphore_mem>>) {add = true}
        %dma_wait3A_97 = arith.constant 0 : i32
        %dma_wait3A_98 = tpu.memref_slice %arg7[%mul3A_63, %dma_wait3A_97] : memref<40x128xi32, #tpu.memory_space<vmem>> -> memref<1x128xi32, #tpu.memory_space<vmem>>
        %dma_wait3A_99 = tpu.memref_squeeze %dma_wait3A_98 : memref<1x128xi32, #tpu.memory_space<vmem>> -> memref<128xi32, #tpu.memory_space<vmem>>
        %dma_wait3A_100 = arith.constant 0 : i32
        %dma_wait3A_101 = arith.constant 0 : i32
        %dma_wait3A_102 = tpu.memref_slice %arg10[%dma_wait3A_100, %dma_wait3A_101] : memref<10240x128xf32, #tpu.memory_space<vmem_shared>> -> memref<10240x128xf32, #tpu.memory_space<vmem_shared>>
        tpu.wait_indirect_dma semaphore(%run_scoped3A : memref<!tpu.dma_semaphore, #tpu.memory_space<semaphore_mem>>) src(%arg8 : memref<128x128xf32, #tpu.memory_space<vmem>>) dst(%dma_wait3A_102 : memref<10240x128xf32, #tpu.memory_space<vmem_shared>>)
        tpu.yield
      }) : () -> ()
      %dma_wait3A_82 = arith.constant 0 : i32
      %dma_wait3A_83 = tpu.memref_slice %arg6[%add3A_75, %dma_wait3A_82] : memref<40x128xi32, #tpu.memory_space<vmem>> -> memref<1x128xi32, #tpu.memory_space<vmem>>
      %dma_wait3A_84 = tpu.memref_squeeze %dma_wait3A_83 : memref<1x128xi32, #tpu.memory_space<vmem>> -> memref<128xi32, #tpu.memory_space<vmem>>
      %dma_wait3A_85 = arith.constant 0 : i32
      %dma_wait3A_86 = arith.constant 0 : i32
      %dma_wait3A_87 = tpu.memref_slice %arg2[%dma_wait3A_85, %dma_wait3A_86] : memref<10240x128xf32, #tpu.memory_space<hbm>> -> memref<10240x128xf32, #tpu.memory_space<hbm>>
      tpu.wait_indirect_dma semaphore(%arg12 : memref<!tpu.dma_semaphore, #tpu.memory_space<semaphore_mem>>) src(%dma_wait3A_87 : memref<10240x128xf32, #tpu.memory_space<hbm>>) dst(%arg9 : memref<128x128xf32, #tpu.memory_space<vmem>>)
      %add3A_88 = arith.constant 1 : i32
      %add3A_89 = arith.addi %mul3A_63, %add3A_88 : i32
      "tpu.region"() ({
        %run_scoped3A = tpu.sem_alloc : memref<!tpu.dma_semaphore, #tpu.memory_space<semaphore_mem>>
        %dma_start3A_91 = arith.constant 0 : i32
        %dma_start3A_92 = tpu.memref_slice %arg7[%add3A_89, %dma_start3A_91] : memref<40x128xi32, #tpu.memory_space<vmem>> -> memref<1x128xi32, #tpu.memory_space<vmem>>
        %dma_start3A_93 = tpu.memref_squeeze %dma_start3A_92 : memref<1x128xi32, #tpu.memory_space<vmem>> -> memref<128xi32, #tpu.memory_space<vmem>>
        %dma_start3A_94 = arith.constant 0 : i32
        %dma_start3A_95 = arith.constant 0 : i32
        %dma_start3A_96 = tpu.memref_slice %arg10[%dma_start3A_94, %dma_start3A_95] : memref<10240x128xf32, #tpu.memory_space<vmem_shared>> -> memref<10240x128xf32, #tpu.memory_space<vmem_shared>>
        tpu.enqueue_indirect_dma source(%arg9 : memref<128x128xf32, #tpu.memory_space<vmem>>) target(%dma_start3A_96 : memref<10240x128xf32, #tpu.memory_space<vmem_shared>>) offsets(%dma_start3A_93 : memref<128xi32, #tpu.memory_space<vmem>>) semaphore(%run_scoped3A : memref<!tpu.dma_semaphore, #tpu.memory_space<semaphore_mem>>) {add = true}
        %dma_wait3A_97 = arith.constant 0 : i32
        %dma_wait3A_98 = tpu.memref_slice %arg7[%add3A_89, %dma_wait3A_97] : memref<40x128xi32, #tpu.memory_space<vmem>> -> memref<1x128xi32, #tpu.memory_space<vmem>>
        %dma_wait3A_99 = tpu.memref_squeeze %dma_wait3A_98 : memref<1x128xi32, #tpu.memory_space<vmem>> -> memref<128xi32, #tpu.memory_space<vmem>>
        %dma_wait3A_100 = arith.constant 0 : i32
        %dma_wait3A_101 = arith.constant 0 : i32
        %dma_wait3A_102 = tpu.memref_slice %arg10[%dma_wait3A_100, %dma_wait3A_101] : memref<10240x128xf32, #tpu.memory_space<vmem_shared>> -> memref<10240x128xf32, #tpu.memory_space<vmem_shared>>
        tpu.wait_indirect_dma semaphore(%run_scoped3A : memref<!tpu.dma_semaphore, #tpu.memory_space<semaphore_mem>>) src(%arg9 : memref<128x128xf32, #tpu.memory_space<vmem>>) dst(%dma_wait3A_102 : memref<10240x128xf32, #tpu.memory_space<vmem_shared>>)
        tpu.yield
      }) : () -> ()
      %scan3A_90 = arith.constant 0 : i32
      scf.yield %scan3A_90 : i32
    }
    %scan3A_54 = arith.constant 20 : i32
    %barrier3A_55 = arith.constant 0 : index
    tpu.barrier barrier_id(%barrier3A_55)
    %mul3A_56 = arith.constant 640 : i32
    %mul3A_57 = arith.muli %arg1, %mul3A_56 : i32
    %mul3A_58 = arith.constant 640 : i32
    %mul3A_59 = arith.muli %arg1, %mul3A_58 : i32
    "tpu.region"() ({
      %run_scoped3A = tpu.sem_alloc : memref<!tpu.dma_semaphore, #tpu.memory_space<semaphore_mem>>
      %dma_start3A = arith.constant 0 : i32
      %dma_start3A_60 = tpu.memref_slice %arg5[%mul3A_59, %dma_start3A] : memref<10240x128xf32, #tpu.memory_space<hbm>> -> memref<640x128xf32, #tpu.memory_space<hbm>>
      %dma_start3A_61 = arith.constant 0 : i32
      %dma_start3A_62 = tpu.memref_slice %arg10[%mul3A_57, %dma_start3A_61] : memref<10240x128xf32, #tpu.memory_space<vmem_shared>> -> memref<640x128xf32, #tpu.memory_space<vmem_shared>>
      tpu.enqueue_dma source(%dma_start3A_62 : memref<640x128xf32, #tpu.memory_space<vmem_shared>>) target(%dma_start3A_60 : memref<640x128xf32, #tpu.memory_space<hbm>>) target_semaphore(%run_scoped3A : memref<!tpu.dma_semaphore, #tpu.memory_space<semaphore_mem>>)
      %dma_wait3A = arith.constant 0 : i32
      %dma_wait3A_63 = tpu.memref_slice %arg5[%mul3A_59, %dma_wait3A] : memref<10240x128xf32, #tpu.memory_space<hbm>> -> memref<640x128xf32, #tpu.memory_space<hbm>>
      %dma_wait3A_64 = arith.constant 0 : i32
      %dma_wait3A_65 = tpu.memref_slice %arg10[%mul3A_57, %dma_wait3A_64] : memref<10240x128xf32, #tpu.memory_space<vmem_shared>> -> memref<640x128xf32, #tpu.memory_space<vmem_shared>>
      tpu.wait_dma2 semaphore(%run_scoped3A : memref<!tpu.dma_semaphore, #tpu.memory_space<semaphore_mem>>) src(%dma_wait3A_65 : memref<640x128xf32, #tpu.memory_space<vmem_shared>>) dst(%dma_wait3A_63 : memref<640x128xf32, #tpu.memory_space<hbm>>)
      tpu.yield
    }) : () -> ()
    return
  }
}

#map = affine_map<(d0, d1) -> (0, 0)>
module attributes {stable_mosaic.version = 14 : i64} {
  func.func @_sc_agg_body(%arg0: i32, %arg1: i32, %arg2: memref<10240x128xf32, #tpu.memory_space<hbm>>, %arg3: memref<2560x128xi32, #tpu.memory_space<hbm>>, %arg4: memref<2560x128xi32, #tpu.memory_space<hbm>>, %arg5: memref<10240x128xf32, #tpu.memory_space<hbm>>, %arg6: memref<40x128xi32, #tpu.memory_space<vmem>>, %arg7: memref<40x128xi32, #tpu.memory_space<vmem>>, %arg8: memref<128x128xf32, #tpu.memory_space<vmem>>, %arg9: memref<128x128xf32, #tpu.memory_space<vmem>>, %arg10: memref<10240x128xf32, #tpu.memory_space<vmem_shared>>, %arg11: memref<!tpu.dma_semaphore, #tpu.memory_space<semaphore_mem>>, %arg12: memref<!tpu.dma_semaphore, #tpu.memory_space<semaphore_mem>>) attributes {dimension_semantics = [#tpu.dimension_semantics<core_parallel>, #tpu.dimension_semantics<subcore_parallel>], iteration_bounds = array<i64: 1, 16>, scalar_prefetch = 0 : i64, scratch_operands = 7 : i64, tpu.core_type = #tpu.core_type<sc_vector_subcore>, window_params = [{transform_indices = #map}, {transform_indices = #map}, {transform_indices = #map}, {transform_indices = #map}]} {
    %scan3A = arith.constant 0 : i32
    %scan3A_0 = arith.constant 0 : i32
    %scan3A_1 = arith.constant 1024 : i32
    %scan3A_2 = arith.addi %scan3A_0, %scan3A_1 : i32
    %scan3A_3 = arith.constant 1 : i32
    %scan3A_4 = scf.for %scan3A_60 = %scan3A_0 to %scan3A_2 step %scan3A_3 iter_args(%scan3A_61 = %scan3A) -> (i32)  : i32 {
      %broadcast_in_dim3A = arith.constant 0.000000e+00 : f32
      %broadcast_in_dim3A_62 = vector.broadcast %broadcast_in_dim3A : f32 to vector<16xf32>
      %jit3A = arith.constant 8 : i32
      %div3A = arith.divsi %scan3A_60, %jit3A : i32
      %sign3A = arith.constant 0 : i32
      %sign3A_63 = arith.cmpi sgt, %scan3A_60, %sign3A : i32
      %sign3A_64 = arith.extui %sign3A_63 : i1 to i32
      %sign3A_65 = arith.constant 0 : i32
      %sign3A_66 = arith.cmpi slt, %scan3A_60, %sign3A_65 : i32
      %sign3A_67 = arith.extui %sign3A_66 : i1 to i32
      %sign3A_68 = arith.subi %sign3A_64, %sign3A_67 : i32
      %sign3A_69 = arith.constant 0 : i32
      %sign3A_70 = arith.cmpi sgt, %jit3A, %sign3A_69 : i32
      %sign3A_71 = arith.extui %sign3A_70 : i1 to i32
      %sign3A_72 = arith.constant 0 : i32
      %sign3A_73 = arith.cmpi slt, %jit3A, %sign3A_72 : i32
      %sign3A_74 = arith.extui %sign3A_73 : i1 to i32
      %sign3A_75 = arith.subi %sign3A_71, %sign3A_74 : i32
      %ne3A = arith.cmpi ne, %sign3A_68, %sign3A_75 : i32
      %rem3A = arith.remsi %scan3A_60, %jit3A : i32
      %ne3A_76 = arith.constant 0 : i32
      %ne3A_77 = arith.cmpi ne, %rem3A, %ne3A_76 : i32
      %and3A = arith.andi %ne3A, %ne3A_77 : i1
      %sub3A = arith.constant 1 : i32
      %sub3A_78 = arith.subi %div3A, %sub3A : i32
      %select_n3A = arith.select %and3A, %sub3A_78, %div3A : i32
      %jit3A_79 = arith.constant 8 : i32
      %eq3A = arith.constant 0 : i32
      %eq3A_80 = arith.cmpi eq, %jit3A_79, %eq3A : i32
      %jit3A_81 = arith.constant 1 : i32
      %select_n3A_82 = arith.select %eq3A_80, %jit3A_81, %jit3A_79 : i32
      %rem3A_83 = arith.remsi %scan3A_60, %select_n3A_82 : i32
      %ne3A_84 = arith.constant 0 : i32
      %ne3A_85 = arith.cmpi ne, %rem3A_83, %ne3A_84 : i32
      %lt3A = arith.constant 0 : i32
      %lt3A_86 = arith.cmpi slt, %rem3A_83, %lt3A : i32
      %lt3A_87 = arith.constant 0 : i32
      %lt3A_88 = arith.cmpi slt, %select_n3A_82, %lt3A_87 : i32
      %ne3A_89 = arith.xori %lt3A_86, %lt3A_88 : i1
      %and3A_90 = arith.andi %ne3A_89, %ne3A_85 : i1
      %add3A_91 = arith.addi %rem3A_83, %select_n3A_82 : i32
      %select_n3A_92 = arith.select %and3A_90, %add3A_91, %rem3A_83 : i32
      %mul3A_93 = arith.constant 16 : i32
      %mul3A_94 = arith.muli %select_n3A_92, %mul3A_93 : i32
      %swap3A = arith.index_cast %select_n3A : i32 to index
      %swap3A_95 = arith.index_cast %mul3A_94 : i32 to index
      %swap3A_96 = tpu.vector_load %arg8[%swap3A, %swap3A_95] {strides = array<i32>} : memref<128x128xf32, #tpu.memory_space<vmem>>, vector<1x16xf32>,
      %swap3A_97 = vector.shape_cast %swap3A_96 : vector<1x16xf32> to vector<16xf32>
      %swap3A_98 = vector.shape_cast %broadcast_in_dim3A_62 : vector<16xf32> to vector<1x16xf32>
      tpu.vector_store %arg8[%swap3A, %swap3A_95], %swap3A_98 {strides = array<i32>} : memref<128x128xf32, #tpu.memory_space<vmem>>, vector<1x16xf32>,
      %scan3A_99 = arith.constant 0 : i32
      scf.yield %scan3A_99 : i32
    }
    %scan3A_5 = arith.constant 1024 : i32
    %scan3A_6 = arith.constant 0 : i32
    %scan3A_7 = arith.constant 0 : i32
    %scan3A_8 = arith.constant 5 : i32
    %scan3A_9 = arith.addi %scan3A_7, %scan3A_8 : i32
    %scan3A_10 = arith.constant 1 : i32
    %scan3A_11 = scf.for %scan3A_60 = %scan3A_7 to %scan3A_9 step %scan3A_10 iter_args(%scan3A_61 = %scan3A_6) -> (i32)  : i32 {
      %mul3A_62 = arith.constant 640 : i32
      %mul3A_63 = arith.muli %arg1, %mul3A_62 : i32
      %mul3A_64 = arith.constant 128 : i32
      %mul3A_65 = arith.muli %scan3A_60, %mul3A_64 : i32
      %add3A_66 = arith.addi %mul3A_63, %mul3A_65 : i32
      "tpu.region"() ({
        %run_scoped3A = tpu.sem_alloc : memref<!tpu.dma_semaphore, #tpu.memory_space<semaphore_mem>>
        %dma_start3A = arith.constant 0 : i32
        %dma_start3A_68 = tpu.memref_slice %arg10[%add3A_66, %dma_start3A] : memref<10240x128xf32, #tpu.memory_space<vmem_shared>> -> memref<128x128xf32, #tpu.memory_space<vmem_shared>>
        %dma_start3A_69 = arith.constant 0 : i32
        %dma_start3A_70 = tpu.memref_slice %arg10[%add3A_66, %dma_start3A_69] : memref<10240x128xf32, #tpu.memory_space<vmem_shared>> -> memref<128x128xf32, #tpu.memory_space<vmem_shared>>
        tpu.enqueue_dma source(%arg8 : memref<128x128xf32, #tpu.memory_space<vmem>>) target(%dma_start3A_70 : memref<128x128xf32, #tpu.memory_space<vmem_shared>>) target_semaphore(%run_scoped3A : memref<!tpu.dma_semaphore, #tpu.memory_space<semaphore_mem>>)
        %dma_wait3A = arith.constant 0 : i32
        %dma_wait3A_71 = tpu.memref_slice %arg10[%add3A_66, %dma_wait3A] : memref<10240x128xf32, #tpu.memory_space<vmem_shared>> -> memref<128x128xf32, #tpu.memory_space<vmem_shared>>
        %dma_wait3A_72 = arith.constant 0 : i32
        %dma_wait3A_73 = tpu.memref_slice %arg10[%add3A_66, %dma_wait3A_72] : memref<10240x128xf32, #tpu.memory_space<vmem_shared>> -> memref<128x128xf32, #tpu.memory_space<vmem_shared>>
        tpu.wait_dma2 semaphore(%run_scoped3A : memref<!tpu.dma_semaphore, #tpu.memory_space<semaphore_mem>>) src(%arg8 : memref<128x128xf32, #tpu.memory_space<vmem>>) dst(%dma_wait3A_73 : memref<128x128xf32, #tpu.memory_space<vmem_shared>>)
        tpu.yield
      }) : () -> ()
      %scan3A_67 = arith.constant 0 : i32
      scf.yield %scan3A_67 : i32
    }
    %scan3A_12 = arith.constant 5 : i32
    %barrier3A = arith.constant 0 : index
    tpu.barrier barrier_id(%barrier3A)
    %mul3A = arith.constant 160 : i32
    %mul3A_13 = arith.muli %arg1, %mul3A : i32
    %add3A = arith.constant 0 : i32
    %add3A_14 = arith.addi %mul3A_13, %add3A : i32
    "tpu.region"() ({
      %run_scoped3A = tpu.sem_alloc : memref<!tpu.dma_semaphore, #tpu.memory_space<semaphore_mem>>
      %dma_start3A = arith.constant 0 : i32
      %dma_start3A_60 = tpu.memref_slice %arg3[%add3A_14, %dma_start3A] : memref<2560x128xi32, #tpu.memory_space<hbm>> -> memref<40x128xi32, #tpu.memory_space<hbm>>
      %dma_start3A_61 = arith.constant 0 : i32
      %dma_start3A_62 = tpu.memref_slice %arg3[%add3A_14, %dma_start3A_61] : memref<2560x128xi32, #tpu.memory_space<hbm>> -> memref<40x128xi32, #tpu.memory_space<hbm>>
      tpu.enqueue_dma source(%dma_start3A_62 : memref<40x128xi32, #tpu.memory_space<hbm>>) target(%arg6 : memref<40x128xi32, #tpu.memory_space<vmem>>) target_semaphore(%run_scoped3A : memref<!tpu.dma_semaphore, #tpu.memory_space<semaphore_mem>>)
      %dma_wait3A = arith.constant 0 : i32
      %dma_wait3A_63 = tpu.memref_slice %arg3[%add3A_14, %dma_wait3A] : memref<2560x128xi32, #tpu.memory_space<hbm>> -> memref<40x128xi32, #tpu.memory_space<hbm>>
      %dma_wait3A_64 = arith.constant 0 : i32
      %dma_wait3A_65 = tpu.memref_slice %arg3[%add3A_14, %dma_wait3A_64] : memref<2560x128xi32, #tpu.memory_space<hbm>> -> memref<40x128xi32, #tpu.memory_space<hbm>>
      tpu.wait_dma2 semaphore(%run_scoped3A : memref<!tpu.dma_semaphore, #tpu.memory_space<semaphore_mem>>) src(%dma_wait3A_65 : memref<40x128xi32, #tpu.memory_space<hbm>>) dst(%arg6 : memref<40x128xi32, #tpu.memory_space<vmem>>)
      tpu.yield
    }) : () -> ()
    "tpu.region"() ({
      %run_scoped3A = tpu.sem_alloc : memref<!tpu.dma_semaphore, #tpu.memory_space<semaphore_mem>>
      %dma_start3A = arith.constant 0 : i32
      %dma_start3A_60 = tpu.memref_slice %arg4[%add3A_14, %dma_start3A] : memref<2560x128xi32, #tpu.memory_space<hbm>> -> memref<40x128xi32, #tpu.memory_space<hbm>>
      %dma_start3A_61 = arith.constant 0 : i32
      %dma_start3A_62 = tpu.memref_slice %arg4[%add3A_14, %dma_start3A_61] : memref<2560x128xi32, #tpu.memory_space<hbm>> -> memref<40x128xi32, #tpu.memory_space<hbm>>
      tpu.enqueue_dma source(%dma_start3A_62 : memref<40x128xi32, #tpu.memory_space<hbm>>) target(%arg7 : memref<40x128xi32, #tpu.memory_space<vmem>>) target_semaphore(%run_scoped3A : memref<!tpu.dma_semaphore, #tpu.memory_space<semaphore_mem>>)
      %dma_wait3A = arith.constant 0 : i32
      %dma_wait3A_63 = tpu.memref_slice %arg4[%add3A_14, %dma_wait3A] : memref<2560x128xi32, #tpu.memory_space<hbm>> -> memref<40x128xi32, #tpu.memory_space<hbm>>
      %dma_wait3A_64 = arith.constant 0 : i32
      %dma_wait3A_65 = tpu.memref_slice %arg4[%add3A_14, %dma_wait3A_64] : memref<2560x128xi32, #tpu.memory_space<hbm>> -> memref<40x128xi32, #tpu.memory_space<hbm>>
      tpu.wait_dma2 semaphore(%run_scoped3A : memref<!tpu.dma_semaphore, #tpu.memory_space<semaphore_mem>>) src(%dma_wait3A_65 : memref<40x128xi32, #tpu.memory_space<hbm>>) dst(%arg7 : memref<40x128xi32, #tpu.memory_space<vmem>>)
      tpu.yield
    }) : () -> ()
    %scan3A_15 = arith.constant 0 : i32
    %scan3A_16 = arith.constant 0 : i32
    %scan3A_17 = arith.constant 20 : i32
    %scan3A_18 = arith.addi %scan3A_16, %scan3A_17 : i32
    %scan3A_19 = arith.constant 1 : i32
    %scan3A_20 = scf.for %scan3A_60 = %scan3A_16 to %scan3A_18 step %scan3A_19 iter_args(%scan3A_61 = %scan3A_15) -> (i32)  : i32 {
      %mul3A_62 = arith.constant 2 : i32
      %mul3A_63 = arith.muli %scan3A_60, %mul3A_62 : i32
      %dma_start3A = arith.constant 0 : i32
      %dma_start3A_64 = tpu.memref_slice %arg6[%mul3A_63, %dma_start3A] : memref<40x128xi32, #tpu.memory_space<vmem>> -> memref<1x128xi32, #tpu.memory_space<vmem>>
      %dma_start3A_65 = tpu.memref_squeeze %dma_start3A_64 : memref<1x128xi32, #tpu.memory_space<vmem>> -> memref<128xi32, #tpu.memory_space<vmem>>
      %dma_start3A_66 = arith.constant 0 : i32
      %dma_start3A_67 = arith.constant 0 : i32
      %dma_start3A_68 = tpu.memref_slice %arg2[%dma_start3A_66, %dma_start3A_67] : memref<10240x128xf32, #tpu.memory_space<hbm>> -> memref<10240x128xf32, #tpu.memory_space<hbm>>
      tpu.enqueue_indirect_dma source(%dma_start3A_68 : memref<10240x128xf32, #tpu.memory_space<hbm>>) target(%arg8 : memref<128x128xf32, #tpu.memory_space<vmem>>) offsets(%dma_start3A_65 : memref<128xi32, #tpu.memory_space<vmem>>) semaphore(%arg11 : memref<!tpu.dma_semaphore, #tpu.memory_space<semaphore_mem>>)
      %dma_wait3A = arith.constant 0 : i32
      %dma_wait3A_69 = tpu.memref_slice %arg6[%mul3A_63, %dma_wait3A] : memref<40x128xi32, #tpu.memory_space<vmem>> -> memref<1x128xi32, #tpu.memory_space<vmem>>
      %dma_wait3A_70 = tpu.memref_squeeze %dma_wait3A_69 : memref<1x128xi32, #tpu.memory_space<vmem>> -> memref<128xi32, #tpu.memory_space<vmem>>
      %dma_wait3A_71 = arith.constant 0 : i32
      %dma_wait3A_72 = arith.constant 0 : i32
      %dma_wait3A_73 = tpu.memref_slice %arg2[%dma_wait3A_71, %dma_wait3A_72] : memref<10240x128xf32, #tpu.memory_space<hbm>> -> memref<10240x128xf32, #tpu.memory_space<hbm>>
      tpu.wait_indirect_dma semaphore(%arg11 : memref<!tpu.dma_semaphore, #tpu.memory_space<semaphore_mem>>) src(%dma_wait3A_73 : memref<10240x128xf32, #tpu.memory_space<hbm>>) dst(%arg8 : memref<128x128xf32, #tpu.memory_space<vmem>>)
      %add3A_74 = arith.constant 1 : i32
      %add3A_75 = arith.addi %mul3A_63, %add3A_74 : i32
      %dma_start3A_76 = arith.constant 0 : i32
      %dma_start3A_77 = tpu.memref_slice %arg6[%add3A_75, %dma_start3A_76] : memref<40x128xi32, #tpu.memory_space<vmem>> -> memref<1x128xi32, #tpu.memory_space<vmem>>
      %dma_start3A_78 = tpu.memref_squeeze %dma_start3A_77 : memref<1x128xi32, #tpu.memory_space<vmem>> -> memref<128xi32, #tpu.memory_space<vmem>>
      %dma_start3A_79 = arith.constant 0 : i32
      %dma_start3A_80 = arith.constant 0 : i32
      %dma_start3A_81 = tpu.memref_slice %arg2[%dma_start3A_79, %dma_start3A_80] : memref<10240x128xf32, #tpu.memory_space<hbm>> -> memref<10240x128xf32, #tpu.memory_space<hbm>>
      tpu.enqueue_indirect_dma source(%dma_start3A_81 : memref<10240x128xf32, #tpu.memory_space<hbm>>) target(%arg9 : memref<128x128xf32, #tpu.memory_space<vmem>>) offsets(%dma_start3A_78 : memref<128xi32, #tpu.memory_space<vmem>>) semaphore(%arg12 : memref<!tpu.dma_semaphore, #tpu.memory_space<semaphore_mem>>)
      "tpu.region"() ({
        %run_scoped3A = tpu.sem_alloc : memref<!tpu.dma_semaphore, #tpu.memory_space<semaphore_mem>>
        %dma_start3A_91 = arith.constant 0 : i32
        %dma_start3A_92 = tpu.memref_slice %arg7[%mul3A_63, %dma_start3A_91] : memref<40x128xi32, #tpu.memory_space<vmem>> -> memref<1x128xi32, #tpu.memory_space<vmem>>
        %dma_start3A_93 = tpu.memref_squeeze %dma_start3A_92 : memref<1x128xi32, #tpu.memory_space<vmem>> -> memref<128xi32, #tpu.memory_space<vmem>>
        %dma_start3A_94 = arith.constant 0 : i32
        %dma_start3A_95 = arith.constant 0 : i32
        %dma_start3A_96 = tpu.memref_slice %arg10[%dma_start3A_94, %dma_start3A_95] : memref<10240x128xf32, #tpu.memory_space<vmem_shared>> -> memref<10240x128xf32, #tpu.memory_space<vmem_shared>>
        tpu.enqueue_indirect_dma source(%arg8 : memref<128x128xf32, #tpu.memory_space<vmem>>) target(%dma_start3A_96 : memref<10240x128xf32, #tpu.memory_space<vmem_shared>>) offsets(%dma_start3A_93 : memref<128xi32, #tpu.memory_space<vmem>>) semaphore(%run_scoped3A : memref<!tpu.dma_semaphore, #tpu.memory_space<semaphore_mem>>) {add = true}
        %dma_wait3A_97 = arith.constant 0 : i32
        %dma_wait3A_98 = tpu.memref_slice %arg7[%mul3A_63, %dma_wait3A_97] : memref<40x128xi32, #tpu.memory_space<vmem>> -> memref<1x128xi32, #tpu.memory_space<vmem>>
        %dma_wait3A_99 = tpu.memref_squeeze %dma_wait3A_98 : memref<1x128xi32, #tpu.memory_space<vmem>> -> memref<128xi32, #tpu.memory_space<vmem>>
        %dma_wait3A_100 = arith.constant 0 : i32
        %dma_wait3A_101 = arith.constant 0 : i32
        %dma_wait3A_102 = tpu.memref_slice %arg10[%dma_wait3A_100, %dma_wait3A_101] : memref<10240x128xf32, #tpu.memory_space<vmem_shared>> -> memref<10240x128xf32, #tpu.memory_space<vmem_shared>>
        tpu.wait_indirect_dma semaphore(%run_scoped3A : memref<!tpu.dma_semaphore, #tpu.memory_space<semaphore_mem>>) src(%arg8 : memref<128x128xf32, #tpu.memory_space<vmem>>) dst(%dma_wait3A_102 : memref<10240x128xf32, #tpu.memory_space<vmem_shared>>)
        tpu.yield
      }) : () -> ()
      %dma_wait3A_82 = arith.constant 0 : i32
      %dma_wait3A_83 = tpu.memref_slice %arg6[%add3A_75, %dma_wait3A_82] : memref<40x128xi32, #tpu.memory_space<vmem>> -> memref<1x128xi32, #tpu.memory_space<vmem>>
      %dma_wait3A_84 = tpu.memref_squeeze %dma_wait3A_83 : memref<1x128xi32, #tpu.memory_space<vmem>> -> memref<128xi32, #tpu.memory_space<vmem>>
      %dma_wait3A_85 = arith.constant 0 : i32
      %dma_wait3A_86 = arith.constant 0 : i32
      %dma_wait3A_87 = tpu.memref_slice %arg2[%dma_wait3A_85, %dma_wait3A_86] : memref<10240x128xf32, #tpu.memory_space<hbm>> -> memref<10240x128xf32, #tpu.memory_space<hbm>>
      tpu.wait_indirect_dma semaphore(%arg12 : memref<!tpu.dma_semaphore, #tpu.memory_space<semaphore_mem>>) src(%dma_wait3A_87 : memref<10240x128xf32, #tpu.memory_space<hbm>>) dst(%arg9 : memref<128x128xf32, #tpu.memory_space<vmem>>)
      %add3A_88 = arith.constant 1 : i32
      %add3A_89 = arith.addi %mul3A_63, %add3A_88 : i32
      "tpu.region"() ({
        %run_scoped3A = tpu.sem_alloc : memref<!tpu.dma_semaphore, #tpu.memory_space<semaphore_mem>>
        %dma_start3A_91 = arith.constant 0 : i32
        %dma_start3A_92 = tpu.memref_slice %arg7[%add3A_89, %dma_start3A_91] : memref<40x128xi32, #tpu.memory_space<vmem>> -> memref<1x128xi32, #tpu.memory_space<vmem>>
        %dma_start3A_93 = tpu.memref_squeeze %dma_start3A_92 : memref<1x128xi32, #tpu.memory_space<vmem>> -> memref<128xi32, #tpu.memory_space<vmem>>
        %dma_start3A_94 = arith.constant 0 : i32
        %dma_start3A_95 = arith.constant 0 : i32
        %dma_start3A_96 = tpu.memref_slice %arg10[%dma_start3A_94, %dma_start3A_95] : memref<10240x128xf32, #tpu.memory_space<vmem_shared>> -> memref<10240x128xf32, #tpu.memory_space<vmem_shared>>
        tpu.enqueue_indirect_dma source(%arg9 : memref<128x128xf32, #tpu.memory_space<vmem>>) target(%dma_start3A_96 : memref<10240x128xf32, #tpu.memory_space<vmem_shared>>) offsets(%dma_start3A_93 : memref<128xi32, #tpu.memory_space<vmem>>) semaphore(%run_scoped3A : memref<!tpu.dma_semaphore, #tpu.memory_space<semaphore_mem>>) {add = true}
        %dma_wait3A_97 = arith.constant 0 : i32
        %dma_wait3A_98 = tpu.memref_slice %arg7[%add3A_89, %dma_wait3A_97] : memref<40x128xi32, #tpu.memory_space<vmem>> -> memref<1x128xi32, #tpu.memory_space<vmem>>
        %dma_wait3A_99 = tpu.memref_squeeze %dma_wait3A_98 : memref<1x128xi32, #tpu.memory_space<vmem>> -> memref<128xi32, #tpu.memory_space<vmem>>
        %dma_wait3A_100 = arith.constant 0 : i32
        %dma_wait3A_101 = arith.constant 0 : i32
        %dma_wait3A_102 = tpu.memref_slice %arg10[%dma_wait3A_100, %dma_wait3A_101] : memref<10240x128xf32, #tpu.memory_space<vmem_shared>> -> memref<10240x128xf32, #tpu.memory_space<vmem_shared>>
        tpu.wait_indirect_dma semaphore(%run_scoped3A : memref<!tpu.dma_semaphore, #tpu.memory_space<semaphore_mem>>) src(%arg9 : memref<128x128xf32, #tpu.memory_space<vmem>>) dst(%dma_wait3A_102 : memref<10240x128xf32, #tpu.memory_space<vmem_shared>>)
        tpu.yield
      }) : () -> ()
      %scan3A_90 = arith.constant 0 : i32
      scf.yield %scan3A_90 : i32
    }
    %scan3A_21 = arith.constant 20 : i32
    %mul3A_22 = arith.constant 160 : i32
    %mul3A_23 = arith.muli %arg1, %mul3A_22 : i32
    %add3A_24 = arith.constant 40 : i32
    %add3A_25 = arith.addi %mul3A_23, %add3A_24 : i32
    "tpu.region"() ({
      %run_scoped3A = tpu.sem_alloc : memref<!tpu.dma_semaphore, #tpu.memory_space<semaphore_mem>>
      %dma_start3A = arith.constant 0 : i32
      %dma_start3A_60 = tpu.memref_slice %arg3[%add3A_25, %dma_start3A] : memref<2560x128xi32, #tpu.memory_space<hbm>> -> memref<40x128xi32, #tpu.memory_space<hbm>>
      %dma_start3A_61 = arith.constant 0 : i32
      %dma_start3A_62 = tpu.memref_slice %arg3[%add3A_25, %dma_start3A_61] : memref<2560x128xi32, #tpu.memory_space<hbm>> -> memref<40x128xi32, #tpu.memory_space<hbm>>
      tpu.enqueue_dma source(%dma_start3A_62 : memref<40x128xi32, #tpu.memory_space<hbm>>) target(%arg6 : memref<40x128xi32, #tpu.memory_space<vmem>>) target_semaphore(%run_scoped3A : memref<!tpu.dma_semaphore, #tpu.memory_space<semaphore_mem>>)
      %dma_wait3A = arith.constant 0 : i32
      %dma_wait3A_63 = tpu.memref_slice %arg3[%add3A_25, %dma_wait3A] : memref<2560x128xi32, #tpu.memory_space<hbm>> -> memref<40x128xi32, #tpu.memory_space<hbm>>
      %dma_wait3A_64 = arith.constant 0 : i32
      %dma_wait3A_65 = tpu.memref_slice %arg3[%add3A_25, %dma_wait3A_64] : memref<2560x128xi32, #tpu.memory_space<hbm>> -> memref<40x128xi32, #tpu.memory_space<hbm>>
      tpu.wait_dma2 semaphore(%run_scoped3A : memref<!tpu.dma_semaphore, #tpu.memory_space<semaphore_mem>>) src(%dma_wait3A_65 : memref<40x128xi32, #tpu.memory_space<hbm>>) dst(%arg6 : memref<40x128xi32, #tpu.memory_space<vmem>>)
      tpu.yield
    }) : () -> ()
    "tpu.region"() ({
      %run_scoped3A = tpu.sem_alloc : memref<!tpu.dma_semaphore, #tpu.memory_space<semaphore_mem>>
      %dma_start3A = arith.constant 0 : i32
      %dma_start3A_60 = tpu.memref_slice %arg4[%add3A_25, %dma_start3A] : memref<2560x128xi32, #tpu.memory_space<hbm>> -> memref<40x128xi32, #tpu.memory_space<hbm>>
      %dma_start3A_61 = arith.constant 0 : i32
      %dma_start3A_62 = tpu.memref_slice %arg4[%add3A_25, %dma_start3A_61] : memref<2560x128xi32, #tpu.memory_space<hbm>> -> memref<40x128xi32, #tpu.memory_space<hbm>>
      tpu.enqueue_dma source(%dma_start3A_62 : memref<40x128xi32, #tpu.memory_space<hbm>>) target(%arg7 : memref<40x128xi32, #tpu.memory_space<vmem>>) target_semaphore(%run_scoped3A : memref<!tpu.dma_semaphore, #tpu.memory_space<semaphore_mem>>)
      %dma_wait3A = arith.constant 0 : i32
      %dma_wait3A_63 = tpu.memref_slice %arg4[%add3A_25, %dma_wait3A] : memref<2560x128xi32, #tpu.memory_space<hbm>> -> memref<40x128xi32, #tpu.memory_space<hbm>>
      %dma_wait3A_64 = arith.constant 0 : i32
      %dma_wait3A_65 = tpu.memref_slice %arg4[%add3A_25, %dma_wait3A_64] : memref<2560x128xi32, #tpu.memory_space<hbm>> -> memref<40x128xi32, #tpu.memory_space<hbm>>
      tpu.wait_dma2 semaphore(%run_scoped3A : memref<!tpu.dma_semaphore, #tpu.memory_space<semaphore_mem>>) src(%dma_wait3A_65 : memref<40x128xi32, #tpu.memory_space<hbm>>) dst(%arg7 : memref<40x128xi32, #tpu.memory_space<vmem>>)
      tpu.yield
    }) : () -> ()
    %scan3A_26 = arith.constant 0 : i32
    %scan3A_27 = arith.constant 0 : i32
    %scan3A_28 = arith.constant 20 : i32
    %scan3A_29 = arith.addi %scan3A_27, %scan3A_28 : i32
    %scan3A_30 = arith.constant 1 : i32
    %scan3A_31 = scf.for %scan3A_60 = %scan3A_27 to %scan3A_29 step %scan3A_30 iter_args(%scan3A_61 = %scan3A_26) -> (i32)  : i32 {
      %mul3A_62 = arith.constant 2 : i32
      %mul3A_63 = arith.muli %scan3A_60, %mul3A_62 : i32
      %dma_start3A = arith.constant 0 : i32
      %dma_start3A_64 = tpu.memref_slice %arg6[%mul3A_63, %dma_start3A] : memref<40x128xi32, #tpu.memory_space<vmem>> -> memref<1x128xi32, #tpu.memory_space<vmem>>
      %dma_start3A_65 = tpu.memref_squeeze %dma_start3A_64 : memref<1x128xi32, #tpu.memory_space<vmem>> -> memref<128xi32, #tpu.memory_space<vmem>>
      %dma_start3A_66 = arith.constant 0 : i32
      %dma_start3A_67 = arith.constant 0 : i32
      %dma_start3A_68 = tpu.memref_slice %arg2[%dma_start3A_66, %dma_start3A_67] : memref<10240x128xf32, #tpu.memory_space<hbm>> -> memref<10240x128xf32, #tpu.memory_space<hbm>>
      tpu.enqueue_indirect_dma source(%dma_start3A_68 : memref<10240x128xf32, #tpu.memory_space<hbm>>) target(%arg8 : memref<128x128xf32, #tpu.memory_space<vmem>>) offsets(%dma_start3A_65 : memref<128xi32, #tpu.memory_space<vmem>>) semaphore(%arg11 : memref<!tpu.dma_semaphore, #tpu.memory_space<semaphore_mem>>)
      %dma_wait3A = arith.constant 0 : i32
      %dma_wait3A_69 = tpu.memref_slice %arg6[%mul3A_63, %dma_wait3A] : memref<40x128xi32, #tpu.memory_space<vmem>> -> memref<1x128xi32, #tpu.memory_space<vmem>>
      %dma_wait3A_70 = tpu.memref_squeeze %dma_wait3A_69 : memref<1x128xi32, #tpu.memory_space<vmem>> -> memref<128xi32, #tpu.memory_space<vmem>>
      %dma_wait3A_71 = arith.constant 0 : i32
      %dma_wait3A_72 = arith.constant 0 : i32
      %dma_wait3A_73 = tpu.memref_slice %arg2[%dma_wait3A_71, %dma_wait3A_72] : memref<10240x128xf32, #tpu.memory_space<hbm>> -> memref<10240x128xf32, #tpu.memory_space<hbm>>
      tpu.wait_indirect_dma semaphore(%arg11 : memref<!tpu.dma_semaphore, #tpu.memory_space<semaphore_mem>>) src(%dma_wait3A_73 : memref<10240x128xf32, #tpu.memory_space<hbm>>) dst(%arg8 : memref<128x128xf32, #tpu.memory_space<vmem>>)
      %add3A_74 = arith.constant 1 : i32
      %add3A_75 = arith.addi %mul3A_63, %add3A_74 : i32
      %dma_start3A_76 = arith.constant 0 : i32
      %dma_start3A_77 = tpu.memref_slice %arg6[%add3A_75, %dma_start3A_76] : memref<40x128xi32, #tpu.memory_space<vmem>> -> memref<1x128xi32, #tpu.memory_space<vmem>>
      %dma_start3A_78 = tpu.memref_squeeze %dma_start3A_77 : memref<1x128xi32, #tpu.memory_space<vmem>> -> memref<128xi32, #tpu.memory_space<vmem>>
      %dma_start3A_79 = arith.constant 0 : i32
      %dma_start3A_80 = arith.constant 0 : i32
      %dma_start3A_81 = tpu.memref_slice %arg2[%dma_start3A_79, %dma_start3A_80] : memref<10240x128xf32, #tpu.memory_space<hbm>> -> memref<10240x128xf32, #tpu.memory_space<hbm>>
      tpu.enqueue_indirect_dma source(%dma_start3A_81 : memref<10240x128xf32, #tpu.memory_space<hbm>>) target(%arg9 : memref<128x128xf32, #tpu.memory_space<vmem>>) offsets(%dma_start3A_78 : memref<128xi32, #tpu.memory_space<vmem>>) semaphore(%arg12 : memref<!tpu.dma_semaphore, #tpu.memory_space<semaphore_mem>>)
      "tpu.region"() ({
        %run_scoped3A = tpu.sem_alloc : memref<!tpu.dma_semaphore, #tpu.memory_space<semaphore_mem>>
        %dma_start3A_91 = arith.constant 0 : i32
        %dma_start3A_92 = tpu.memref_slice %arg7[%mul3A_63, %dma_start3A_91] : memref<40x128xi32, #tpu.memory_space<vmem>> -> memref<1x128xi32, #tpu.memory_space<vmem>>
        %dma_start3A_93 = tpu.memref_squeeze %dma_start3A_92 : memref<1x128xi32, #tpu.memory_space<vmem>> -> memref<128xi32, #tpu.memory_space<vmem>>
        %dma_start3A_94 = arith.constant 0 : i32
        %dma_start3A_95 = arith.constant 0 : i32
        %dma_start3A_96 = tpu.memref_slice %arg10[%dma_start3A_94, %dma_start3A_95] : memref<10240x128xf32, #tpu.memory_space<vmem_shared>> -> memref<10240x128xf32, #tpu.memory_space<vmem_shared>>
        tpu.enqueue_indirect_dma source(%arg8 : memref<128x128xf32, #tpu.memory_space<vmem>>) target(%dma_start3A_96 : memref<10240x128xf32, #tpu.memory_space<vmem_shared>>) offsets(%dma_start3A_93 : memref<128xi32, #tpu.memory_space<vmem>>) semaphore(%run_scoped3A : memref<!tpu.dma_semaphore, #tpu.memory_space<semaphore_mem>>) {add = true}
        %dma_wait3A_97 = arith.constant 0 : i32
        %dma_wait3A_98 = tpu.memref_slice %arg7[%mul3A_63, %dma_wait3A_97] : memref<40x128xi32, #tpu.memory_space<vmem>> -> memref<1x128xi32, #tpu.memory_space<vmem>>
        %dma_wait3A_99 = tpu.memref_squeeze %dma_wait3A_98 : memref<1x128xi32, #tpu.memory_space<vmem>> -> memref<128xi32, #tpu.memory_space<vmem>>
        %dma_wait3A_100 = arith.constant 0 : i32
        %dma_wait3A_101 = arith.constant 0 : i32
        %dma_wait3A_102 = tpu.memref_slice %arg10[%dma_wait3A_100, %dma_wait3A_101] : memref<10240x128xf32, #tpu.memory_space<vmem_shared>> -> memref<10240x128xf32, #tpu.memory_space<vmem_shared>>
        tpu.wait_indirect_dma semaphore(%run_scoped3A : memref<!tpu.dma_semaphore, #tpu.memory_space<semaphore_mem>>) src(%arg8 : memref<128x128xf32, #tpu.memory_space<vmem>>) dst(%dma_wait3A_102 : memref<10240x128xf32, #tpu.memory_space<vmem_shared>>)
        tpu.yield
      }) : () -> ()
      %dma_wait3A_82 = arith.constant 0 : i32
      %dma_wait3A_83 = tpu.memref_slice %arg6[%add3A_75, %dma_wait3A_82] : memref<40x128xi32, #tpu.memory_space<vmem>> -> memref<1x128xi32, #tpu.memory_space<vmem>>
      %dma_wait3A_84 = tpu.memref_squeeze %dma_wait3A_83 : memref<1x128xi32, #tpu.memory_space<vmem>> -> memref<128xi32, #tpu.memory_space<vmem>>
      %dma_wait3A_85 = arith.constant 0 : i32
      %dma_wait3A_86 = arith.constant 0 : i32
      %dma_wait3A_87 = tpu.memref_slice %arg2[%dma_wait3A_85, %dma_wait3A_86] : memref<10240x128xf32, #tpu.memory_space<hbm>> -> memref<10240x128xf32, #tpu.memory_space<hbm>>
      tpu.wait_indirect_dma semaphore(%arg12 : memref<!tpu.dma_semaphore, #tpu.memory_space<semaphore_mem>>) src(%dma_wait3A_87 : memref<10240x128xf32, #tpu.memory_space<hbm>>) dst(%arg9 : memref<128x128xf32, #tpu.memory_space<vmem>>)
      %add3A_88 = arith.constant 1 : i32
      %add3A_89 = arith.addi %mul3A_63, %add3A_88 : i32
      "tpu.region"() ({
        %run_scoped3A = tpu.sem_alloc : memref<!tpu.dma_semaphore, #tpu.memory_space<semaphore_mem>>
        %dma_start3A_91 = arith.constant 0 : i32
        %dma_start3A_92 = tpu.memref_slice %arg7[%add3A_89, %dma_start3A_91] : memref<40x128xi32, #tpu.memory_space<vmem>> -> memref<1x128xi32, #tpu.memory_space<vmem>>
        %dma_start3A_93 = tpu.memref_squeeze %dma_start3A_92 : memref<1x128xi32, #tpu.memory_space<vmem>> -> memref<128xi32, #tpu.memory_space<vmem>>
        %dma_start3A_94 = arith.constant 0 : i32
        %dma_start3A_95 = arith.constant 0 : i32
        %dma_start3A_96 = tpu.memref_slice %arg10[%dma_start3A_94, %dma_start3A_95] : memref<10240x128xf32, #tpu.memory_space<vmem_shared>> -> memref<10240x128xf32, #tpu.memory_space<vmem_shared>>
        tpu.enqueue_indirect_dma source(%arg9 : memref<128x128xf32, #tpu.memory_space<vmem>>) target(%dma_start3A_96 : memref<10240x128xf32, #tpu.memory_space<vmem_shared>>) offsets(%dma_start3A_93 : memref<128xi32, #tpu.memory_space<vmem>>) semaphore(%run_scoped3A : memref<!tpu.dma_semaphore, #tpu.memory_space<semaphore_mem>>) {add = true}
        %dma_wait3A_97 = arith.constant 0 : i32
        %dma_wait3A_98 = tpu.memref_slice %arg7[%add3A_89, %dma_wait3A_97] : memref<40x128xi32, #tpu.memory_space<vmem>> -> memref<1x128xi32, #tpu.memory_space<vmem>>
        %dma_wait3A_99 = tpu.memref_squeeze %dma_wait3A_98 : memref<1x128xi32, #tpu.memory_space<vmem>> -> memref<128xi32, #tpu.memory_space<vmem>>
        %dma_wait3A_100 = arith.constant 0 : i32
        %dma_wait3A_101 = arith.constant 0 : i32
        %dma_wait3A_102 = tpu.memref_slice %arg10[%dma_wait3A_100, %dma_wait3A_101] : memref<10240x128xf32, #tpu.memory_space<vmem_shared>> -> memref<10240x128xf32, #tpu.memory_space<vmem_shared>>
        tpu.wait_indirect_dma semaphore(%run_scoped3A : memref<!tpu.dma_semaphore, #tpu.memory_space<semaphore_mem>>) src(%arg9 : memref<128x128xf32, #tpu.memory_space<vmem>>) dst(%dma_wait3A_102 : memref<10240x128xf32, #tpu.memory_space<vmem_shared>>)
        tpu.yield
      }) : () -> ()
      %scan3A_90 = arith.constant 0 : i32
      scf.yield %scan3A_90 : i32
    }
    %scan3A_32 = arith.constant 20 : i32
    %mul3A_33 = arith.constant 160 : i32
    %mul3A_34 = arith.muli %arg1, %mul3A_33 : i32
    %add3A_35 = arith.constant 80 : i32
    %add3A_36 = arith.addi %mul3A_34, %add3A_35 : i32
    "tpu.region"() ({
      %run_scoped3A = tpu.sem_alloc : memref<!tpu.dma_semaphore, #tpu.memory_space<semaphore_mem>>
      %dma_start3A = arith.constant 0 : i32
      %dma_start3A_60 = tpu.memref_slice %arg3[%add3A_36, %dma_start3A] : memref<2560x128xi32, #tpu.memory_space<hbm>> -> memref<40x128xi32, #tpu.memory_space<hbm>>
      %dma_start3A_61 = arith.constant 0 : i32
      %dma_start3A_62 = tpu.memref_slice %arg3[%add3A_36, %dma_start3A_61] : memref<2560x128xi32, #tpu.memory_space<hbm>> -> memref<40x128xi32, #tpu.memory_space<hbm>>
      tpu.enqueue_dma source(%dma_start3A_62 : memref<40x128xi32, #tpu.memory_space<hbm>>) target(%arg6 : memref<40x128xi32, #tpu.memory_space<vmem>>) target_semaphore(%run_scoped3A : memref<!tpu.dma_semaphore, #tpu.memory_space<semaphore_mem>>)
      %dma_wait3A = arith.constant 0 : i32
      %dma_wait3A_63 = tpu.memref_slice %arg3[%add3A_36, %dma_wait3A] : memref<2560x128xi32, #tpu.memory_space<hbm>> -> memref<40x128xi32, #tpu.memory_space<hbm>>
      %dma_wait3A_64 = arith.constant 0 : i32
      %dma_wait3A_65 = tpu.memref_slice %arg3[%add3A_36, %dma_wait3A_64] : memref<2560x128xi32, #tpu.memory_space<hbm>> -> memref<40x128xi32, #tpu.memory_space<hbm>>
      tpu.wait_dma2 semaphore(%run_scoped3A : memref<!tpu.dma_semaphore, #tpu.memory_space<semaphore_mem>>) src(%dma_wait3A_65 : memref<40x128xi32, #tpu.memory_space<hbm>>) dst(%arg6 : memref<40x128xi32, #tpu.memory_space<vmem>>)
      tpu.yield
    }) : () -> ()
    "tpu.region"() ({
      %run_scoped3A = tpu.sem_alloc : memref<!tpu.dma_semaphore, #tpu.memory_space<semaphore_mem>>
      %dma_start3A = arith.constant 0 : i32
      %dma_start3A_60 = tpu.memref_slice %arg4[%add3A_36, %dma_start3A] : memref<2560x128xi32, #tpu.memory_space<hbm>> -> memref<40x128xi32, #tpu.memory_space<hbm>>
      %dma_start3A_61 = arith.constant 0 : i32
      %dma_start3A_62 = tpu.memref_slice %arg4[%add3A_36, %dma_start3A_61] : memref<2560x128xi32, #tpu.memory_space<hbm>> -> memref<40x128xi32, #tpu.memory_space<hbm>>
      tpu.enqueue_dma source(%dma_start3A_62 : memref<40x128xi32, #tpu.memory_space<hbm>>) target(%arg7 : memref<40x128xi32, #tpu.memory_space<vmem>>) target_semaphore(%run_scoped3A : memref<!tpu.dma_semaphore, #tpu.memory_space<semaphore_mem>>)
      %dma_wait3A = arith.constant 0 : i32
      %dma_wait3A_63 = tpu.memref_slice %arg4[%add3A_36, %dma_wait3A] : memref<2560x128xi32, #tpu.memory_space<hbm>> -> memref<40x128xi32, #tpu.memory_space<hbm>>
      %dma_wait3A_64 = arith.constant 0 : i32
      %dma_wait3A_65 = tpu.memref_slice %arg4[%add3A_36, %dma_wait3A_64] : memref<2560x128xi32, #tpu.memory_space<hbm>> -> memref<40x128xi32, #tpu.memory_space<hbm>>
      tpu.wait_dma2 semaphore(%run_scoped3A : memref<!tpu.dma_semaphore, #tpu.memory_space<semaphore_mem>>) src(%dma_wait3A_65 : memref<40x128xi32, #tpu.memory_space<hbm>>) dst(%arg7 : memref<40x128xi32, #tpu.memory_space<vmem>>)
      tpu.yield
    }) : () -> ()
    %scan3A_37 = arith.constant 0 : i32
    %scan3A_38 = arith.constant 0 : i32
    %scan3A_39 = arith.constant 20 : i32
    %scan3A_40 = arith.addi %scan3A_38, %scan3A_39 : i32
    %scan3A_41 = arith.constant 1 : i32
    %scan3A_42 = scf.for %scan3A_60 = %scan3A_38 to %scan3A_40 step %scan3A_41 iter_args(%scan3A_61 = %scan3A_37) -> (i32)  : i32 {
      %mul3A_62 = arith.constant 2 : i32
      %mul3A_63 = arith.muli %scan3A_60, %mul3A_62 : i32
      %dma_start3A = arith.constant 0 : i32
      %dma_start3A_64 = tpu.memref_slice %arg6[%mul3A_63, %dma_start3A] : memref<40x128xi32, #tpu.memory_space<vmem>> -> memref<1x128xi32, #tpu.memory_space<vmem>>
      %dma_start3A_65 = tpu.memref_squeeze %dma_start3A_64 : memref<1x128xi32, #tpu.memory_space<vmem>> -> memref<128xi32, #tpu.memory_space<vmem>>
      %dma_start3A_66 = arith.constant 0 : i32
      %dma_start3A_67 = arith.constant 0 : i32
      %dma_start3A_68 = tpu.memref_slice %arg2[%dma_start3A_66, %dma_start3A_67] : memref<10240x128xf32, #tpu.memory_space<hbm>> -> memref<10240x128xf32, #tpu.memory_space<hbm>>
      tpu.enqueue_indirect_dma source(%dma_start3A_68 : memref<10240x128xf32, #tpu.memory_space<hbm>>) target(%arg8 : memref<128x128xf32, #tpu.memory_space<vmem>>) offsets(%dma_start3A_65 : memref<128xi32, #tpu.memory_space<vmem>>) semaphore(%arg11 : memref<!tpu.dma_semaphore, #tpu.memory_space<semaphore_mem>>)
      %dma_wait3A = arith.constant 0 : i32
      %dma_wait3A_69 = tpu.memref_slice %arg6[%mul3A_63, %dma_wait3A] : memref<40x128xi32, #tpu.memory_space<vmem>> -> memref<1x128xi32, #tpu.memory_space<vmem>>
      %dma_wait3A_70 = tpu.memref_squeeze %dma_wait3A_69 : memref<1x128xi32, #tpu.memory_space<vmem>> -> memref<128xi32, #tpu.memory_space<vmem>>
      %dma_wait3A_71 = arith.constant 0 : i32
      %dma_wait3A_72 = arith.constant 0 : i32
      %dma_wait3A_73 = tpu.memref_slice %arg2[%dma_wait3A_71, %dma_wait3A_72] : memref<10240x128xf32, #tpu.memory_space<hbm>> -> memref<10240x128xf32, #tpu.memory_space<hbm>>
      tpu.wait_indirect_dma semaphore(%arg11 : memref<!tpu.dma_semaphore, #tpu.memory_space<semaphore_mem>>) src(%dma_wait3A_73 : memref<10240x128xf32, #tpu.memory_space<hbm>>) dst(%arg8 : memref<128x128xf32, #tpu.memory_space<vmem>>)
      %add3A_74 = arith.constant 1 : i32
      %add3A_75 = arith.addi %mul3A_63, %add3A_74 : i32
      %dma_start3A_76 = arith.constant 0 : i32
      %dma_start3A_77 = tpu.memref_slice %arg6[%add3A_75, %dma_start3A_76] : memref<40x128xi32, #tpu.memory_space<vmem>> -> memref<1x128xi32, #tpu.memory_space<vmem>>
      %dma_start3A_78 = tpu.memref_squeeze %dma_start3A_77 : memref<1x128xi32, #tpu.memory_space<vmem>> -> memref<128xi32, #tpu.memory_space<vmem>>
      %dma_start3A_79 = arith.constant 0 : i32
      %dma_start3A_80 = arith.constant 0 : i32
      %dma_start3A_81 = tpu.memref_slice %arg2[%dma_start3A_79, %dma_start3A_80] : memref<10240x128xf32, #tpu.memory_space<hbm>> -> memref<10240x128xf32, #tpu.memory_space<hbm>>
      tpu.enqueue_indirect_dma source(%dma_start3A_81 : memref<10240x128xf32, #tpu.memory_space<hbm>>) target(%arg9 : memref<128x128xf32, #tpu.memory_space<vmem>>) offsets(%dma_start3A_78 : memref<128xi32, #tpu.memory_space<vmem>>) semaphore(%arg12 : memref<!tpu.dma_semaphore, #tpu.memory_space<semaphore_mem>>)
      "tpu.region"() ({
        %run_scoped3A = tpu.sem_alloc : memref<!tpu.dma_semaphore, #tpu.memory_space<semaphore_mem>>
        %dma_start3A_91 = arith.constant 0 : i32
        %dma_start3A_92 = tpu.memref_slice %arg7[%mul3A_63, %dma_start3A_91] : memref<40x128xi32, #tpu.memory_space<vmem>> -> memref<1x128xi32, #tpu.memory_space<vmem>>
        %dma_start3A_93 = tpu.memref_squeeze %dma_start3A_92 : memref<1x128xi32, #tpu.memory_space<vmem>> -> memref<128xi32, #tpu.memory_space<vmem>>
        %dma_start3A_94 = arith.constant 0 : i32
        %dma_start3A_95 = arith.constant 0 : i32
        %dma_start3A_96 = tpu.memref_slice %arg10[%dma_start3A_94, %dma_start3A_95] : memref<10240x128xf32, #tpu.memory_space<vmem_shared>> -> memref<10240x128xf32, #tpu.memory_space<vmem_shared>>
        tpu.enqueue_indirect_dma source(%arg8 : memref<128x128xf32, #tpu.memory_space<vmem>>) target(%dma_start3A_96 : memref<10240x128xf32, #tpu.memory_space<vmem_shared>>) offsets(%dma_start3A_93 : memref<128xi32, #tpu.memory_space<vmem>>) semaphore(%run_scoped3A : memref<!tpu.dma_semaphore, #tpu.memory_space<semaphore_mem>>) {add = true}
        %dma_wait3A_97 = arith.constant 0 : i32
        %dma_wait3A_98 = tpu.memref_slice %arg7[%mul3A_63, %dma_wait3A_97] : memref<40x128xi32, #tpu.memory_space<vmem>> -> memref<1x128xi32, #tpu.memory_space<vmem>>
        %dma_wait3A_99 = tpu.memref_squeeze %dma_wait3A_98 : memref<1x128xi32, #tpu.memory_space<vmem>> -> memref<128xi32, #tpu.memory_space<vmem>>
        %dma_wait3A_100 = arith.constant 0 : i32
        %dma_wait3A_101 = arith.constant 0 : i32
        %dma_wait3A_102 = tpu.memref_slice %arg10[%dma_wait3A_100, %dma_wait3A_101] : memref<10240x128xf32, #tpu.memory_space<vmem_shared>> -> memref<10240x128xf32, #tpu.memory_space<vmem_shared>>
        tpu.wait_indirect_dma semaphore(%run_scoped3A : memref<!tpu.dma_semaphore, #tpu.memory_space<semaphore_mem>>) src(%arg8 : memref<128x128xf32, #tpu.memory_space<vmem>>) dst(%dma_wait3A_102 : memref<10240x128xf32, #tpu.memory_space<vmem_shared>>)
        tpu.yield
      }) : () -> ()
      %dma_wait3A_82 = arith.constant 0 : i32
      %dma_wait3A_83 = tpu.memref_slice %arg6[%add3A_75, %dma_wait3A_82] : memref<40x128xi32, #tpu.memory_space<vmem>> -> memref<1x128xi32, #tpu.memory_space<vmem>>
      %dma_wait3A_84 = tpu.memref_squeeze %dma_wait3A_83 : memref<1x128xi32, #tpu.memory_space<vmem>> -> memref<128xi32, #tpu.memory_space<vmem>>
      %dma_wait3A_85 = arith.constant 0 : i32
      %dma_wait3A_86 = arith.constant 0 : i32
      %dma_wait3A_87 = tpu.memref_slice %arg2[%dma_wait3A_85, %dma_wait3A_86] : memref<10240x128xf32, #tpu.memory_space<hbm>> -> memref<10240x128xf32, #tpu.memory_space<hbm>>
      tpu.wait_indirect_dma semaphore(%arg12 : memref<!tpu.dma_semaphore, #tpu.memory_space<semaphore_mem>>) src(%dma_wait3A_87 : memref<10240x128xf32, #tpu.memory_space<hbm>>) dst(%arg9 : memref<128x128xf32, #tpu.memory_space<vmem>>)
      %add3A_88 = arith.constant 1 : i32
      %add3A_89 = arith.addi %mul3A_63, %add3A_88 : i32
      "tpu.region"() ({
        %run_scoped3A = tpu.sem_alloc : memref<!tpu.dma_semaphore, #tpu.memory_space<semaphore_mem>>
        %dma_start3A_91 = arith.constant 0 : i32
        %dma_start3A_92 = tpu.memref_slice %arg7[%add3A_89, %dma_start3A_91] : memref<40x128xi32, #tpu.memory_space<vmem>> -> memref<1x128xi32, #tpu.memory_space<vmem>>
        %dma_start3A_93 = tpu.memref_squeeze %dma_start3A_92 : memref<1x128xi32, #tpu.memory_space<vmem>> -> memref<128xi32, #tpu.memory_space<vmem>>
        %dma_start3A_94 = arith.constant 0 : i32
        %dma_start3A_95 = arith.constant 0 : i32
        %dma_start3A_96 = tpu.memref_slice %arg10[%dma_start3A_94, %dma_start3A_95] : memref<10240x128xf32, #tpu.memory_space<vmem_shared>> -> memref<10240x128xf32, #tpu.memory_space<vmem_shared>>
        tpu.enqueue_indirect_dma source(%arg9 : memref<128x128xf32, #tpu.memory_space<vmem>>) target(%dma_start3A_96 : memref<10240x128xf32, #tpu.memory_space<vmem_shared>>) offsets(%dma_start3A_93 : memref<128xi32, #tpu.memory_space<vmem>>) semaphore(%run_scoped3A : memref<!tpu.dma_semaphore, #tpu.memory_space<semaphore_mem>>) {add = true}
        %dma_wait3A_97 = arith.constant 0 : i32
        %dma_wait3A_98 = tpu.memref_slice %arg7[%add3A_89, %dma_wait3A_97] : memref<40x128xi32, #tpu.memory_space<vmem>> -> memref<1x128xi32, #tpu.memory_space<vmem>>
        %dma_wait3A_99 = tpu.memref_squeeze %dma_wait3A_98 : memref<1x128xi32, #tpu.memory_space<vmem>> -> memref<128xi32, #tpu.memory_space<vmem>>
        %dma_wait3A_100 = arith.constant 0 : i32
        %dma_wait3A_101 = arith.constant 0 : i32
        %dma_wait3A_102 = tpu.memref_slice %arg10[%dma_wait3A_100, %dma_wait3A_101] : memref<10240x128xf32, #tpu.memory_space<vmem_shared>> -> memref<10240x128xf32, #tpu.memory_space<vmem_shared>>
        tpu.wait_indirect_dma semaphore(%run_scoped3A : memref<!tpu.dma_semaphore, #tpu.memory_space<semaphore_mem>>) src(%arg9 : memref<128x128xf32, #tpu.memory_space<vmem>>) dst(%dma_wait3A_102 : memref<10240x128xf32, #tpu.memory_space<vmem_shared>>)
        tpu.yield
      }) : () -> ()
      %scan3A_90 = arith.constant 0 : i32
      scf.yield %scan3A_90 : i32
    }
    %scan3A_43 = arith.constant 20 : i32
    %mul3A_44 = arith.constant 160 : i32
    %mul3A_45 = arith.muli %arg1, %mul3A_44 : i32
    %add3A_46 = arith.constant 120 : i32
    %add3A_47 = arith.addi %mul3A_45, %add3A_46 : i32
    "tpu.region"() ({
      %run_scoped3A = tpu.sem_alloc : memref<!tpu.dma_semaphore, #tpu.memory_space<semaphore_mem>>
      %dma_start3A = arith.constant 0 : i32
      %dma_start3A_60 = tpu.memref_slice %arg3[%add3A_47, %dma_start3A] : memref<2560x128xi32, #tpu.memory_space<hbm>> -> memref<40x128xi32, #tpu.memory_space<hbm>>
      %dma_start3A_61 = arith.constant 0 : i32
      %dma_start3A_62 = tpu.memref_slice %arg3[%add3A_47, %dma_start3A_61] : memref<2560x128xi32, #tpu.memory_space<hbm>> -> memref<40x128xi32, #tpu.memory_space<hbm>>
      tpu.enqueue_dma source(%dma_start3A_62 : memref<40x128xi32, #tpu.memory_space<hbm>>) target(%arg6 : memref<40x128xi32, #tpu.memory_space<vmem>>) target_semaphore(%run_scoped3A : memref<!tpu.dma_semaphore, #tpu.memory_space<semaphore_mem>>)
      %dma_wait3A = arith.constant 0 : i32
      %dma_wait3A_63 = tpu.memref_slice %arg3[%add3A_47, %dma_wait3A] : memref<2560x128xi32, #tpu.memory_space<hbm>> -> memref<40x128xi32, #tpu.memory_space<hbm>>
      %dma_wait3A_64 = arith.constant 0 : i32
      %dma_wait3A_65 = tpu.memref_slice %arg3[%add3A_47, %dma_wait3A_64] : memref<2560x128xi32, #tpu.memory_space<hbm>> -> memref<40x128xi32, #tpu.memory_space<hbm>>
      tpu.wait_dma2 semaphore(%run_scoped3A : memref<!tpu.dma_semaphore, #tpu.memory_space<semaphore_mem>>) src(%dma_wait3A_65 : memref<40x128xi32, #tpu.memory_space<hbm>>) dst(%arg6 : memref<40x128xi32, #tpu.memory_space<vmem>>)
      tpu.yield
    }) : () -> ()
    "tpu.region"() ({
      %run_scoped3A = tpu.sem_alloc : memref<!tpu.dma_semaphore, #tpu.memory_space<semaphore_mem>>
      %dma_start3A = arith.constant 0 : i32
      %dma_start3A_60 = tpu.memref_slice %arg4[%add3A_47, %dma_start3A] : memref<2560x128xi32, #tpu.memory_space<hbm>> -> memref<40x128xi32, #tpu.memory_space<hbm>>
      %dma_start3A_61 = arith.constant 0 : i32
      %dma_start3A_62 = tpu.memref_slice %arg4[%add3A_47, %dma_start3A_61] : memref<2560x128xi32, #tpu.memory_space<hbm>> -> memref<40x128xi32, #tpu.memory_space<hbm>>
      tpu.enqueue_dma source(%dma_start3A_62 : memref<40x128xi32, #tpu.memory_space<hbm>>) target(%arg7 : memref<40x128xi32, #tpu.memory_space<vmem>>) target_semaphore(%run_scoped3A : memref<!tpu.dma_semaphore, #tpu.memory_space<semaphore_mem>>)
      %dma_wait3A = arith.constant 0 : i32
      %dma_wait3A_63 = tpu.memref_slice %arg4[%add3A_47, %dma_wait3A] : memref<2560x128xi32, #tpu.memory_space<hbm>> -> memref<40x128xi32, #tpu.memory_space<hbm>>
      %dma_wait3A_64 = arith.constant 0 : i32
      %dma_wait3A_65 = tpu.memref_slice %arg4[%add3A_47, %dma_wait3A_64] : memref<2560x128xi32, #tpu.memory_space<hbm>> -> memref<40x128xi32, #tpu.memory_space<hbm>>
      tpu.wait_dma2 semaphore(%run_scoped3A : memref<!tpu.dma_semaphore, #tpu.memory_space<semaphore_mem>>) src(%dma_wait3A_65 : memref<40x128xi32, #tpu.memory_space<hbm>>) dst(%arg7 : memref<40x128xi32, #tpu.memory_space<vmem>>)
      tpu.yield
    }) : () -> ()
    %scan3A_48 = arith.constant 0 : i32
    %scan3A_49 = arith.constant 0 : i32
    %scan3A_50 = arith.constant 20 : i32
    %scan3A_51 = arith.addi %scan3A_49, %scan3A_50 : i32
    %scan3A_52 = arith.constant 1 : i32
    %scan3A_53 = scf.for %scan3A_60 = %scan3A_49 to %scan3A_51 step %scan3A_52 iter_args(%scan3A_61 = %scan3A_48) -> (i32)  : i32 {
      %mul3A_62 = arith.constant 2 : i32
      %mul3A_63 = arith.muli %scan3A_60, %mul3A_62 : i32
      %dma_start3A = arith.constant 0 : i32
      %dma_start3A_64 = tpu.memref_slice %arg6[%mul3A_63, %dma_start3A] : memref<40x128xi32, #tpu.memory_space<vmem>> -> memref<1x128xi32, #tpu.memory_space<vmem>>
      %dma_start3A_65 = tpu.memref_squeeze %dma_start3A_64 : memref<1x128xi32, #tpu.memory_space<vmem>> -> memref<128xi32, #tpu.memory_space<vmem>>
      %dma_start3A_66 = arith.constant 0 : i32
      %dma_start3A_67 = arith.constant 0 : i32
      %dma_start3A_68 = tpu.memref_slice %arg2[%dma_start3A_66, %dma_start3A_67] : memref<10240x128xf32, #tpu.memory_space<hbm>> -> memref<10240x128xf32, #tpu.memory_space<hbm>>
      tpu.enqueue_indirect_dma source(%dma_start3A_68 : memref<10240x128xf32, #tpu.memory_space<hbm>>) target(%arg8 : memref<128x128xf32, #tpu.memory_space<vmem>>) offsets(%dma_start3A_65 : memref<128xi32, #tpu.memory_space<vmem>>) semaphore(%arg11 : memref<!tpu.dma_semaphore, #tpu.memory_space<semaphore_mem>>)
      %dma_wait3A = arith.constant 0 : i32
      %dma_wait3A_69 = tpu.memref_slice %arg6[%mul3A_63, %dma_wait3A] : memref<40x128xi32, #tpu.memory_space<vmem>> -> memref<1x128xi32, #tpu.memory_space<vmem>>
      %dma_wait3A_70 = tpu.memref_squeeze %dma_wait3A_69 : memref<1x128xi32, #tpu.memory_space<vmem>> -> memref<128xi32, #tpu.memory_space<vmem>>
      %dma_wait3A_71 = arith.constant 0 : i32
      %dma_wait3A_72 = arith.constant 0 : i32
      %dma_wait3A_73 = tpu.memref_slice %arg2[%dma_wait3A_71, %dma_wait3A_72] : memref<10240x128xf32, #tpu.memory_space<hbm>> -> memref<10240x128xf32, #tpu.memory_space<hbm>>
      tpu.wait_indirect_dma semaphore(%arg11 : memref<!tpu.dma_semaphore, #tpu.memory_space<semaphore_mem>>) src(%dma_wait3A_73 : memref<10240x128xf32, #tpu.memory_space<hbm>>) dst(%arg8 : memref<128x128xf32, #tpu.memory_space<vmem>>)
      %add3A_74 = arith.constant 1 : i32
      %add3A_75 = arith.addi %mul3A_63, %add3A_74 : i32
      %dma_start3A_76 = arith.constant 0 : i32
      %dma_start3A_77 = tpu.memref_slice %arg6[%add3A_75, %dma_start3A_76] : memref<40x128xi32, #tpu.memory_space<vmem>> -> memref<1x128xi32, #tpu.memory_space<vmem>>
      %dma_start3A_78 = tpu.memref_squeeze %dma_start3A_77 : memref<1x128xi32, #tpu.memory_space<vmem>> -> memref<128xi32, #tpu.memory_space<vmem>>
      %dma_start3A_79 = arith.constant 0 : i32
      %dma_start3A_80 = arith.constant 0 : i32
      %dma_start3A_81 = tpu.memref_slice %arg2[%dma_start3A_79, %dma_start3A_80] : memref<10240x128xf32, #tpu.memory_space<hbm>> -> memref<10240x128xf32, #tpu.memory_space<hbm>>
      tpu.enqueue_indirect_dma source(%dma_start3A_81 : memref<10240x128xf32, #tpu.memory_space<hbm>>) target(%arg9 : memref<128x128xf32, #tpu.memory_space<vmem>>) offsets(%dma_start3A_78 : memref<128xi32, #tpu.memory_space<vmem>>) semaphore(%arg12 : memref<!tpu.dma_semaphore, #tpu.memory_space<semaphore_mem>>)
      "tpu.region"() ({
        %run_scoped3A = tpu.sem_alloc : memref<!tpu.dma_semaphore, #tpu.memory_space<semaphore_mem>>
        %dma_start3A_91 = arith.constant 0 : i32
        %dma_start3A_92 = tpu.memref_slice %arg7[%mul3A_63, %dma_start3A_91] : memref<40x128xi32, #tpu.memory_space<vmem>> -> memref<1x128xi32, #tpu.memory_space<vmem>>
        %dma_start3A_93 = tpu.memref_squeeze %dma_start3A_92 : memref<1x128xi32, #tpu.memory_space<vmem>> -> memref<128xi32, #tpu.memory_space<vmem>>
        %dma_start3A_94 = arith.constant 0 : i32
        %dma_start3A_95 = arith.constant 0 : i32
        %dma_start3A_96 = tpu.memref_slice %arg10[%dma_start3A_94, %dma_start3A_95] : memref<10240x128xf32, #tpu.memory_space<vmem_shared>> -> memref<10240x128xf32, #tpu.memory_space<vmem_shared>>
        tpu.enqueue_indirect_dma source(%arg8 : memref<128x128xf32, #tpu.memory_space<vmem>>) target(%dma_start3A_96 : memref<10240x128xf32, #tpu.memory_space<vmem_shared>>) offsets(%dma_start3A_93 : memref<128xi32, #tpu.memory_space<vmem>>) semaphore(%run_scoped3A : memref<!tpu.dma_semaphore, #tpu.memory_space<semaphore_mem>>) {add = true}
        %dma_wait3A_97 = arith.constant 0 : i32
        %dma_wait3A_98 = tpu.memref_slice %arg7[%mul3A_63, %dma_wait3A_97] : memref<40x128xi32, #tpu.memory_space<vmem>> -> memref<1x128xi32, #tpu.memory_space<vmem>>
        %dma_wait3A_99 = tpu.memref_squeeze %dma_wait3A_98 : memref<1x128xi32, #tpu.memory_space<vmem>> -> memref<128xi32, #tpu.memory_space<vmem>>
        %dma_wait3A_100 = arith.constant 0 : i32
        %dma_wait3A_101 = arith.constant 0 : i32
        %dma_wait3A_102 = tpu.memref_slice %arg10[%dma_wait3A_100, %dma_wait3A_101] : memref<10240x128xf32, #tpu.memory_space<vmem_shared>> -> memref<10240x128xf32, #tpu.memory_space<vmem_shared>>
        tpu.wait_indirect_dma semaphore(%run_scoped3A : memref<!tpu.dma_semaphore, #tpu.memory_space<semaphore_mem>>) src(%arg8 : memref<128x128xf32, #tpu.memory_space<vmem>>) dst(%dma_wait3A_102 : memref<10240x128xf32, #tpu.memory_space<vmem_shared>>)
        tpu.yield
      }) : () -> ()
      %dma_wait3A_82 = arith.constant 0 : i32
      %dma_wait3A_83 = tpu.memref_slice %arg6[%add3A_75, %dma_wait3A_82] : memref<40x128xi32, #tpu.memory_space<vmem>> -> memref<1x128xi32, #tpu.memory_space<vmem>>
      %dma_wait3A_84 = tpu.memref_squeeze %dma_wait3A_83 : memref<1x128xi32, #tpu.memory_space<vmem>> -> memref<128xi32, #tpu.memory_space<vmem>>
      %dma_wait3A_85 = arith.constant 0 : i32
      %dma_wait3A_86 = arith.constant 0 : i32
      %dma_wait3A_87 = tpu.memref_slice %arg2[%dma_wait3A_85, %dma_wait3A_86] : memref<10240x128xf32, #tpu.memory_space<hbm>> -> memref<10240x128xf32, #tpu.memory_space<hbm>>
      tpu.wait_indirect_dma semaphore(%arg12 : memref<!tpu.dma_semaphore, #tpu.memory_space<semaphore_mem>>) src(%dma_wait3A_87 : memref<10240x128xf32, #tpu.memory_space<hbm>>) dst(%arg9 : memref<128x128xf32, #tpu.memory_space<vmem>>)
      %add3A_88 = arith.constant 1 : i32
      %add3A_89 = arith.addi %mul3A_63, %add3A_88 : i32
      "tpu.region"() ({
        %run_scoped3A = tpu.sem_alloc : memref<!tpu.dma_semaphore, #tpu.memory_space<semaphore_mem>>
        %dma_start3A_91 = arith.constant 0 : i32
        %dma_start3A_92 = tpu.memref_slice %arg7[%add3A_89, %dma_start3A_91] : memref<40x128xi32, #tpu.memory_space<vmem>> -> memref<1x128xi32, #tpu.memory_space<vmem>>
        %dma_start3A_93 = tpu.memref_squeeze %dma_start3A_92 : memref<1x128xi32, #tpu.memory_space<vmem>> -> memref<128xi32, #tpu.memory_space<vmem>>
        %dma_start3A_94 = arith.constant 0 : i32
        %dma_start3A_95 = arith.constant 0 : i32
        %dma_start3A_96 = tpu.memref_slice %arg10[%dma_start3A_94, %dma_start3A_95] : memref<10240x128xf32, #tpu.memory_space<vmem_shared>> -> memref<10240x128xf32, #tpu.memory_space<vmem_shared>>
        tpu.enqueue_indirect_dma source(%arg9 : memref<128x128xf32, #tpu.memory_space<vmem>>) target(%dma_start3A_96 : memref<10240x128xf32, #tpu.memory_space<vmem_shared>>) offsets(%dma_start3A_93 : memref<128xi32, #tpu.memory_space<vmem>>) semaphore(%run_scoped3A : memref<!tpu.dma_semaphore, #tpu.memory_space<semaphore_mem>>) {add = true}
        %dma_wait3A_97 = arith.constant 0 : i32
        %dma_wait3A_98 = tpu.memref_slice %arg7[%add3A_89, %dma_wait3A_97] : memref<40x128xi32, #tpu.memory_space<vmem>> -> memref<1x128xi32, #tpu.memory_space<vmem>>
        %dma_wait3A_99 = tpu.memref_squeeze %dma_wait3A_98 : memref<1x128xi32, #tpu.memory_space<vmem>> -> memref<128xi32, #tpu.memory_space<vmem>>
        %dma_wait3A_100 = arith.constant 0 : i32
        %dma_wait3A_101 = arith.constant 0 : i32
        %dma_wait3A_102 = tpu.memref_slice %arg10[%dma_wait3A_100, %dma_wait3A_101] : memref<10240x128xf32, #tpu.memory_space<vmem_shared>> -> memref<10240x128xf32, #tpu.memory_space<vmem_shared>>
        tpu.wait_indirect_dma semaphore(%run_scoped3A : memref<!tpu.dma_semaphore, #tpu.memory_space<semaphore_mem>>) src(%arg9 : memref<128x128xf32, #tpu.memory_space<vmem>>) dst(%dma_wait3A_102 : memref<10240x128xf32, #tpu.memory_space<vmem_shared>>)
        tpu.yield
      }) : () -> ()
      %scan3A_90 = arith.constant 0 : i32
      scf.yield %scan3A_90 : i32
    }
    %scan3A_54 = arith.constant 20 : i32
    %barrier3A_55 = arith.constant 0 : index
    tpu.barrier barrier_id(%barrier3A_55)
    %mul3A_56 = arith.constant 640 : i32
    %mul3A_57 = arith.muli %arg1, %mul3A_56 : i32
    %mul3A_58 = arith.constant 640 : i32
    %mul3A_59 = arith.muli %arg1, %mul3A_58 : i32
    "tpu.region"() ({
      %run_scoped3A = tpu.sem_alloc : memref<!tpu.dma_semaphore, #tpu.memory_space<semaphore_mem>>
      %dma_start3A = arith.constant 0 : i32
      %dma_start3A_60 = tpu.memref_slice %arg5[%mul3A_59, %dma_start3A] : memref<10240x128xf32, #tpu.memory_space<hbm>> -> memref<640x128xf32, #tpu.memory_space<hbm>>
      %dma_start3A_61 = arith.constant 0 : i32
      %dma_start3A_62 = tpu.memref_slice %arg10[%mul3A_57, %dma_start3A_61] : memref<10240x128xf32, #tpu.memory_space<vmem_shared>> -> memref<640x128xf32, #tpu.memory_space<vmem_shared>>
      tpu.enqueue_dma source(%dma_start3A_62 : memref<640x128xf32, #tpu.memory_space<vmem_shared>>) target(%dma_start3A_60 : memref<640x128xf32, #tpu.memory_space<hbm>>) target_semaphore(%run_scoped3A : memref<!tpu.dma_semaphore, #tpu.memory_space<semaphore_mem>>)
      %dma_wait3A = arith.constant 0 : i32
      %dma_wait3A_63 = tpu.memref_slice %arg5[%mul3A_59, %dma_wait3A] : memref<10240x128xf32, #tpu.memory_space<hbm>> -> memref<640x128xf32, #tpu.memory_space<hbm>>
      %dma_wait3A_64 = arith.constant 0 : i32
      %dma_wait3A_65 = tpu.memref_slice %arg10[%mul3A_57, %dma_wait3A_64] : memref<10240x128xf32, #tpu.memory_space<vmem_shared>> -> memref<640x128xf32, #tpu.memory_space<vmem_shared>>
      tpu.wait_dma2 semaphore(%run_scoped3A : memref<!tpu.dma_semaphore, #tpu.memory_space<semaphore_mem>>) src(%dma_wait3A_65 : memref<640x128xf32, #tpu.memory_space<vmem_shared>>) dst(%dma_wait3A_63 : memref<640x128xf32, #tpu.memory_space<hbm>>)
      tpu.yield
    }) : () -> ()
    return
  }
}

module attributes {stable_mosaic.version = 14 : i64} {
  func.func @_tc1_body(%arg0: i32, %arg1: memref<2x1024x16xf32, #tpu.memory_space<vmem>>, %arg2: memref<1024x128xf32, #tpu.memory_space<vmem>>, %arg3: memref<128x128xf32, #tpu.memory_space<vmem>>, %arg4: memref<1024x128xf32, #tpu.memory_space<vmem>>, %arg5: memref<1024x128xf32, #tpu.memory_space<vmem>>) attributes {dimension_semantics = [#tpu.dimension_semantics<arbitrary>], iteration_bounds = array<i64: 10>, scalar_prefetch = 0 : i64, scratch_operands = 0 : i64, tpu.core_type = #tpu.core_type<tc>, window_params = [{transform_indices = @transform_0, window_bounds = array<i64: 2, 1024, 16>}, {transform_indices = @transform_1, window_bounds = array<i64: 1024, 128>}, {pipeline_mode = #tpu.pipeline_mode<synchronous>, transform_indices = @transform_2, window_bounds = array<i64: 128, 128>}, {transform_indices = @transform_3, window_bounds = array<i64: 1024, 128>}, {transform_indices = @transform_4, window_bounds = array<i64: 1024, 128>}]} {
    %get3A = arith.constant 0 : index
    %get3A_0 = arith.constant 0 : index
    %get3A_1 = arith.constant 0 : index
    %get3A_2 = vector.load %arg1[%get3A, %get3A_0, %get3A_1] : memref<2x1024x16xf32, #tpu.memory_space<vmem>>, vector<1x1024x1xf32>
    %get3A_3 = vector.shape_cast %get3A_2 : vector<1x1024x1xf32> to vector<1024x1xf32>
    %get3A_4 = arith.constant 1 : index
    %get3A_5 = arith.constant 0 : index
    %get3A_6 = arith.constant 0 : index
    %get3A_7 = vector.load %arg1[%get3A_4, %get3A_5, %get3A_6] : memref<2x1024x16xf32, #tpu.memory_space<vmem>>, vector<1x1024x1xf32>
    %get3A_8 = vector.shape_cast %get3A_7 : vector<1x1024x1xf32> to vector<1024x1xf32>
    %add3A = arith.addf %get3A_3, %get3A_8 : vector<1024x1xf32>
    %add3A_9 = arith.constant 1.000000e+00 : f32
    %add3A_10 = vector.broadcast %add3A_9 : f32 to vector<1024x1xf32>
    %add3A_11 = arith.addf %add3A, %add3A_10 : vector<1024x1xf32>
    %rsqrt3A = math.rsqrt %add3A_11 : vector<1024x1xf32>
    %get3A_12 = arith.constant 0 : index
    %get3A_13 = arith.constant 0 : index
    %get3A_14 = vector.load %arg2[%get3A_12, %get3A_13] : memref<1024x128xf32, #tpu.memory_space<vmem>>, vector<1024x128xf32>
    %get3A_15 = arith.constant 0 : index
    %get3A_16 = arith.constant 0 : index
    %get3A_17 = vector.load %arg3[%get3A_15, %get3A_16] : memref<128x128xf32, #tpu.memory_space<vmem>>, vector<128x128xf32>
    %dot_general3A = arith.constant dense<0.000000e+00> : vector<1024x128xf32>
    %dot_general3A_18 = tpu.matmul %get3A_14, %get3A_17, %dot_general3A {dimension_numbers = #tpu.dot_dimension_numbers<[1], [0], [0], [1], [0, 0, 1, 1], [], []>, transpose_lhs_hint = false} : vector<1024x128xf32>, vector<128x128xf32>, vector<1024x128xf32> -> vector<1024x128xf32>
    %mul3A = vector.broadcast %rsqrt3A : vector<1024x1xf32> to vector<1024x128xf32>
    %mul3A_19 = arith.mulf %dot_general3A_18, %mul3A : vector<1024x128xf32>
    %swap3A = arith.constant 0 : index
    %swap3A_20 = arith.constant 0 : index
    %swap3A_21 = vector.load %arg4[%swap3A, %swap3A_20] : memref<1024x128xf32, #tpu.memory_space<vmem>>, vector<1024x128xf32>
    tpu.vector_store %arg4[%swap3A, %swap3A_20], %mul3A_19 {strides = array<i32>} : memref<1024x128xf32, #tpu.memory_space<vmem>>, vector<1024x128xf32>,
    %broadcast_in_dim3A = vector.shape_cast %rsqrt3A : vector<1024x1xf32> to vector<1024x1xf32>
    %broadcast_in_dim3A_22 = vector.broadcast %broadcast_in_dim3A : vector<1024x1xf32> to vector<1024x128xf32>
    %swap3A_23 = arith.constant 0 : index
    %swap3A_24 = arith.constant 0 : index
    %swap3A_25 = vector.load %arg5[%swap3A_23, %swap3A_24] : memref<1024x128xf32, #tpu.memory_space<vmem>>, vector<1024x128xf32>
    tpu.vector_store %arg5[%swap3A_23, %swap3A_24], %broadcast_in_dim3A_22 {strides = array<i32>} : memref<1024x128xf32, #tpu.memory_space<vmem>>, vector<1024x128xf32>,
    return
  }
  func.func @transform_0(%arg0: i32) -> (i32, i32, i32) {
    %c0_i32 = arith.constant 0 : i32
    %c0_i32_0 = arith.constant 0 : i32
    %c0_i32_1 = arith.constant 0 : i32
    return %c0_i32, %arg0, %c0_i32_0 : i32, i32, i32
  }
  func.func @transform_1(%arg0: i32) -> (i32, i32) {
    %c0_i32 = arith.constant 0 : i32
    %c0_i32_0 = arith.constant 0 : i32
    return %arg0, %c0_i32 : i32, i32
  }
  func.func @transform_2(%arg0: i32) -> (i32, i32) {
    %c0_i32 = arith.constant 0 : i32
    %c0_i32_0 = arith.constant 0 : i32
    %c0_i32_1 = arith.constant 0 : i32
    return %c0_i32, %c0_i32_0 : i32, i32
  }
  func.func @transform_3(%arg0: i32) -> (i32, i32) {
    %c0_i32 = arith.constant 0 : i32
    %c0_i32_0 = arith.constant 0 : i32
    return %arg0, %c0_i32 : i32, i32
  }
  func.func @transform_4(%arg0: i32) -> (i32, i32) {
    %c0_i32 = arith.constant 0 : i32
    %c0_i32_0 = arith.constant 0 : i32
    return %arg0, %c0_i32 : i32, i32
  }
}

module attributes {stable_mosaic.version = 14 : i64} {
  func.func @_tc2_body(%arg0: i32, %arg1: memref<1024x128xf32, #tpu.memory_space<vmem>>, %arg2: memref<1024x128xf32, #tpu.memory_space<vmem>>, %arg3: memref<1024x128xf32, #tpu.memory_space<vmem>>, %arg4: memref<1x128xf32, #tpu.memory_space<vmem>>, %arg5: memref<128x128xf32, #tpu.memory_space<vmem>>, %arg6: memref<1024x128xf32, #tpu.memory_space<vmem>>) attributes {dimension_semantics = [#tpu.dimension_semantics<arbitrary>], iteration_bounds = array<i64: 10>, scalar_prefetch = 0 : i64, scratch_operands = 0 : i64, tpu.core_type = #tpu.core_type<tc>, window_params = [{transform_indices = @transform_0, window_bounds = array<i64: 1024, 128>}, {transform_indices = @transform_1, window_bounds = array<i64: 1024, 128>}, {transform_indices = @transform_2, window_bounds = array<i64: 1024, 128>}, {pipeline_mode = #tpu.pipeline_mode<synchronous>, transform_indices = @transform_3, window_bounds = array<i64: 1, 128>}, {pipeline_mode = #tpu.pipeline_mode<synchronous>, transform_indices = @transform_4, window_bounds = array<i64: 128, 128>}, {transform_indices = @transform_5, window_bounds = array<i64: 1024, 128>}]} {
    %get3A = arith.constant 0 : index
    %get3A_0 = arith.constant 0 : index
    %get3A_1 = vector.load %arg1[%get3A, %get3A_0] : memref<1024x128xf32, #tpu.memory_space<vmem>>, vector<1024x128xf32>
    %get3A_2 = arith.constant 0 : index
    %get3A_3 = arith.constant 0 : index
    %get3A_4 = vector.load %arg2[%get3A_2, %get3A_3] : memref<1024x128xf32, #tpu.memory_space<vmem>>, vector<1024x128xf32>
    %add3A = arith.addf %get3A_1, %get3A_4 : vector<1024x128xf32>
    %get3A_5 = arith.constant 0 : index
    %get3A_6 = arith.constant 0 : index
    %get3A_7 = vector.load %arg3[%get3A_5, %get3A_6] : memref<1024x128xf32, #tpu.memory_space<vmem>>, vector<1024x128xf32>
    %mul3A = arith.mulf %add3A, %get3A_7 : vector<1024x128xf32>
    %get3A_8 = arith.constant 0 : index
    %get3A_9 = arith.constant 0 : index
    %get3A_10 = vector.load %arg4[%get3A_8, %get3A_9] : memref<1x128xf32, #tpu.memory_space<vmem>>, vector<1x128xf32>
    %add3A_11 = vector.broadcast %get3A_10 : vector<1x128xf32> to vector<1024x128xf32>
    %add3A_12 = arith.addf %mul3A, %add3A_11 : vector<1024x128xf32>
    %max3A = arith.constant 0.000000e+00 : f32
    %max3A_13 = vector.broadcast %max3A : f32 to vector<1024x128xf32>
    %max3A_14 = arith.maximumf %add3A_12, %max3A_13 : vector<1024x128xf32>
    %get3A_15 = arith.constant 0 : index
    %get3A_16 = arith.constant 0 : index
    %get3A_17 = vector.load %arg5[%get3A_15, %get3A_16] : memref<128x128xf32, #tpu.memory_space<vmem>>, vector<128x128xf32>
    %dot_general3A = arith.constant dense<0.000000e+00> : vector<1024x128xf32>
    %dot_general3A_18 = tpu.matmul %max3A_14, %get3A_17, %dot_general3A {dimension_numbers = #tpu.dot_dimension_numbers<[1], [0], [0], [1], [0, 0, 1, 1], [], []>, transpose_lhs_hint = false} : vector<1024x128xf32>, vector<128x128xf32>, vector<1024x128xf32> -> vector<1024x128xf32>
    %get3A_19 = arith.constant 0 : index
    %get3A_20 = arith.constant 0 : index
    %get3A_21 = vector.load %arg3[%get3A_19, %get3A_20] : memref<1024x128xf32, #tpu.memory_space<vmem>>, vector<1024x128xf32>
    %mul3A_22 = arith.mulf %dot_general3A_18, %get3A_21 : vector<1024x128xf32>
    %swap3A = arith.constant 0 : index
    %swap3A_23 = arith.constant 0 : index
    %swap3A_24 = vector.load %arg6[%swap3A, %swap3A_23] : memref<1024x128xf32, #tpu.memory_space<vmem>>, vector<1024x128xf32>
    tpu.vector_store %arg6[%swap3A, %swap3A_23], %mul3A_22 {strides = array<i32>} : memref<1024x128xf32, #tpu.memory_space<vmem>>, vector<1024x128xf32>,
    return
  }
  func.func @transform_0(%arg0: i32) -> (i32, i32) {
    %c0_i32 = arith.constant 0 : i32
    %c0_i32_0 = arith.constant 0 : i32
    return %arg0, %c0_i32 : i32, i32
  }
  func.func @transform_1(%arg0: i32) -> (i32, i32) {
    %c0_i32 = arith.constant 0 : i32
    %c0_i32_0 = arith.constant 0 : i32
    return %arg0, %c0_i32 : i32, i32
  }
  func.func @transform_2(%arg0: i32) -> (i32, i32) {
    %c0_i32 = arith.constant 0 : i32
    %c0_i32_0 = arith.constant 0 : i32
    return %arg0, %c0_i32 : i32, i32
  }
  func.func @transform_3(%arg0: i32) -> (i32, i32) {
    %c0_i32 = arith.constant 0 : i32
    %c0_i32_0 = arith.constant 0 : i32
    %c0_i32_1 = arith.constant 0 : i32
    return %c0_i32, %c0_i32_0 : i32, i32
  }
  func.func @transform_4(%arg0: i32) -> (i32, i32) {
    %c0_i32 = arith.constant 0 : i32
    %c0_i32_0 = arith.constant 0 : i32
    %c0_i32_1 = arith.constant 0 : i32
    return %c0_i32, %c0_i32_0 : i32, i32
  }
  func.func @transform_5(%arg0: i32) -> (i32, i32) {
    %c0_i32 = arith.constant 0 : i32
    %c0_i32_0 = arith.constant 0 : i32
    return %arg0, %c0_i32 : i32, i32
  }
}

module attributes {stable_mosaic.version = 14 : i64} {
  func.func @_tc3_body(%arg0: i32, %arg1: memref<1024x128xf32, #tpu.memory_space<vmem>>, %arg2: memref<1024x128xf32, #tpu.memory_space<vmem>>, %arg3: memref<1024x128xf32, #tpu.memory_space<vmem>>, %arg4: memref<1x128xf32, #tpu.memory_space<vmem>>, %arg5: memref<1024x1xi32, #tpu.memory_space<vmem>>, %arg6: memref<128x16xf32, #tpu.memory_space<vmem>>, %arg7: memref<1x16xf32, #tpu.memory_space<vmem>>, %arg8: memref<64x16xf32, #tpu.memory_space<vmem>>, %arg9: memref<64x128xf32, #tpu.memory_space<vmem>>, %arg10: memref<64x1xf32, #tpu.memory_space<vmem>>) attributes {dimension_semantics = [#tpu.dimension_semantics<arbitrary>], iteration_bounds = array<i64: 10>, scalar_prefetch = 0 : i64, scratch_operands = 2 : i64, tpu.core_type = #tpu.core_type<tc>, window_params = [{transform_indices = @transform_0, window_bounds = array<i64: 1024, 128>}, {transform_indices = @transform_1, window_bounds = array<i64: 1024, 128>}, {transform_indices = @transform_2, window_bounds = array<i64: 1024, 128>}, {pipeline_mode = #tpu.pipeline_mode<synchronous>, transform_indices = @transform_3, window_bounds = array<i64: 1, 128>}, {transform_indices = @transform_4, window_bounds = array<i64: 1024, 1>}, {pipeline_mode = #tpu.pipeline_mode<synchronous>, transform_indices = @transform_5, window_bounds = array<i64: 128, 16>}, {pipeline_mode = #tpu.pipeline_mode<synchronous>, transform_indices = @transform_6, window_bounds = array<i64: 1, 16>}, {pipeline_mode = #tpu.pipeline_mode<synchronous>, transform_indices = @transform_7, window_bounds = array<i64: 64, 16>}]} {
    %get3A = arith.constant 0 : index
    %get3A_0 = arith.constant 0 : index
    %get3A_1 = vector.load %arg1[%get3A, %get3A_0] : memref<1024x128xf32, #tpu.memory_space<vmem>>, vector<1024x128xf32>
    %get3A_2 = arith.constant 0 : index
    %get3A_3 = arith.constant 0 : index
    %get3A_4 = vector.load %arg2[%get3A_2, %get3A_3] : memref<1024x128xf32, #tpu.memory_space<vmem>>, vector<1024x128xf32>
    %add3A = arith.addf %get3A_1, %get3A_4 : vector<1024x128xf32>
    %get3A_5 = arith.constant 0 : index
    %get3A_6 = arith.constant 0 : index
    %get3A_7 = vector.load %arg3[%get3A_5, %get3A_6] : memref<1024x128xf32, #tpu.memory_space<vmem>>, vector<1024x128xf32>
    %mul3A = arith.mulf %add3A, %get3A_7 : vector<1024x128xf32>
    %get3A_8 = arith.constant 0 : index
    %get3A_9 = arith.constant 0 : index
    %get3A_10 = vector.load %arg4[%get3A_8, %get3A_9] : memref<1x128xf32, #tpu.memory_space<vmem>>, vector<1x128xf32>
    %add3A_11 = vector.broadcast %get3A_10 : vector<1x128xf32> to vector<1024x128xf32>
    %add3A_12 = arith.addf %mul3A, %add3A_11 : vector<1024x128xf32>
    %max3A = arith.constant 0.000000e+00 : f32
    %max3A_13 = vector.broadcast %max3A : f32 to vector<1024x128xf32>
    %max3A_14 = arith.maximumf %add3A_12, %max3A_13 : vector<1024x128xf32>
    %iota3A = tpu.iota {dimensions = array<i32: 1>} : vector<1x64xi32>
    %get3A_15 = arith.constant 0 : index
    %get3A_16 = arith.constant 0 : index
    %get3A_17 = vector.load %arg5[%get3A_15, %get3A_16] : memref<1024x1xi32, #tpu.memory_space<vmem>>, vector<1024x1xi32>
    %eq3A = vector.broadcast %get3A_17 : vector<1024x1xi32> to vector<1024x64xi32>
    %eq3A_18 = vector.broadcast %iota3A : vector<1x64xi32> to vector<1024x64xi32>
    %eq3A_19 = arith.cmpi eq, %eq3A, %eq3A_18 : vector<1024x64xi32>
    %convert_element_type3A = arith.extui %eq3A_19 : vector<1024x64xi1> to vector<1024x64xi32>
    %convert_element_type3A_20 = arith.sitofp %convert_element_type3A : vector<1024x64xi32> to vector<1024x64xf32>
    %dot_general3A = arith.constant dense<0.000000e+00> : vector<64x128xf32>
    %dot_general3A_21 = tpu.matmul %convert_element_type3A_20, %max3A_14, %dot_general3A {dimension_numbers = #tpu.dot_dimension_numbers<[0], [0], [1], [1], [0, 1, 1, 1], [], []>, transpose_lhs_hint = false} : vector<1024x64xf32>, vector<1024x128xf32>, vector<64x128xf32> -> vector<64x128xf32>
    %broadcast_in_dim3A = arith.constant 1.000000e+00 : f32
    %broadcast_in_dim3A_22 = vector.broadcast %broadcast_in_dim3A : f32 to vector<1024x1xf32>
    %dot_general3A_23 = arith.constant dense<0.000000e+00> : vector<64x1xf32>
    %dot_general3A_24 = tpu.matmul %convert_element_type3A_20, %broadcast_in_dim3A_22, %dot_general3A_23 {dimension_numbers = #tpu.dot_dimension_numbers<[0], [0], [1], [1], [0, 1, 1, 1], [], []>, transpose_lhs_hint = false} : vector<1024x64xf32>, vector<1024x1xf32>, vector<64x1xf32> -> vector<64x1xf32>
    %eq3A_25 = arith.constant 0 : i32
    %eq3A_26 = arith.cmpi eq, %arg0, %eq3A_25 : i32
    %convert_element_type3A_27 = arith.extui %eq3A_26 : i1 to i32
    %cond3A = arith.constant 0 : i32
    %cond3A_28 = arith.cmpi ne, %convert_element_type3A_27, %cond3A : i32
    scf.if %cond3A_28 {
      %swap3A = arith.constant 0 : index
      %swap3A_38 = arith.constant 0 : index
      %swap3A_39 = vector.load %arg9[%swap3A, %swap3A_38] : memref<64x128xf32, #tpu.memory_space<vmem>>, vector<64x128xf32>
      tpu.vector_store %arg9[%swap3A, %swap3A_38], %dot_general3A_21 {strides = array<i32>} : memref<64x128xf32, #tpu.memory_space<vmem>>, vector<64x128xf32>,
      %swap3A_40 = arith.constant 0 : index
      %swap3A_41 = arith.constant 0 : index
      %swap3A_42 = vector.load %arg10[%swap3A_40, %swap3A_41] : memref<64x1xf32, #tpu.memory_space<vmem>>, vector<64x1xf32>
      tpu.vector_store %arg10[%swap3A_40, %swap3A_41], %dot_general3A_24 {strides = array<i32>} : memref<64x1xf32, #tpu.memory_space<vmem>>, vector<64x1xf32>,
    } else {
    }
    %gt3A = arith.constant 0 : i32
    %gt3A_29 = arith.cmpi sgt, %arg0, %gt3A : i32
    %convert_element_type3A_30 = arith.extui %gt3A_29 : i1 to i32
    %cond3A_31 = arith.constant 0 : i32
    %cond3A_32 = arith.cmpi ne, %convert_element_type3A_30, %cond3A_31 : i32
    scf.if %cond3A_32 {
      %get3A_38 = arith.constant 0 : index
      %get3A_39 = arith.constant 0 : index
      %get3A_40 = vector.load %arg9[%get3A_38, %get3A_39] : memref<64x128xf32, #tpu.memory_space<vmem>>, vector<64x128xf32>
      %add3A_41 = arith.addf %get3A_40, %dot_general3A_21 : vector<64x128xf32>
      %swap3A = arith.constant 0 : index
      %swap3A_42 = arith.constant 0 : index
      %swap3A_43 = vector.load %arg9[%swap3A, %swap3A_42] : memref<64x128xf32, #tpu.memory_space<vmem>>, vector<64x128xf32>
      tpu.vector_store %arg9[%swap3A, %swap3A_42], %add3A_41 {strides = array<i32>} : memref<64x128xf32, #tpu.memory_space<vmem>>, vector<64x128xf32>,
      %get3A_44 = arith.constant 0 : index
      %get3A_45 = arith.constant 0 : index
      %get3A_46 = vector.load %arg10[%get3A_44, %get3A_45] : memref<64x1xf32, #tpu.memory_space<vmem>>, vector<64x1xf32>
      %add3A_47 = arith.addf %get3A_46, %dot_general3A_24 : vector<64x1xf32>
      %swap3A_48 = arith.constant 0 : index
      %swap3A_49 = arith.constant 0 : index
      %swap3A_50 = vector.load %arg10[%swap3A_48, %swap3A_49] : memref<64x1xf32, #tpu.memory_space<vmem>>, vector<64x1xf32>
      tpu.vector_store %arg10[%swap3A_48, %swap3A_49], %add3A_47 {strides = array<i32>} : memref<64x1xf32, #tpu.memory_space<vmem>>, vector<64x1xf32>,
    } else {
    }
    %eq3A_33 = arith.constant 9 : i32
    %eq3A_34 = arith.cmpi eq, %arg0, %eq3A_33 : i32
    %convert_element_type3A_35 = arith.extui %eq3A_34 : i1 to i32
    %cond3A_36 = arith.constant 0 : i32
    %cond3A_37 = arith.cmpi ne, %convert_element_type3A_35, %cond3A_36 : i32
    scf.if %cond3A_37 {
      %get3A_38 = arith.constant 0 : index
      %get3A_39 = arith.constant 0 : index
      %get3A_40 = vector.load %arg9[%get3A_38, %get3A_39] : memref<64x128xf32, #tpu.memory_space<vmem>>, vector<64x128xf32>
      %get3A_41 = arith.constant 0 : index
      %get3A_42 = arith.constant 0 : index
      %get3A_43 = vector.load %arg10[%get3A_41, %get3A_42] : memref<64x1xf32, #tpu.memory_space<vmem>>, vector<64x1xf32>
      %max3A_44 = arith.constant 1.000000e+00 : f32
      %max3A_45 = vector.broadcast %max3A_44 : f32 to vector<64x1xf32>
      %max3A_46 = arith.maximumf %get3A_43, %max3A_45 : vector<64x1xf32>
      %div3A = vector.broadcast %max3A_46 : vector<64x1xf32> to vector<64x128xf32>
      %div3A_47 = arith.divf %get3A_40, %div3A : vector<64x128xf32>
      %get3A_48 = arith.constant 0 : index
      %get3A_49 = arith.constant 0 : index
      %get3A_50 = vector.load %arg6[%get3A_48, %get3A_49] : memref<128x16xf32, #tpu.memory_space<vmem>>, vector<128x16xf32>
      %dot_general3A_51 = arith.constant dense<0.000000e+00> : vector<64x16xf32>
      %dot_general3A_52 = tpu.matmul %div3A_47, %get3A_50, %dot_general3A_51 {dimension_numbers = #tpu.dot_dimension_numbers<[1], [0], [0], [1], [0, 0, 1, 1], [], []>, transpose_lhs_hint = false} : vector<64x128xf32>, vector<128x16xf32>, vector<64x16xf32> -> vector<64x16xf32>
      %get3A_53 = arith.constant 0 : index
      %get3A_54 = arith.constant 0 : index
      %get3A_55 = vector.load %arg7[%get3A_53, %get3A_54] : memref<1x16xf32, #tpu.memory_space<vmem>>, vector<1x16xf32>
      %add3A_56 = vector.broadcast %get3A_55 : vector<1x16xf32> to vector<64x16xf32>
      %add3A_57 = arith.addf %dot_general3A_52, %add3A_56 : vector<64x16xf32>
      %swap3A = arith.constant 0 : index
      %swap3A_58 = arith.constant 0 : index
      %swap3A_59 = vector.load %arg8[%swap3A, %swap3A_58] : memref<64x16xf32, #tpu.memory_space<vmem>>, vector<64x16xf32>
      tpu.vector_store %arg8[%swap3A, %swap3A_58], %add3A_57 {strides = array<i32>} : memref<64x16xf32, #tpu.memory_space<vmem>>, vector<64x16xf32>,
    } else {
    }
    return
  }
  func.func @transform_0(%arg0: i32) -> (i32, i32) {
    %c0_i32 = arith.constant 0 : i32
    %c0_i32_0 = arith.constant 0 : i32
    return %arg0, %c0_i32 : i32, i32
  }
  func.func @transform_1(%arg0: i32) -> (i32, i32) {
    %c0_i32 = arith.constant 0 : i32
    %c0_i32_0 = arith.constant 0 : i32
    return %arg0, %c0_i32 : i32, i32
  }
  func.func @transform_2(%arg0: i32) -> (i32, i32) {
    %c0_i32 = arith.constant 0 : i32
    %c0_i32_0 = arith.constant 0 : i32
    return %arg0, %c0_i32 : i32, i32
  }
  func.func @transform_3(%arg0: i32) -> (i32, i32) {
    %c0_i32 = arith.constant 0 : i32
    %c0_i32_0 = arith.constant 0 : i32
    %c0_i32_1 = arith.constant 0 : i32
    return %c0_i32, %c0_i32_0 : i32, i32
  }
  func.func @transform_4(%arg0: i32) -> (i32, i32) {
    %c0_i32 = arith.constant 0 : i32
    %c0_i32_0 = arith.constant 0 : i32
    return %arg0, %c0_i32 : i32, i32
  }
  func.func @transform_5(%arg0: i32) -> (i32, i32) {
    %c0_i32 = arith.constant 0 : i32
    %c0_i32_0 = arith.constant 0 : i32
    %c0_i32_1 = arith.constant 0 : i32
    return %c0_i32, %c0_i32_0 : i32, i32
  }
  func.func @transform_6(%arg0: i32) -> (i32, i32) {
    %c0_i32 = arith.constant 0 : i32
    %c0_i32_0 = arith.constant 0 : i32
    %c0_i32_1 = arith.constant 0 : i32
    return %c0_i32, %c0_i32_0 : i32, i32
  }
  func.func @transform_7(%arg0: i32) -> (i32, i32) {
    %c0_i32 = arith.constant 0 : i32
    %c0_i32_0 = arith.constant 0 : i32
    %c0_i32_1 = arith.constant 0 : i32
    return %c0_i32, %c0_i32_0 : i32, i32
  }
}

</mosaic_0001>

<sc_bundles>
// kernel: kernel.11.cloned.1.call-start
scs
__scs_entry_jumppad:
0x0: {  	(pc) =	sbr.rel $0x88, $3  }
0x1: {  	(tag) =	ssettag $0x0;
	lr =	simm.s32 $0x1  }
0x2: {  	[smem:$0x3F98] =	sst lr;
	_ =	strace $0xD0000000  }
0x3: {  	_ = 	snop  }
0x4: {  	_ = 	snop  }
0x5: {  	_ = 	snop  }
0x6: {  	_ = 	snop  }
0x7: {  	_ = 	snop  }
__scs_overlays_trampoline_lowered:
0x8: {  	[smem:$0x3FA7] =	sst s0  }
0x9: {  	[smem:$0x3FA8] =	sst s1  }
0xa: {  	[smem:$0x3FA9] =	sst s2  }
0xb: {  	[smem:$0x3FAA] =	sst s3  }
0xc: {  	[smem:$0x3FAB] =	sst s4  }
0xd: {  	[smem:$0x3FAC] =	sst s5  }
0xe: {  	[smem:$0x3FAD] =	sst s6  }
0xf: {  	[smem:$0x3FAE] =	sst s7  }
0x10: {  	[smem:$0x3FAF] =	sst s8  }
0x11: {  	[smem:$0x3FB0] =	sst s9;
	s0 =	simm.s32 @!p0 $0x0  }
0x12: {  	s1 =	sld [smem:$0x3F96];
	s0 =	simm.s32 @p0 $0x1  }
0x13: {  	[smem:$0x3FB1] =	sst s0;
	s0 =	simm.s32 @!p1 $0x0  }
0x14: {  	s2 =	sld [smem:$0x3F95];
	s0 =	simm.s32 @p1 $0x1  }
0x15: {  	[smem:$0x3FB2] =	sst s0;
	s0 =	simm.s32 @!p2 $0x0  }
0x16: {  	s3 =	sld [smem:$0x3FDB];
	s0 =	simm.s32 @p2 $0x1  }
0x17: {  	s4 =	simm.s32 $0x1BF5;
	[smem:$0x3FB4] =	sst s0  }
0x18: {  	s0 =	sld [smem:$0x3F97];
	_ =	swait.ge [sflag:s4], $0x0  }
0x19: {  	s7 =	sld [smem:$0x3F98]  }
0x1a: {  	s8 =	sadd.s32 $0xFFFFE003, lr  }
0x1b: {  	s9 =	sadd.s32 $0xFFFFFEF7, lr;
	s5 =	simm.s32 $0xFFFFFFFF;
	p2 =	slt.u32 s8, $0xFFFFF086  }
0x1c: {  	p1 =	slt.u32 s9, $0xF7A;
	s5 =	simm.s32 @!p2 $0x0  }
0x1d: {  	s5 =	simm.s32 @p1 $0x1;
	p0 =	seq.s32 s7, s2  }
0x1e: {  	s7 =	smul.u32 @!p0 $0xF7A, s2;
	p2 =	seq.s32 @!p0 s5, $0x0  }
0x1f: {  	s9 =	smul.u32 $0xF7A, s1;
	s8 =	simm.s32 @!p0 $0x1BF5;
	p2 =	por !p2, p0  }
0x20: {  	[sflag:s8] =	ssyncset.s32 @!p0 $0xFFFFF086;
	s6 =	sadd.s32 @!p0 s3, s7;
	s7 =	simm.s32 @!p0 $0x108  }
0x21: {  	s3 =	sadd.s32 s3, s9;
	s6 =	sadd.s32 @!p0 $0x88, s6;
	s7 =	simm.s32 @p2 $0x1082  }
0x22: {  	[simem:s7], [sflag:s8] =	dma.local @!p0 [hbm:s6], $0xF7A  }
0x23: {  	s9 =	sor.u32 $0xD0000000, s2;
	s6 =	simm.s32 $0x108;
	_ =	swait.ge @!p0 [sflag:s8], $0x0  }
0x24: {  	s3 =	sadd.s32 $0x88, s3;
	s6 =	simm.s32 @!p1 $0x1082;
	[sflag:s4] =	ssyncset.s32 $0xFFFFF086  }
0x25: {  	[simem:s6], [sflag:s4] =	dma.local [hbm:s3], $0xF7A  }
0x26: {  	[smem:$0x3F98] =	sst s1;
	(tag) =	ssettag s2;
	_ =	strace s9  }
0x27: {  	s1 =	sld [smem:$0x3FA8]  }
0x28: {  	s2 =	sld [smem:$0x3FA9]  }
0x29: {  	s4 =	sld [smem:$0x3FAB]  }
0x2a: {  	p0 =	seq.s32 s5, $0x0;
	s5 =	sld [smem:$0x3FAC]  }
0x2b: {  	s6 =	sld [smem:$0x3FAD]  }
0x2c: {  	s7 =	sld [smem:$0x3FAE]  }
0x2d: {  	s3 =	simm.s32 $0x108;
	s8 =	sld [smem:$0x3FAF]  }
0x2e: {  	s3 =	simm.s32 @!p0 $0x1082;
	s9 =	sld [smem:$0x3FB0]  }
0x2f: {  	lr =	sadd.s32 s0, s3;
	s0 =	sld [smem:$0x3FA7]  }
0x30: {  	s3 =	sld [smem:$0x3FAA]  }
0x31: {  	[smem:$0x3FB3] =	sst s10  }
0x32: {  	s10 =	sld [smem:$0x3FB1];
	_ =	sdelay $0x3  }
0x33: {  	p0 =	seq.s32 s10, $0x1;
	s10 =	sld [smem:$0x3FB3];
	_ =	sdelay $0x3  }
0x34: {  	[smem:$0x3FB3] =	sst s10  }
0x35: {  	s10 =	sld [smem:$0x3FB2];
	_ =	sdelay $0x3  }
0x36: {  	p1 =	seq.s32 s10, $0x1;
	s10 =	sld [smem:$0x3FB3];
	_ =	sdelay $0x3  }
0x37: {  	[smem:$0x3FB3] =	sst s10  }
0x38: {  	s10 =	sld [smem:$0x3FB4]  }
0x39: {  	_ = 	snop;
	(pc) =	sbr.ind lr, $3  }
0x3a: {  	_ = 	snop  }
0x3b: {  	_ = 	snop  }
0x3c: {  	p2 =	seq.s32 s10, $0x1;
	s10 =	sld [smem:$0x3FB3]  }
0x3d: {  	_ =	shalt  }
0x3e: {  	_ =	shalt  }
0x3f: {  	_ =	shalt  }
0x40: {  	_ =	shalt  }
0x41: {  	_ =	shalt  }
0x42: {  	_ =	shalt  }
0x43: {  	_ =	shalt  }
0x44: {  	_ =	shalt  }
0x45: {  	_ =	shalt  }
0x46: {  	_ =	shalt  }
0x47: {  	_ =	shalt  }
0x48: {  	_ =	shalt  }
0x49: {  	_ =	shalt  }
0x4a: {  	_ =	shalt  }
0x4b: {  	_ =	shalt  }
0x4c: {  	_ =	shalt  }
0x4d: {  	_ =	shalt  }
0x4e: {  	_ =	shalt  }
0x4f: {  	_ =	shalt  }
0x50: {  	_ =	shalt  }
0x51: {  	_ =	shalt  }
0x52: {  	_ =	shalt  }
0x53: {  	_ =	shalt  }
0x54: {  	_ =	shalt  }
0x55: {  	_ =	shalt  }
0x56: {  	_ =	shalt  }
0x57: {  	_ =	shalt  }
0x58: {  	_ =	shalt  }
0x59: {  	_ =	shalt  }
0x5a: {  	_ =	shalt  }
0x5b: {  	_ =	shalt  }
0x5c: {  	_ =	shalt  }
0x5d: {  	_ =	shalt  }
0x5e: {  	_ =	shalt  }
0x5f: {  	_ =	shalt  }
0x60: {  	_ =	shalt  }
0x61: {  	_ =	shalt  }
0x62: {  	_ =	shalt  }
0x63: {  	_ =	shalt  }
0x64: {  	_ =	shalt  }
0x65: {  	_ =	shalt  }
0x66: {  	_ =	shalt  }
0x67: {  	_ =	shalt  }
0x68: {  	_ =	shalt  }
0x69: {  	_ =	shalt  }
0x6a: {  	_ =	shalt  }
0x6b: {  	_ =	shalt  }
0x6c: {  	_ =	shalt  }
0x6d: {  	_ =	shalt  }
0x6e: {  	_ =	shalt  }
0x6f: {  	_ =	shalt  }
0x70: {  	_ =	shalt  }
0x71: {  	_ =	shalt  }
0x72: {  	_ =	shalt  }
0x73: {  	_ =	shalt  }
0x74: {  	_ =	shalt  }
0x75: {  	_ =	shalt  }
0x76: {  	_ =	shalt  }
0x77: {  	_ =	shalt  }
0x78: {  	_ =	shalt  }
0x79: {  	_ =	shalt  }
0x7a: {  	_ =	shalt  }
0x7b: {  	_ =	shalt  }
0x7c: {  	_ =	shalt  }
0x7d: {  	_ =	shalt  }
0x7e: {  	_ =	shalt  }
0x7f: {  	_ =	shalt  }
0x80: {  	_ =	shalt  }
0x81: {  	_ =	shalt  }
0x82: {  	_ =	shalt  }
0x83: {  	_ =	shalt  }
0x84: {  	_ =	shalt  }
0x85: {  	_ =	shalt  }
0x86: {  	_ =	shalt  }
0x87: {  	_ =	shalt  }
.Lfunc_end0:
.L_simem_size_0:
called_computation.1_lowered:
.L_overlay_start_0:
0x88: {  	s0 =	sld [smem:$0x3FD9]  }
0x89: {  	s1 =	sld [smem:$0x3FFE];
	_ =	sdelay $0x3  }
0x8a: {  	s0 =	sadd.s32 s1, s0  }
0x8b: {  	[smem:$0x3FBF] =	sst s0  }
0x8c: {  	_ = 	snop  }
0x8d: {  	(tm) =	ssettm $0x1  }
0x8e: {  	s15 =	sld [smem:$0x3FFB];
	_ =	sdelay $0x3  }
0x8f: {  	_ =	strace s15  }
0x90: {  	s0 =	sld [smem:$0x3FFC];
	_ =	sdelay $0x3  }
0x91: {  	_ =	strace s0  }
0x92: {  	s0 =	sld [smem:$0x3FFD];
	_ =	sdelay $0x3  }
0x93: {  	_ =	strace s0  }
0x94: {  	_ =	strace $0x8FFFFFFF  }
0x95: {  	s16 =	sld [smem:$0x3FDB];
	_ =	sdelay $0x1  }
0x96: {  	s17 =	simm.s32 $_scs_section_size  }
0x97: {  	s2 =	simm.s32 $_size__tile_overlayer_lowered;
	s3 =	simm.s32 $_tile_overlayer_lowered  }
0x98: {  	s20 =	simm.s32 $0x1BFF;
	s19 =	sshll.u32 s3, $0x1;
	s0 =	sadd.s32 s17, s16  }
0x99: {  	s4 =	simm.s32 $0x0;
	s18 =	sshll.u32 s2, $0x1;
	s2 =	sadd.s32 s19, s0  }
0x9a: {  	[timem:s4], [sflag:s20] =	dma.local [hbm:s2], s18  }
0x9b: {  	_ =	swait.ge [sflag:s20], s18  }
0x9c: {  	s1 =	ssub.s32 $0x0, s18;
	[sflag:s20] =	ssyncset.done $0x0  }
0x9d: {  	[sflag:s20] =	ssyncadd.s32 s1;
	_ =	sdelay $0x1  }
0x9e: {  	s21 =	simm.s32 $0x1B8B  }
0x9f: {  	_ =	swait.ge [sflag:s21], $0x1  }
0xa0: {  	[sflag:s21] =	ssyncset.done $0x0  }
0xa1: {  	s23 =	simm.s32 $0x1B8E;
	s22 =	sld [smem:$0x3FFE];
	[sflag:s21] =	ssyncadd.s32 $0xFFFFFFFF  }
0xa2: {  	s24 =	simm.s32 $execute0_lowered;
	[smem:$0x3FD2] =	sst s23  }
0xa3: {  	s2 =	sshll.u32 s24, $0x1;
	_ =	strace $0x80000049;
	[dreg:$0x1] =	wrdreg $0xFFFFFFFF  }
0xa4: {  	s25 =	simm.s32 $_size_execute0_lowered;
	s0 =	sadd.s32 s0, s2;
	[dreg:$0x0] =	wrdreg $0x0  }
0xa5: {  	s2 =	sshll.u32 s25, $0x1;
	[dreg:$0x2] =	wrdreg s0  }
0xa6: {  	[dreg:$0x3] =	wrdreg s2  }
0xa7: {  	[dreg:$0x4] =	wrdreg $0xC0  }
0xa8: {  	_ =	task [dreg:s4], $0x5FFFF  }
0xa9: {  	[dreg:$0x1] =	wrdreg $0xFFFFFFFF  }
0xaa: {  	[dreg:$0x0] =	wrdreg $0x60  }
0xab: {  	[dreg:$0x2] =	wrdreg s22  }
0xac: {  	[dreg:$0x3] =	wrdreg $0xA8000  }
0xad: {  	[dreg:$0x4] =	wrdreg $0x9  }
0xae: {  	_ =	task.clear_ibuf [dreg:s4], $0x5FFFF;
	_ =	strace $0x90000049  }
0xaf: {  	s26 =	simm.s32 $0x9;
	_ =	strace $0x8000004B  }
0xb0: {  	_ =	swait.ge [sflag:s26], $0x1  }
0xb1: {  	[sflag:s26] =	ssyncadd.s32 $0xFFFFFFFF  }
0xb2: {  	_ =	strace $0x9000004B  }
0xb3: {  	_ =	sfence  }
0xb4: {  	s28 =	sld [smem:$0x0];
	_ =	sdelay $0x1  }
0xb5: {  	s29 =	srdreg.scid  }
0xb6: {  	s30 =	sshll.u32 s29, $0xD;
	s31 =	sshrl.u32 s29, $0x2  }
0xb7: {  	s1 =	sand.u32 $0x1, s29;
	s2 =	sand.u32 $0x4000, s30;
	s0 =	sadd.s32 s31, s28  }
0xb8: {  	s1 =	sor.u32 s2, s1;
	s0 =	sshll.u32 s0, $0x11  }
0xb9: {  	s0 =	sor.u32 s0, s1  }
0xba: {  	s0 =	sadd.s32 $0x8F2B, s0  }
0xbb: {  	[sflag:s0] =	ssyncadd.remote.s32 $0x1  }
0xbc: {  	_ =	sfence.sel $0xFFFF  }
0xbd: {  	[dreg:$0x0] =	wrdreg $0xFFFFFFFF;
	(pc) =	sbr.abs _section_cstart, $3  }
0xbe: {  	[dreg:$0x1] =	wrdreg $0xFFFFFFFF  }
0xbf: {  	_ =	task.clear_ibuf [dreg:s4], $0x2FFFF;
	_ =	strace $0x9FFFFFFF  }
0xc0: {  	(tm) =	ssettm $0x7FFFFFFF  }
0xc1: {  	_ =	shalt  }
tec
execute0_lowered:
.L_overlay_start_1:
0x0: {  	(tag) =	ssettag $0x1  }
0x1: {  	s1 =	rddreg [dreg:$0x0]  }
0x2: {  	s2 =	rddreg [dreg:$0x1]  }
0x3: {  	s0 =	rddreg [dreg:$0x2];
	s5 =	simm.s32 $0x0  }
0x4: {  	[smem:$0x7FF] =	sst s5;
	s4 =	sadd.s32 $0x17000, s1;
	s7 =	sadd.s32 $0x3000, s1  }
0x5: {  	s6 =	sadd.s32 $0xD000, s1;
	s8 =	sand.u32 $0xFE00, s5;
	s3 =	sadd.s32 $0x3F000, s1  }
0x6: {  	s9 =	sand.u32 $0x70, s5;
	s1 =	stileid.u32;
	s10 =	sshrl.u32 s8, $0x2  }
0x7: {  	v0 =	vimm.f32 $0.0e+00;
	_ =	strace $0x8000004A;
	s8 =	simm.s32 $0x40;
	s9 =	sor.u32 s9, s10  }
.LBB2_1:
0x8: {  	p0 =	sne.s32 s8, $0xFFC0  }
0x9: {  	[tilespmem:s9+$0x2800] =	vst v0;
	s5 =	sadd.s32 $0x10, s5;
	s9 =	smov.u32 s8;
	s8 =	sadd.s32 $0x40, s8  }
.Ltmp0:
0xa: {  	(pc) =	sbr.rel @p0 .LBB2_1-.Ltmp0, $4  }
0xb: {  	_ = 	snop  }
0xc: {  	s9 =	sand.u32 $0xFE00, s9  }
0xd: {  	s10 =	sand.u32 $0x70, s5;
	s9 =	sshrl.u32 s9, $0x2  }
0xe: {  	s9 =	sor.u32 s10, s9  }
0xf: {  	s5 =	smul.u32 $0x50000, s1;
	_ =	sdelay $0x1  }
0x10: {  	s5 =	sshrl.u32 s5, $0x2  }
0x11: {  	[tilespmem:s9+$0x2800] =	vst v0;
	s8 =	simm.s32 $0x2800;
	s9 =	simm.s32 $0x3;
	s5 =	sadd.s32 s5, s2  }
0x12: {  	[spmem:s5] =	stream.linear.scatter [tilespmem:s8], [sflag:$0x3], $0x4000, $0x38;
	[tilespmem:$0x1E800] =	vst v63  }
0x13: {  	_ =	swait.ge [sflag:s9], $0x4000  }
0x14: {  	[sflag:s9] =	ssyncset.done $0x0  }
0x15: {  	s10 =	sadd.s32 $0x4000, s5;
	[sflag:s9] =	ssyncadd.s32 $0xFFFFC000  }
0x16: {  	[spmem:s10] =	stream.linear.scatter [tilespmem:s8], [sflag:$0x3], $0x4000, $0x38;
	[tilespmem:$0x1E800] =	vst v63  }
0x17: {  	_ =	swait.ge [sflag:s9], $0x4000  }
0x18: {  	[sflag:s9] =	ssyncset.done $0x0  }
0x19: {  	s24 =	sadd.s32 $0x8000, s5;
	[sflag:s9] =	ssyncadd.s32 $0xFFFFC000  }
0x1a: {  	[spmem:s24] =	stream.linear.scatter [tilespmem:s8], [sflag:$0x3], $0x4000, $0x38;
	[tilespmem:$0x1E800] =	vst v63  }
0x1b: {  	_ =	swait.ge [sflag:s9], $0x4000  }
0x1c: {  	[sflag:s9] =	ssyncset.done $0x0  }
0x1d: {  	s25 =	sadd.s32 $0xC000, s5;
	[sflag:s9] =	ssyncadd.s32 $0xFFFFC000  }
0x1e: {  	[spmem:s25] =	stream.linear.scatter [tilespmem:s8], [sflag:$0x3], $0x4000, $0x38;
	[tilespmem:$0x1E800] =	vst v63  }
0x1f: {  	_ =	swait.ge [sflag:s9], $0x4000  }
0x20: {  	[sflag:s9] =	ssyncset.done $0x0  }
0x21: {  	s26 =	sadd.s32 $0x10000, s5;
	[sflag:s9] =	ssyncadd.s32 $0xFFFFC000  }
0x22: {  	[spmem:s26] =	stream.linear.scatter [tilespmem:s8], [sflag:$0x3], $0x4000, $0x38;
	[tilespmem:$0x1E800] =	vst v63  }
0x23: {  	_ =	swait.ge [sflag:s9], $0x4000  }
0x24: {  	s28 =	smul.u32 $0xA00, s1;
	[sflag:s9] =	ssyncset.done $0x0  }
0x25: {  	[sflag:s9] =	ssyncadd.s32 $0xFFFFC000  }
0x26: {  	s12 =	simm.s32 $0x0;
	s11 =	sadd.s32 s7, s28;
	[bflag:$0x0] =	sbarrier.arrive $0xFFFF  }
0x27: {  	[tilespmem:s12], [sflag:$0x3] =	stream.linear.gather [hbm4b:s11+s12], $0x1400, $0x38;
	[tilespmem:$0x1E800] =	vst v63  }
0x28: {  	_ =	swait.ge [sflag:s9], $0x1400  }
0x29: {  	[sflag:s9] =	ssyncset.done $0x0  }
0x2a: {  	s29 =	simm.s32 $0x1400;
	s10 =	sadd.s32 s6, s28;
	[sflag:s9] =	ssyncadd.s32 $0xFFFFEC00  }
0x2b: {  	[tilespmem:s29], [sflag:$0x3] =	stream.linear.gather [hbm4b:s10+s12], $0x1400, $0x38;
	[tilespmem:$0x1E800] =	vst v63  }
0x2c: {  	_ =	swait.ge [sflag:s9], $0x1400  }
0x2d: {  	s30 =	simm.s32 $0x0;
	[sflag:s9] =	ssyncset.done $0x0  }
0x2e: {  	s10 =	simm.s32 $0x80;
	s12 =	simm.s32 $0x1;
	[sflag:s9] =	ssyncadd.s32 $0xFFFFEC00  }
0x2f: {  	[tilespmem:s8], [sflag:$0x1] =	stream.indirect.gather [hbm4b:s4+s10], $0x80, s30, s10, $0xb8;
	[tilespmem:$0x1E800] =	vst v63  }
0x30: {  	_ =	swait.ge [sflag:s12], $0x4000  }
0x31: {  	[sflag:s12] =	ssyncset.done $0x0  }
0x32: {  	s13 =	simm.s32 $0x80;
	s11 =	simm.s32 $0x6800;
	[sflag:s12] =	ssyncadd.s32 $0xFFFFC000  }
0x33: {  	[tilespmem:s11], [sflag:$0x2] =	stream.indirect.gather [hbm4b:s4+s10], $0x80, s13, s10, $0xb8;
	[tilespmem:$0x1E800] =	vst v63  }
0x34: {  	s31 =	simm.s32 $0x1400  }
0x35: {  	[spmem:s2] =	stream.indirect.scatter.add.f32 [tilespmem:s8], [sflag:$0x3], $0x80, s31, s10, $0xb8;
	[tilespmem:$0x1E800] =	vst v63  }
0x36: {  	_ =	swait.ge [sflag:s9], $0x4000  }
0x37: {  	[sflag:s9] =	ssyncset.done $0x0  }
0x38: {  	s13 =	simm.s32 $0x2;
	[sflag:s9] =	ssyncadd.s32 $0xFFFFC000  }
0x39: {  	_ =	swait.ge [sflag:s13], $0x4000  }
0x3a: {  	[sflag:s13] =	ssyncset.done $0x0  }
0x3b: {  	s14 =	simm.s32 $0x1480;
	[sflag:s13] =	ssyncadd.s32 $0xFFFFC000  }
0x3c: {  	[spmem:s2] =	stream.indirect.scatter.add.f32 [tilespmem:s11], [sflag:$0x3], $0x80, s14, s10, $0xb8;
	[tilespmem:$0x1E800] =	vst v63  }
0x3d: {  	_ =	swait.ge [sflag:s9], $0x4000  }
0x3e: {  	s15 =	simm.s32 $0x800;
	s14 =	simm.s32 $0x400;
	[sflag:s9] =	ssyncset.done $0x0  }
.LBB2_3:
0x3f: {  	s16 =	sshra.s32 s14, $0x2  }
0x40: {  	[sflag:s9] =	ssyncadd.s32 $0xFFFFC000;
	s14 =	smov.u32 s15;
	s17 =	sadd.s32 $0x400, s15  }
0x41: {  	[tilespmem:s8], [sflag:$0x1] =	stream.indirect.gather [hbm4b:s4+s10], $0x80, s16, s10, $0xb8;
	[tilespmem:$0x1E800] =	vst v63  }
0x42: {  	p0 =	sne.s32 s15, $0x4C00;
	_ =	swait.ge [sflag:s12], $0x4000  }
0x43: {  	[sflag:s12] =	ssyncset.done $0x0  }
0x44: {  	s15 =	sadd.s32 $0x80, s16;
	[sflag:s12] =	ssyncadd.s32 $0xFFFFC000  }
0x45: {  	[tilespmem:s11], [sflag:$0x2] =	stream.indirect.gather [hbm4b:s4+s10], $0x80, s15, s10, $0xb8;
	[tilespmem:$0x1E800] =	vst v63  }
0x46: {  	s15 =	sadd.s32 $0x1400, s16  }
0x47: {  	[spmem:s2] =	stream.indirect.scatter.add.f32 [tilespmem:s8], [sflag:$0x3], $0x80, s15, s10, $0xb8;
	[tilespmem:$0x1E800] =	vst v63  }
0x48: {  	_ =	swait.ge [sflag:s9], $0x4000  }
0x49: {  	[sflag:s9] =	ssyncset.done $0x0  }
0x4a: {  	[sflag:s9] =	ssyncadd.s32 $0xFFFFC000  }
0x4b: {  	_ =	swait.ge [sflag:s13], $0x4000  }
.Ltmp1:
0x4c: {  	[sflag:s13] =	ssyncset.done $0x0;
	(pc) =	sbr.rel @p0 .LBB2_3-.Ltmp1, $4  }
0x4d: {  	s15 =	sadd.s32 $0x1480, s16;
	[sflag:s13] =	ssyncadd.s32 $0xFFFFC000  }
0x4e: {  	[spmem:s2] =	stream.indirect.scatter.add.f32 [tilespmem:s11], [sflag:$0x3], $0x80, s15, s10, $0xb8;
	[tilespmem:$0x1E800] =	vst v63  }
0x4f: {  	_ =	swait.ge [sflag:s9], $0x4000  }
0x50: {  	s15 =	smov.u32 s17;
	[sflag:s9] =	ssyncset.done $0x0  }
0x51: {  	s14 =	sshra.s32 s14, $0x2;
	[sflag:s9] =	ssyncadd.s32 $0xFFFFC000  }
0x52: {  	[tilespmem:s8], [sflag:$0x1] =	stream.indirect.gather [hbm4b:s4+s10], $0x80, s14, s10, $0xb8;
	[tilespmem:$0x1E800] =	vst v63  }
0x53: {  	_ =	swait.ge [sflag:s12], $0x4000  }
0x54: {  	[sflag:s12] =	ssyncset.done $0x0  }
0x55: {  	s20 =	sadd.s32 $0x80, s14;
	[sflag:s12] =	ssyncadd.s32 $0xFFFFC000  }
0x56: {  	[tilespmem:s11], [sflag:$0x2] =	stream.indirect.gather [hbm4b:s4+s10], $0x80, s20, s10, $0xb8;
	[tilespmem:$0x1E800] =	vst v63  }
0x57: {  	s21 =	sadd.s32 $0x1400, s14  }
0x58: {  	[spmem:s2] =	stream.indirect.scatter.add.f32 [tilespmem:s8], [sflag:$0x3], $0x80, s21, s10, $0xb8;
	[tilespmem:$0x1E800] =	vst v63  }
0x59: {  	_ =	swait.ge [sflag:s9], $0x4000  }
0x5a: {  	[sflag:s9] =	ssyncset.done $0x0  }
0x5b: {  	[sflag:s9] =	ssyncadd.s32 $0xFFFFC000  }
0x5c: {  	_ =	swait.ge [sflag:s13], $0x4000  }
0x5d: {  	[sflag:s13] =	ssyncset.done $0x0  }
0x5e: {  	s23 =	smul.u32 $0x5000, s1;
	s22 =	sadd.s32 $0x1480, s14;
	[sflag:s13] =	ssyncadd.s32 $0xFFFFC000  }
0x5f: {  	[spmem:s2] =	stream.indirect.scatter.add.f32 [tilespmem:s11], [sflag:$0x3], $0x80, s22, s10, $0xb8;
	[tilespmem:$0x1E800] =	vst v63  }
0x60: {  	s8 =	sshrl.u32 s23, $0x3;
	_ =	swait.ge [sflag:s9], $0x4000  }
0x61: {  	s26 =	simm.s32 $0x0;
	s24 =	sadd.s32 $0x280, s8;
	[sflag:s9] =	ssyncset.done $0x0  }
0x62: {  	s25 =	sadd.s32 s7, s24;
	[sflag:s9] =	ssyncadd.s32 $0xFFFFC000;
	s9 =	simm.s32 $0x3  }
0x63: {  	[tilespmem:s26], [sflag:$0x3] =	stream.linear.gather [hbm4b:s25+s26], $0x1400, $0x38;
	[tilespmem:$0x1E800] =	vst v63  }
0x64: {  	_ =	swait.ge [sflag:s9], $0x1400  }
0x65: {  	[sflag:s9] =	ssyncset.done $0x0  }
0x66: {  	s28 =	simm.s32 $0x1400;
	s10 =	sadd.s32 s6, s24;
	[sflag:s9] =	ssyncadd.s32 $0xFFFFEC00  }
0x67: {  	[tilespmem:s28], [sflag:$0x3] =	stream.linear.gather [hbm4b:s10+s26], $0x1400, $0x38;
	[tilespmem:$0x1E800] =	vst v63  }
0x68: {  	_ =	swait.ge [sflag:s9], $0x1400  }
0x69: {  	s29 =	simm.s32 $0x0;
	s12 =	simm.s32 $0x2800;
	[sflag:s9] =	ssyncset.done $0x0  }
0x6a: {  	s13 =	simm.s32 $0x1;
	s10 =	simm.s32 $0x80;
	[sflag:s9] =	ssyncadd.s32 $0xFFFFEC00  }
0x6b: {  	[tilespmem:s12], [sflag:$0x1] =	stream.indirect.gather [hbm4b:s4+s10], $0x80, s29, s10, $0xb8;
	[tilespmem:$0x1E800] =	vst v63  }
0x6c: {  	_ =	swait.ge [sflag:s13], $0x4000  }
0x6d: {  	[sflag:s13] =	ssyncset.done $0x0  }
0x6e: {  	s30 =	simm.s32 $0x80;
	s11 =	simm.s32 $0x6800;
	[sflag:s13] =	ssyncadd.s32 $0xFFFFC000  }
0x6f: {  	[tilespmem:s11], [sflag:$0x2] =	stream.indirect.gather [hbm4b:s4+s10], $0x80, s30, s10, $0xb8;
	[tilespmem:$0x1E800] =	vst v63  }
0x70: {  	s31 =	simm.s32 $0x1400  }
0x71: {  	[spmem:s2] =	stream.indirect.scatter.add.f32 [tilespmem:s12], [sflag:$0x3], $0x80, s31, s10, $0xb8;
	[tilespmem:$0x1E800] =	vst v63  }
0x72: {  	_ =	swait.ge [sflag:s9], $0x4000  }
0x73: {  	[sflag:s9] =	ssyncset.done $0x0  }
0x74: {  	s14 =	simm.s32 $0x2;
	[sflag:s9] =	ssyncadd.s32 $0xFFFFC000  }
0x75: {  	_ =	swait.ge [sflag:s14], $0x4000  }
0x76: {  	[sflag:s14] =	ssyncset.done $0x0  }
0x77: {  	s15 =	simm.s32 $0x1480;
	[sflag:s14] =	ssyncadd.s32 $0xFFFFC000  }
0x78: {  	[spmem:s2] =	stream.indirect.scatter.add.f32 [tilespmem:s11], [sflag:$0x3], $0x80, s15, s10, $0xb8;
	[tilespmem:$0x1E800] =	vst v63  }
0x79: {  	_ =	swait.ge [sflag:s9], $0x4000  }
0x7a: {  	s16 =	simm.s32 $0x800;
	s15 =	simm.s32 $0x400;
	[sflag:s9] =	ssyncset.done $0x0  }
.LBB2_5:
0x7b: {  	s17 =	sshra.s32 s15, $0x2  }
0x7c: {  	[sflag:s9] =	ssyncadd.s32 $0xFFFFC000;
	s15 =	smov.u32 s16;
	s18 =	sadd.s32 $0x400, s16  }
0x7d: {  	[tilespmem:s12], [sflag:$0x1] =	stream.indirect.gather [hbm4b:s4+s10], $0x80, s17, s10, $0xb8;
	[tilespmem:$0x1E800] =	vst v63  }
0x7e: {  	p0 =	sne.s32 s16, $0x4C00;
	_ =	swait.ge [sflag:s13], $0x4000  }
0x7f: {  	[sflag:s13] =	ssyncset.done $0x0  }
0x80: {  	s16 =	sadd.s32 $0x80, s17;
	[sflag:s13] =	ssyncadd.s32 $0xFFFFC000  }
0x81: {  	[tilespmem:s11], [sflag:$0x2] =	stream.indirect.gather [hbm4b:s4+s10], $0x80, s16, s10, $0xb8;
	[tilespmem:$0x1E800] =	vst v63  }
0x82: {  	s16 =	sadd.s32 $0x1400, s17  }
0x83: {  	[spmem:s2] =	stream.indirect.scatter.add.f32 [tilespmem:s12], [sflag:$0x3], $0x80, s16, s10, $0xb8;
	[tilespmem:$0x1E800] =	vst v63  }
0x84: {  	_ =	swait.ge [sflag:s9], $0x4000  }
0x85: {  	[sflag:s9] =	ssyncset.done $0x0  }
0x86: {  	[sflag:s9] =	ssyncadd.s32 $0xFFFFC000  }
0x87: {  	_ =	swait.ge [sflag:s14], $0x4000  }
.Ltmp2:
0x88: {  	[sflag:s14] =	ssyncset.done $0x0;
	(pc) =	sbr.rel @p0 .LBB2_5-.Ltmp2, $4  }
0x89: {  	s16 =	sadd.s32 $0x1480, s17;
	[sflag:s14] =	ssyncadd.s32 $0xFFFFC000  }
0x8a: {  	[spmem:s2] =	stream.indirect.scatter.add.f32 [tilespmem:s11], [sflag:$0x3], $0x80, s16, s10, $0xb8;
	[tilespmem:$0x1E800] =	vst v63  }
0x8b: {  	_ =	swait.ge [sflag:s9], $0x4000  }
0x8c: {  	s16 =	smov.u32 s18;
	[sflag:s9] =	ssyncset.done $0x0  }
0x8d: {  	s15 =	sshra.s32 s15, $0x2;
	[sflag:s9] =	ssyncadd.s32 $0xFFFFC000  }
0x8e: {  	[tilespmem:s12], [sflag:$0x1] =	stream.indirect.gather [hbm4b:s4+s10], $0x80, s15, s10, $0xb8;
	[tilespmem:$0x1E800] =	vst v63  }
0x8f: {  	_ =	swait.ge [sflag:s13], $0x4000  }
0x90: {  	[sflag:s13] =	ssyncset.done $0x0  }
0x91: {  	s20 =	sadd.s32 $0x80, s15;
	[sflag:s13] =	ssyncadd.s32 $0xFFFFC000  }
0x92: {  	[tilespmem:s11], [sflag:$0x2] =	stream.indirect.gather [hbm4b:s4+s10], $0x80, s20, s10, $0xb8;
	[tilespmem:$0x1E800] =	vst v63  }
0x93: {  	s21 =	sadd.s32 $0x1400, s15  }
0x94: {  	[spmem:s2] =	stream.indirect.scatter.add.f32 [tilespmem:s12], [sflag:$0x3], $0x80, s21, s10, $0xb8;
	[tilespmem:$0x1E800] =	vst v63  }
0x95: {  	_ =	swait.ge [sflag:s9], $0x4000  }
0x96: {  	[sflag:s9] =	ssyncset.done $0x0  }
0x97: {  	[sflag:s9] =	ssyncadd.s32 $0xFFFFC000  }
0x98: {  	_ =	swait.ge [sflag:s14], $0x4000  }
0x99: {  	[sflag:s14] =	ssyncset.done $0x0  }
0x9a: {  	s22 =	sadd.s32 $0x1480, s15;
	[sflag:s14] =	ssyncadd.s32 $0xFFFFC000  }
0x9b: {  	[spmem:s2] =	stream.indirect.scatter.add.f32 [tilespmem:s11], [sflag:$0x3], $0x80, s22, s10, $0xb8;
	[tilespmem:$0x1E800] =	vst v63  }
0x9c: {  	_ =	swait.ge [sflag:s9], $0x4000  }
0x9d: {  	s23 =	sadd.s32 $0x500, s8;
	s25 =	simm.s32 $0x0;
	[sflag:s9] =	ssyncset.done $0x0  }
0x9e: {  	s24 =	sadd.s32 s7, s23;
	[sflag:s9] =	ssyncadd.s32 $0xFFFFC000;
	s9 =	simm.s32 $0x3  }
0x9f: {  	[tilespmem:s25], [sflag:$0x3] =	stream.linear.gather [hbm4b:s24+s25], $0x1400, $0x38;
	[tilespmem:$0x1E800] =	vst v63  }
0xa0: {  	_ =	swait.ge [sflag:s9], $0x1400  }
0xa1: {  	[sflag:s9] =	ssyncset.done $0x0  }
0xa2: {  	s26 =	simm.s32 $0x1400;
	s10 =	sadd.s32 s6, s23;
	[sflag:s9] =	ssyncadd.s32 $0xFFFFEC00  }
0xa3: {  	[tilespmem:s26], [sflag:$0x3] =	stream.linear.gather [hbm4b:s10+s25], $0x1400, $0x38;
	[tilespmem:$0x1E800] =	vst v63  }
0xa4: {  	_ =	swait.ge [sflag:s9], $0x1400  }
0xa5: {  	s28 =	simm.s32 $0x0;
	s13 =	simm.s32 $0x1;
	[sflag:s9] =	ssyncset.done $0x0  }
0xa6: {  	s12 =	simm.s32 $0x2800;
	s10 =	simm.s32 $0x80;
	[sflag:s9] =	ssyncadd.s32 $0xFFFFEC00  }
0xa7: {  	[tilespmem:s12], [sflag:$0x1] =	stream.indirect.gather [hbm4b:s4+s10], $0x80, s28, s10, $0xb8;
	[tilespmem:$0x1E800] =	vst v63  }
0xa8: {  	_ =	swait.ge [sflag:s13], $0x4000  }
0xa9: {  	[sflag:s13] =	ssyncset.done $0x0  }
0xaa: {  	s29 =	simm.s32 $0x80;
	s11 =	simm.s32 $0x6800;
	[sflag:s13] =	ssyncadd.s32 $0xFFFFC000  }
0xab: {  	[tilespmem:s11], [sflag:$0x2] =	stream.indirect.gather [hbm4b:s4+s10], $0x80, s29, s10, $0xb8;
	[tilespmem:$0x1E800] =	vst v63  }
0xac: {  	s30 =	simm.s32 $0x1400  }
0xad: {  	[spmem:s2] =	stream.indirect.scatter.add.f32 [tilespmem:s12], [sflag:$0x3], $0x80, s30, s10, $0xb8;
	[tilespmem:$0x1E800] =	vst v63  }
0xae: {  	_ =	swait.ge [sflag:s9], $0x4000  }
0xaf: {  	[sflag:s9] =	ssyncset.done $0x0  }
0xb0: {  	s14 =	simm.s32 $0x2;
	[sflag:s9] =	ssyncadd.s32 $0xFFFFC000  }
0xb1: {  	_ =	swait.ge [sflag:s14], $0x4000  }
0xb2: {  	[sflag:s14] =	ssyncset.done $0x0  }
0xb3: {  	s31 =	simm.s32 $0x1480;
	[sflag:s14] =	ssyncadd.s32 $0xFFFFC000  }
0xb4: {  	[spmem:s2] =	stream.indirect.scatter.add.f32 [tilespmem:s11], [sflag:$0x3], $0x80, s31, s10, $0xb8;
	[tilespmem:$0x1E800] =	vst v63  }
0xb5: {  	_ =	swait.ge [sflag:s9], $0x4000  }
0xb6: {  	s16 =	simm.s32 $0x800;
	s15 =	simm.s32 $0x400;
	[sflag:s9] =	ssyncset.done $0x0  }
.LBB2_7:
0xb7: {  	s17 =	sshra.s32 s15, $0x2  }
0xb8: {  	[sflag:s9] =	ssyncadd.s32 $0xFFFFC000;
	s15 =	smov.u32 s16;
	s18 =	sadd.s32 $0x400, s16  }
0xb9: {  	[tilespmem:s12], [sflag:$0x1] =	stream.indirect.gather [hbm4b:s4+s10], $0x80, s17, s10, $0xb8;
	[tilespmem:$0x1E800] =	vst v63  }
0xba: {  	p0 =	sne.s32 s16, $0x4C00;
	_ =	swait.ge [sflag:s13], $0x4000  }
0xbb: {  	[sflag:s13] =	ssyncset.done $0x0  }
0xbc: {  	s16 =	sadd.s32 $0x80, s17;
	[sflag:s13] =	ssyncadd.s32 $0xFFFFC000  }
0xbd: {  	[tilespmem:s11], [sflag:$0x2] =	stream.indirect.gather [hbm4b:s4+s10], $0x80, s16, s10, $0xb8;
	[tilespmem:$0x1E800] =	vst v63  }
0xbe: {  	s16 =	sadd.s32 $0x1400, s17  }
0xbf: {  	[spmem:s2] =	stream.indirect.scatter.add.f32 [tilespmem:s12], [sflag:$0x3], $0x80, s16, s10, $0xb8;
	[tilespmem:$0x1E800] =	vst v63  }
0xc0: {  	_ =	swait.ge [sflag:s9], $0x4000  }
0xc1: {  	[sflag:s9] =	ssyncset.done $0x0  }
0xc2: {  	[sflag:s9] =	ssyncadd.s32 $0xFFFFC000  }
0xc3: {  	_ =	swait.ge [sflag:s14], $0x4000  }
.Ltmp3:
0xc4: {  	[sflag:s14] =	ssyncset.done $0x0;
	(pc) =	sbr.rel @p0 .LBB2_7-.Ltmp3, $4  }
0xc5: {  	s16 =	sadd.s32 $0x1480, s17;
	[sflag:s14] =	ssyncadd.s32 $0xFFFFC000  }
0xc6: {  	[spmem:s2] =	stream.indirect.scatter.add.f32 [tilespmem:s11], [sflag:$0x3], $0x80, s16, s10, $0xb8;
	[tilespmem:$0x1E800] =	vst v63  }
0xc7: {  	_ =	swait.ge [sflag:s9], $0x4000  }
0xc8: {  	s16 =	smov.u32 s18;
	[sflag:s9] =	ssyncset.done $0x0  }
0xc9: {  	s15 =	sshra.s32 s15, $0x2;
	[sflag:s9] =	ssyncadd.s32 $0xFFFFC000  }
0xca: {  	[tilespmem:s12], [sflag:$0x1] =	stream.indirect.gather [hbm4b:s4+s10], $0x80, s15, s10, $0xb8;
	[tilespmem:$0x1E800] =	vst v63  }
0xcb: {  	_ =	swait.ge [sflag:s13], $0x4000  }
0xcc: {  	[sflag:s13] =	ssyncset.done $0x0  }
0xcd: {  	s22 =	sadd.s32 $0x80, s15;
	[sflag:s13] =	ssyncadd.s32 $0xFFFFC000  }
0xce: {  	[tilespmem:s11], [sflag:$0x2] =	stream.indirect.gather [hbm4b:s4+s10], $0x80, s22, s10, $0xb8;
	[tilespmem:$0x1E800] =	vst v63  }
0xcf: {  	s23 =	sadd.s32 $0x1400, s15  }
0xd0: {  	[spmem:s2] =	stream.indirect.scatter.add.f32 [tilespmem:s12], [sflag:$0x3], $0x80, s23, s10, $0xb8;
	[tilespmem:$0x1E800] =	vst v63  }
0xd1: {  	_ =	swait.ge [sflag:s9], $0x4000  }
0xd2: {  	[sflag:s9] =	ssyncset.done $0x0  }
0xd3: {  	[sflag:s9] =	ssyncadd.s32 $0xFFFFC000  }
0xd4: {  	_ =	swait.ge [sflag:s14], $0x4000  }
0xd5: {  	[sflag:s14] =	ssyncset.done $0x0  }
0xd6: {  	s24 =	sadd.s32 $0x1480, s15;
	[sflag:s14] =	ssyncadd.s32 $0xFFFFC000  }
0xd7: {  	[spmem:s2] =	stream.indirect.scatter.add.f32 [tilespmem:s11], [sflag:$0x3], $0x80, s24, s10, $0xb8;
	[tilespmem:$0x1E800] =	vst v63  }
0xd8: {  	_ =	swait.ge [sflag:s9], $0x4000  }
0xd9: {  	s8 =	sadd.s32 $0x780, s8;
	[sflag:s9] =	ssyncset.done $0x0  }
0xda: {  	s25 =	simm.s32 $0x0;
	s7 =	sadd.s32 s7, s8;
	[sflag:s9] =	ssyncadd.s32 $0xFFFFC000  }
0xdb: {  	[tilespmem:s25], [sflag:$0x3] =	stream.linear.gather [hbm4b:s7+s25], $0x1400, $0x38;
	[tilespmem:$0x1E800] =	vst v63  }
0xdc: {  	s7 =	simm.s32 $0x3  }
0xdd: {  	_ =	swait.ge [sflag:s7], $0x1400  }
0xde: {  	[sflag:s7] =	ssyncset.done $0x0  }
0xdf: {  	s26 =	simm.s32 $0x1400;
	s6 =	sadd.s32 s6, s8;
	[sflag:s7] =	ssyncadd.s32 $0xFFFFEC00  }
0xe0: {  	[tilespmem:s26], [sflag:$0x3] =	stream.linear.gather [hbm4b:s6+s25], $0x1400, $0x38;
	[tilespmem:$0x1E800] =	vst v63  }
0xe1: {  	_ =	swait.ge [sflag:s7], $0x1400  }
0xe2: {  	s28 =	simm.s32 $0x0;
	s10 =	simm.s32 $0x1;
	[sflag:s7] =	ssyncset.done $0x0  }
0xe3: {  	s9 =	simm.s32 $0x2800;
	s6 =	simm.s32 $0x80;
	[sflag:s7] =	ssyncadd.s32 $0xFFFFEC00  }
0xe4: {  	[tilespmem:s9], [sflag:$0x1] =	stream.indirect.gather [hbm4b:s4+s6], $0x80, s28, s6, $0xb8;
	[tilespmem:$0x1E800] =	vst v63  }
0xe5: {  	_ =	swait.ge [sflag:s10], $0x4000  }
0xe6: {  	[sflag:s10] =	ssyncset.done $0x0  }
0xe7: {  	s29 =	simm.s32 $0x80;
	s8 =	simm.s32 $0x6800;
	[sflag:s10] =	ssyncadd.s32 $0xFFFFC000  }
0xe8: {  	[tilespmem:s8], [sflag:$0x2] =	stream.indirect.gather [hbm4b:s4+s6], $0x80, s29, s6, $0xb8;
	[tilespmem:$0x1E800] =	vst v63  }
0xe9: {  	s30 =	simm.s32 $0x1400  }
0xea: {  	[spmem:s2] =	stream.indirect.scatter.add.f32 [tilespmem:s9], [sflag:$0x3], $0x80, s30, s6, $0xb8;
	[tilespmem:$0x1E800] =	vst v63  }
0xeb: {  	_ =	swait.ge [sflag:s7], $0x4000  }
0xec: {  	[sflag:s7] =	ssyncset.done $0x0  }
0xed: {  	s11 =	simm.s32 $0x2;
	[sflag:s7] =	ssyncadd.s32 $0xFFFFC000  }
0xee: {  	_ =	swait.ge [sflag:s11], $0x4000  }
0xef: {  	[sflag:s11] =	ssyncset.done $0x0  }
0xf0: {  	s31 =	simm.s32 $0x1480;
	[sflag:s11] =	ssyncadd.s32 $0xFFFFC000  }
0xf1: {  	[spmem:s2] =	stream.indirect.scatter.add.f32 [tilespmem:s8], [sflag:$0x3], $0x80, s31, s6, $0xb8;
	[tilespmem:$0x1E800] =	vst v63  }
0xf2: {  	_ =	swait.ge [sflag:s7], $0x4000  }
0xf3: {  	s13 =	simm.s32 $0x800;
	s12 =	simm.s32 $0x400;
	[sflag:s7] =	ssyncset.done $0x0  }
.LBB2_9:
0xf4: {  	s14 =	sshra.s32 s12, $0x2  }
0xf5: {  	[sflag:s7] =	ssyncadd.s32 $0xFFFFC000;
	s12 =	smov.u32 s13;
	s15 =	sadd.s32 $0x400, s13  }
0xf6: {  	[tilespmem:s9], [sflag:$0x1] =	stream.indirect.gather [hbm4b:s4+s6], $0x80, s14, s6, $0xb8;
	[tilespmem:$0x1E800] =	vst v63  }
0xf7: {  	p0 =	sne.s32 s13, $0x4C00;
	_ =	swait.ge [sflag:s10], $0x4000  }
0xf8: {  	[sflag:s10] =	ssyncset.done $0x0  }
0xf9: {  	s13 =	sadd.s32 $0x80, s14;
	[sflag:s10] =	ssyncadd.s32 $0xFFFFC000  }
0xfa: {  	[tilespmem:s8], [sflag:$0x2] =	stream.indirect.gather [hbm4b:s4+s6], $0x80, s13, s6, $0xb8;
	[tilespmem:$0x1E800] =	vst v63  }
0xfb: {  	s13 =	sadd.s32 $0x1400, s14  }
0xfc: {  	[spmem:s2] =	stream.indirect.scatter.add.f32 [tilespmem:s9], [sflag:$0x3], $0x80, s13, s6, $0xb8;
	[tilespmem:$0x1E800] =	vst v63  }
0xfd: {  	_ =	swait.ge [sflag:s7], $0x4000  }
0xfe: {  	[sflag:s7] =	ssyncset.done $0x0  }
0xff: {  	[sflag:s7] =	ssyncadd.s32 $0xFFFFC000  }
0x100: {  	_ =	swait.ge [sflag:s11], $0x4000  }
.Ltmp4:
0x101: {  	[sflag:s11] =	ssyncset.done $0x0;
	(pc) =	sbr.rel @p0 .LBB2_9-.Ltmp4, $4  }
0x102: {  	s13 =	sadd.s32 $0x1480, s14;
	[sflag:s11] =	ssyncadd.s32 $0xFFFFC000  }
0x103: {  	[spmem:s2] =	stream.indirect.scatter.add.f32 [tilespmem:s8], [sflag:$0x3], $0x80, s13, s6, $0xb8;
	[tilespmem:$0x1E800] =	vst v63  }
0x104: {  	_ =	swait.ge [sflag:s7], $0x4000  }
0x105: {  	s13 =	smov.u32 s15;
	[sflag:s7] =	ssyncset.done $0x0  }
0x106: {  	s12 =	sshra.s32 s12, $0x2;
	[sflag:s7] =	ssyncadd.s32 $0xFFFFC000  }
0x107: {  	[tilespmem:s9], [sflag:$0x1] =	stream.indirect.gather [hbm4b:s4+s6], $0x80, s12, s6, $0xb8;
	[tilespmem:$0x1E800] =	vst v63  }
0x108: {  	_ =	swait.ge [sflag:s10], $0x4000  }
0x109: {  	[sflag:s10] =	ssyncset.done $0x0  }
0x10a: {  	s24 =	sadd.s32 $0x80, s12;
	[sflag:s10] =	ssyncadd.s32 $0xFFFFC000  }
0x10b: {  	[tilespmem:s8], [sflag:$0x2] =	stream.indirect.gather [hbm4b:s4+s6], $0x80, s24, s6, $0xb8;
	[tilespmem:$0x1E800] =	vst v63  }
0x10c: {  	s25 =	sadd.s32 $0x1400, s12  }
0x10d: {  	[spmem:s2] =	stream.indirect.scatter.add.f32 [tilespmem:s9], [sflag:$0x3], $0x80, s25, s6, $0xb8;
	[tilespmem:$0x1E800] =	vst v63  }
0x10e: {  	_ =	swait.ge [sflag:s7], $0x4000  }
0x10f: {  	[sflag:s7] =	ssyncset.done $0x0  }
0x110: {  	[sflag:s7] =	ssyncadd.s32 $0xFFFFC000  }
0x111: {  	_ =	swait.ge [sflag:s11], $0x4000  }
0x112: {  	[sflag:s11] =	ssyncset.done $0x0  }
0x113: {  	s26 =	sadd.s32 $0x1480, s12;
	[sflag:s11] =	ssyncadd.s32 $0xFFFFC000  }
0x114: {  	[spmem:s2] =	stream.indirect.scatter.add.f32 [tilespmem:s8], [sflag:$0x3], $0x80, s26, s6, $0xb8;
	[tilespmem:$0x1E800] =	vst v63  }
0x115: {  	_ =	swait.ge [sflag:s7], $0x4000  }
0x116: {  	s28 =	smul.u32 $0x2800, s1;
	s29 =	sshll.u32 s1, $0x6;
	[sflag:s7] =	ssyncset.done $0x0  }
0x117: {  	s30 =	sshrl.u32 s5, $0x3;
	s31 =	simm.s32 $0x3;
	[sflag:s7] =	ssyncadd.s32 $0xFFFFC000  }
0x118: {  	s2 =	sadd.s32 s3, s28;
	s3 =	sor.u32 $0x1C03, s29;
	[bflag:$0x0] =	sbarrier.arrive $0xFFFF  }
0x119: {  	[hbm:s2], [sflag:s3] =	dma.local [spmem:s30], $0x2800  }
0x11a: {  	_ =	swait.ge [sflag:s31], $0x2800  }
0x11b: {  	[sflag:s31] =	ssyncset.done $0x0  }
0x11c: {  	[sflag:s31] =	ssyncadd.s32 $0xFFFFD800  }
0x11d: {  	_ =	sfence.sel $0x180000  }
0x11e: {  	[bflag:$0x0] =	sbarrier.arrive $0xFFFF  }
0x11f: {  	p0 =	sne.s32 s1, $0x0;
	_ =	strace $0x9000004A  }
0x120: {  	s0 =	sadd.s32 @!p0 $0x100000, s0;
	[bflag:$0x2] =	sbarrier.arrive $0xFFFF  }
0x121: {  	[sflag:s0] =	ssyncadd.tile.s32 @!p0 $0x1;
	_ =	shalt  }
.Lfunc_end2:
_tile_overlayer_lowered:
.L_overlay_start_2:
0x122: {  	(tag) =	ssettag $0x2  }
0x123: {  	s0 =	rddreg [dreg:$0x0];
	s2 =	stileid.u32  }
0x124: {  	s1 =	rddreg [dreg:$0x1];
	p0 =	sne.s32 s2, $0x0  }
0x125: {  	s3 =	rddreg [dreg:$0x2];
	[bflag:$0x3] =	sbarrier.arrive $0xFFFF;
	s2 =	simm.s32 @!p0 $0x1C03  }
0x126: {  	[timem:s3], [sflag:s2] =	dma.local @!p0 [hbm:s0], s1  }
0x127: {  	s0 =	simm.s32 @!p0 $0x3  }
0x128: {  	_ =	swait.ge @!p0 [sflag:s0], s1  }
0x129: {  	s1 =	ssub.s32 @!p0 $0x0, s1;
	[sflag:s0] =	ssyncset.done @!p0 $0x0  }
0x12a: {  	[sflag:s0] =	ssyncadd.s32 @!p0 s1  }
0x12b: {  	[bflag:$0x3] =	sbarrier.arrive $0xFFFF  }
0x12c: {  	_ =	shalt  }

// kernel: kernel.14.cloned.1.call-start
scs
__scs_entry_jumppad:
0x0: {  	(pc) =	sbr.rel $0x88, $3  }
0x1: {  	(tag) =	ssettag $0x0;
	lr =	simm.s32 $0x1  }
0x2: {  	[smem:$0x3F98] =	sst lr;
	_ =	strace $0xD0000000  }
0x3: {  	_ = 	snop  }
0x4: {  	_ = 	snop  }
0x5: {  	_ = 	snop  }
0x6: {  	_ = 	snop  }
0x7: {  	_ = 	snop  }
__scs_overlays_trampoline_lowered:
0x8: {  	[smem:$0x3FA7] =	sst s0  }
0x9: {  	[smem:$0x3FA8] =	sst s1  }
0xa: {  	[smem:$0x3FA9] =	sst s2  }
0xb: {  	[smem:$0x3FAA] =	sst s3  }
0xc: {  	[smem:$0x3FAB] =	sst s4  }
0xd: {  	[smem:$0x3FAC] =	sst s5  }
0xe: {  	[smem:$0x3FAD] =	sst s6  }
0xf: {  	[smem:$0x3FAE] =	sst s7  }
0x10: {  	[smem:$0x3FAF] =	sst s8  }
0x11: {  	[smem:$0x3FB0] =	sst s9;
	s0 =	simm.s32 @!p0 $0x0  }
0x12: {  	s1 =	sld [smem:$0x3F96];
	s0 =	simm.s32 @p0 $0x1  }
0x13: {  	[smem:$0x3FB1] =	sst s0;
	s0 =	simm.s32 @!p1 $0x0  }
0x14: {  	s2 =	sld [smem:$0x3F95];
	s0 =	simm.s32 @p1 $0x1  }
0x15: {  	[smem:$0x3FB2] =	sst s0;
	s0 =	simm.s32 @!p2 $0x0  }
0x16: {  	s3 =	sld [smem:$0x3FDB];
	s0 =	simm.s32 @p2 $0x1  }
0x17: {  	s4 =	simm.s32 $0x1BF5;
	[smem:$0x3FB4] =	sst s0  }
0x18: {  	s0 =	sld [smem:$0x3F97];
	_ =	swait.ge [sflag:s4], $0x0  }
0x19: {  	s7 =	sld [smem:$0x3F98]  }
0x1a: {  	s8 =	sadd.s32 $0xFFFFE003, lr  }
0x1b: {  	s9 =	sadd.s32 $0xFFFFFEF7, lr;
	s5 =	simm.s32 $0xFFFFFFFF;
	p2 =	slt.u32 s8, $0xFFFFF086  }
0x1c: {  	p1 =	slt.u32 s9, $0xF7A;
	s5 =	simm.s32 @!p2 $0x0  }
0x1d: {  	s5 =	simm.s32 @p1 $0x1;
	p0 =	seq.s32 s7, s2  }
0x1e: {  	s7 =	smul.u32 @!p0 $0xF7A, s2;
	p2 =	seq.s32 @!p0 s5, $0x0  }
0x1f: {  	s9 =	smul.u32 $0xF7A, s1;
	s8 =	simm.s32 @!p0 $0x1BF5;
	p2 =	por !p2, p0  }
0x20: {  	[sflag:s8] =	ssyncset.s32 @!p0 $0xFFFFF086;
	s6 =	sadd.s32 @!p0 s3, s7;
	s7 =	simm.s32 @!p0 $0x108  }
0x21: {  	s3 =	sadd.s32 s3, s9;
	s6 =	sadd.s32 @!p0 $0x88, s6;
	s7 =	simm.s32 @p2 $0x1082  }
0x22: {  	[simem:s7], [sflag:s8] =	dma.local @!p0 [hbm:s6], $0xF7A  }
0x23: {  	s9 =	sor.u32 $0xD0000000, s2;
	s6 =	simm.s32 $0x108;
	_ =	swait.ge @!p0 [sflag:s8], $0x0  }
0x24: {  	s3 =	sadd.s32 $0x88, s3;
	s6 =	simm.s32 @!p1 $0x1082;
	[sflag:s4] =	ssyncset.s32 $0xFFFFF086  }
0x25: {  	[simem:s6], [sflag:s4] =	dma.local [hbm:s3], $0xF7A  }
0x26: {  	[smem:$0x3F98] =	sst s1;
	(tag) =	ssettag s2;
	_ =	strace s9  }
0x27: {  	s1 =	sld [smem:$0x3FA8]  }
0x28: {  	s2 =	sld [smem:$0x3FA9]  }
0x29: {  	s4 =	sld [smem:$0x3FAB]  }
0x2a: {  	p0 =	seq.s32 s5, $0x0;
	s5 =	sld [smem:$0x3FAC]  }
0x2b: {  	s6 =	sld [smem:$0x3FAD]  }
0x2c: {  	s7 =	sld [smem:$0x3FAE]  }
0x2d: {  	s3 =	simm.s32 $0x108;
	s8 =	sld [smem:$0x3FAF]  }
0x2e: {  	s3 =	simm.s32 @!p0 $0x1082;
	s9 =	sld [smem:$0x3FB0]  }
0x2f: {  	lr =	sadd.s32 s0, s3;
	s0 =	sld [smem:$0x3FA7]  }
0x30: {  	s3 =	sld [smem:$0x3FAA]  }
0x31: {  	[smem:$0x3FB3] =	sst s10  }
0x32: {  	s10 =	sld [smem:$0x3FB1];
	_ =	sdelay $0x3  }
0x33: {  	p0 =	seq.s32 s10, $0x1;
	s10 =	sld [smem:$0x3FB3];
	_ =	sdelay $0x3  }
0x34: {  	[smem:$0x3FB3] =	sst s10  }
0x35: {  	s10 =	sld [smem:$0x3FB2];
	_ =	sdelay $0x3  }
0x36: {  	p1 =	seq.s32 s10, $0x1;
	s10 =	sld [smem:$0x3FB3];
	_ =	sdelay $0x3  }
0x37: {  	[smem:$0x3FB3] =	sst s10  }
0x38: {  	s10 =	sld [smem:$0x3FB4]  }
0x39: {  	_ = 	snop;
	(pc) =	sbr.ind lr, $3  }
0x3a: {  	_ = 	snop  }
0x3b: {  	_ = 	snop  }
0x3c: {  	p2 =	seq.s32 s10, $0x1;
	s10 =	sld [smem:$0x3FB3]  }
0x3d: {  	_ =	shalt  }
0x3e: {  	_ =	shalt  }
0x3f: {  	_ =	shalt  }
0x40: {  	_ =	shalt  }
0x41: {  	_ =	shalt  }
0x42: {  	_ =	shalt  }
0x43: {  	_ =	shalt  }
0x44: {  	_ =	shalt  }
0x45: {  	_ =	shalt  }
0x46: {  	_ =	shalt  }
0x47: {  	_ =	shalt  }
0x48: {  	_ =	shalt  }
0x49: {  	_ =	shalt  }
0x4a: {  	_ =	shalt  }
0x4b: {  	_ =	shalt  }
0x4c: {  	_ =	shalt  }
0x4d: {  	_ =	shalt  }
0x4e: {  	_ =	shalt  }
0x4f: {  	_ =	shalt  }
0x50: {  	_ =	shalt  }
0x51: {  	_ =	shalt  }
0x52: {  	_ =	shalt  }
0x53: {  	_ =	shalt  }
0x54: {  	_ =	shalt  }
0x55: {  	_ =	shalt  }
0x56: {  	_ =	shalt  }
0x57: {  	_ =	shalt  }
0x58: {  	_ =	shalt  }
0x59: {  	_ =	shalt  }
0x5a: {  	_ =	shalt  }
0x5b: {  	_ =	shalt  }
0x5c: {  	_ =	shalt  }
0x5d: {  	_ =	shalt  }
0x5e: {  	_ =	shalt  }
0x5f: {  	_ =	shalt  }
0x60: {  	_ =	shalt  }
0x61: {  	_ =	shalt  }
0x62: {  	_ =	shalt  }
0x63: {  	_ =	shalt  }
0x64: {  	_ =	shalt  }
0x65: {  	_ =	shalt  }
0x66: {  	_ =	shalt  }
0x67: {  	_ =	shalt  }
0x68: {  	_ =	shalt  }
0x69: {  	_ =	shalt  }
0x6a: {  	_ =	shalt  }
0x6b: {  	_ =	shalt  }
0x6c: {  	_ =	shalt  }
0x6d: {  	_ =	shalt  }
0x6e: {  	_ =	shalt  }
0x6f: {  	_ =	shalt  }
0x70: {  	_ =	shalt  }
0x71: {  	_ =	shalt  }
0x72: {  	_ =	shalt  }
0x73: {  	_ =	shalt  }
0x74: {  	_ =	shalt  }
0x75: {  	_ =	shalt  }
0x76: {  	_ =	shalt  }
0x77: {  	_ =	shalt  }
0x78: {  	_ =	shalt  }
0x79: {  	_ =	shalt  }
0x7a: {  	_ =	shalt  }
0x7b: {  	_ =	shalt  }
0x7c: {  	_ =	shalt  }
0x7d: {  	_ =	shalt  }
0x7e: {  	_ =	shalt  }
0x7f: {  	_ =	shalt  }
0x80: {  	_ =	shalt  }
0x81: {  	_ =	shalt  }
0x82: {  	_ =	shalt  }
0x83: {  	_ =	shalt  }
0x84: {  	_ =	shalt  }
0x85: {  	_ =	shalt  }
0x86: {  	_ =	shalt  }
0x87: {  	_ =	shalt  }
.Lfunc_end0:
.L_simem_size_0:
called_computation.2_lowered:
.L_overlay_start_0:
0x88: {  	s0 =	sld [smem:$0x3FD9]  }
0x89: {  	s1 =	sld [smem:$0x3FFE];
	_ =	sdelay $0x3  }
0x8a: {  	s0 =	sadd.s32 s1, s0  }
0x8b: {  	[smem:$0x3FBF] =	sst s0  }
0x8c: {  	_ = 	snop  }
0x8d: {  	(tm) =	ssettm $0x1  }
0x8e: {  	s15 =	sld [smem:$0x3FFB];
	_ =	sdelay $0x3  }
0x8f: {  	_ =	strace s15  }
0x90: {  	s0 =	sld [smem:$0x3FFC];
	_ =	sdelay $0x3  }
0x91: {  	_ =	strace s0  }
0x92: {  	s0 =	sld [smem:$0x3FFD];
	_ =	sdelay $0x3  }
0x93: {  	_ =	strace s0  }
0x94: {  	_ =	strace $0x8FFFFFFF  }
0x95: {  	s16 =	sld [smem:$0x3FDB];
	_ =	sdelay $0x1  }
0x96: {  	s17 =	simm.s32 $_scs_section_size  }
0x97: {  	s2 =	simm.s32 $_size__tile_overlayer_lowered;
	s3 =	simm.s32 $_tile_overlayer_lowered  }
0x98: {  	s20 =	simm.s32 $0x1BFF;
	s19 =	sshll.u32 s3, $0x1;
	s0 =	sadd.s32 s17, s16  }
0x99: {  	s4 =	simm.s32 $0x0;
	s18 =	sshll.u32 s2, $0x1;
	s2 =	sadd.s32 s19, s0  }
0x9a: {  	[timem:s4], [sflag:s20] =	dma.local [hbm:s2], s18  }
0x9b: {  	_ =	swait.ge [sflag:s20], s18  }
0x9c: {  	s1 =	ssub.s32 $0x0, s18;
	[sflag:s20] =	ssyncset.done $0x0  }
0x9d: {  	[sflag:s20] =	ssyncadd.s32 s1;
	_ =	sdelay $0x1  }
0x9e: {  	s21 =	simm.s32 $0x1B8B  }
0x9f: {  	_ =	swait.ge [sflag:s21], $0x1  }
0xa0: {  	[sflag:s21] =	ssyncset.done $0x0  }
0xa1: {  	s23 =	simm.s32 $0x1B8E;
	s22 =	sld [smem:$0x3FFE];
	[sflag:s21] =	ssyncadd.s32 $0xFFFFFFFF  }
0xa2: {  	s24 =	simm.s32 $execute0_lowered;
	[smem:$0x3FD2] =	sst s23  }
0xa3: {  	s2 =	sshll.u32 s24, $0x1;
	_ =	strace $0x8000004C;
	[dreg:$0x1] =	wrdreg $0xFFFFFFFF  }
0xa4: {  	s25 =	simm.s32 $_size_execute0_lowered;
	s0 =	sadd.s32 s0, s2;
	[dreg:$0x0] =	wrdreg $0x0  }
0xa5: {  	s2 =	sshll.u32 s25, $0x1;
	[dreg:$0x2] =	wrdreg s0  }
0xa6: {  	[dreg:$0x3] =	wrdreg s2  }
0xa7: {  	[dreg:$0x4] =	wrdreg $0xC0  }
0xa8: {  	_ =	task [dreg:s4], $0x5FFFF  }
0xa9: {  	[dreg:$0x1] =	wrdreg $0xFFFFFFFF  }
0xaa: {  	[dreg:$0x0] =	wrdreg $0x60  }
0xab: {  	[dreg:$0x2] =	wrdreg s22  }
0xac: {  	[dreg:$0x3] =	wrdreg $0xA8000  }
0xad: {  	[dreg:$0x4] =	wrdreg $0x9  }
0xae: {  	_ =	task.clear_ibuf [dreg:s4], $0x5FFFF;
	_ =	strace $0x9000004C  }
0xaf: {  	s26 =	simm.s32 $0x9;
	_ =	strace $0x8000004E  }
0xb0: {  	_ =	swait.ge [sflag:s26], $0x1  }
0xb1: {  	[sflag:s26] =	ssyncadd.s32 $0xFFFFFFFF  }
0xb2: {  	_ =	strace $0x9000004E  }
0xb3: {  	_ =	sfence  }
0xb4: {  	s28 =	sld [smem:$0x0];
	_ =	sdelay $0x1  }
0xb5: {  	s29 =	srdreg.scid  }
0xb6: {  	s30 =	sshll.u32 s29, $0xD;
	s31 =	sshrl.u32 s29, $0x2  }
0xb7: {  	s1 =	sand.u32 $0x1, s29;
	s2 =	sand.u32 $0x4000, s30;
	s0 =	sadd.s32 s31, s28  }
0xb8: {  	s1 =	sor.u32 s2, s1;
	s0 =	sshll.u32 s0, $0x11  }
0xb9: {  	s0 =	sor.u32 s0, s1  }
0xba: {  	s0 =	sadd.s32 $0x8F2B, s0  }
0xbb: {  	[sflag:s0] =	ssyncadd.remote.s32 $0x1  }
0xbc: {  	_ =	sfence.sel $0xFFFF  }
0xbd: {  	[dreg:$0x0] =	wrdreg $0xFFFFFFFF;
	(pc) =	sbr.abs _section_cstart, $3  }
0xbe: {  	[dreg:$0x1] =	wrdreg $0xFFFFFFFF  }
0xbf: {  	_ =	task.clear_ibuf [dreg:s4], $0x2FFFF;
	_ =	strace $0x9FFFFFFF  }
0xc0: {  	(tm) =	ssettm $0x7FFFFFFF  }
0xc1: {  	_ =	shalt  }
tec
execute0_lowered:
.L_overlay_start_1:
0x0: {  	(tag) =	ssettag $0x1  }
0x1: {  	s1 =	rddreg [dreg:$0x0]  }
0x2: {  	s2 =	rddreg [dreg:$0x1]  }
0x3: {  	s0 =	rddreg [dreg:$0x2];
	s5 =	simm.s32 $0x0  }
0x4: {  	[smem:$0x7FF] =	sst s5;
	s4 =	sadd.s32 $0x17000, s1;
	s7 =	sadd.s32 $0x3000, s1  }
0x5: {  	s6 =	sadd.s32 $0xD000, s1;
	s8 =	sand.u32 $0xFE00, s5;
	s3 =	sadd.s32 $0x3F000, s1  }
0x6: {  	s9 =	sand.u32 $0x70, s5;
	s1 =	stileid.u32;
	s10 =	sshrl.u32 s8, $0x2  }
0x7: {  	v0 =	vimm.f32 $0.0e+00;
	_ =	strace $0x8000004D;
	s8 =	simm.s32 $0x40;
	s9 =	sor.u32 s9, s10  }
.LBB2_1:
0x8: {  	p0 =	sne.s32 s8, $0xFFC0  }
0x9: {  	[tilespmem:s9+$0x2800] =	vst v0;
	s5 =	sadd.s32 $0x10, s5;
	s9 =	smov.u32 s8;
	s8 =	sadd.s32 $0x40, s8  }
.Ltmp0:
0xa: {  	(pc) =	sbr.rel @p0 .LBB2_1-.Ltmp0, $4  }
0xb: {  	_ = 	snop  }
0xc: {  	s9 =	sand.u32 $0xFE00, s9  }
0xd: {  	s10 =	sand.u32 $0x70, s5;
	s9 =	sshrl.u32 s9, $0x2  }
0xe: {  	s9 =	sor.u32 s10, s9  }
0xf: {  	s5 =	smul.u32 $0x50000, s1;
	_ =	sdelay $0x1  }
0x10: {  	s5 =	sshrl.u32 s5, $0x2  }
0x11: {  	[tilespmem:s9+$0x2800] =	vst v0;
	s8 =	simm.s32 $0x2800;
	s9 =	simm.s32 $0x3;
	s5 =	sadd.s32 s5, s2  }
0x12: {  	[spmem:s5] =	stream.linear.scatter [tilespmem:s8], [sflag:$0x3], $0x4000, $0x38;
	[tilespmem:$0x1E800] =	vst v63  }
0x13: {  	_ =	swait.ge [sflag:s9], $0x4000  }
0x14: {  	[sflag:s9] =	ssyncset.done $0x0  }
0x15: {  	s10 =	sadd.s32 $0x4000, s5;
	[sflag:s9] =	ssyncadd.s32 $0xFFFFC000  }
0x16: {  	[spmem:s10] =	stream.linear.scatter [tilespmem:s8], [sflag:$0x3], $0x4000, $0x38;
	[tilespmem:$0x1E800] =	vst v63  }
0x17: {  	_ =	swait.ge [sflag:s9], $0x4000  }
0x18: {  	[sflag:s9] =	ssyncset.done $0x0  }
0x19: {  	s24 =	sadd.s32 $0x8000, s5;
	[sflag:s9] =	ssyncadd.s32 $0xFFFFC000  }
0x1a: {  	[spmem:s24] =	stream.linear.scatter [tilespmem:s8], [sflag:$0x3], $0x4000, $0x38;
	[tilespmem:$0x1E800] =	vst v63  }
0x1b: {  	_ =	swait.ge [sflag:s9], $0x4000  }
0x1c: {  	[sflag:s9] =	ssyncset.done $0x0  }
0x1d: {  	s25 =	sadd.s32 $0xC000, s5;
	[sflag:s9] =	ssyncadd.s32 $0xFFFFC000  }
0x1e: {  	[spmem:s25] =	stream.linear.scatter [tilespmem:s8], [sflag:$0x3], $0x4000, $0x38;
	[tilespmem:$0x1E800] =	vst v63  }
0x1f: {  	_ =	swait.ge [sflag:s9], $0x4000  }
0x20: {  	[sflag:s9] =	ssyncset.done $0x0  }
0x21: {  	s26 =	sadd.s32 $0x10000, s5;
	[sflag:s9] =	ssyncadd.s32 $0xFFFFC000  }
0x22: {  	[spmem:s26] =	stream.linear.scatter [tilespmem:s8], [sflag:$0x3], $0x4000, $0x38;
	[tilespmem:$0x1E800] =	vst v63  }
0x23: {  	_ =	swait.ge [sflag:s9], $0x4000  }
0x24: {  	s28 =	smul.u32 $0xA00, s1;
	[sflag:s9] =	ssyncset.done $0x0  }
0x25: {  	[sflag:s9] =	ssyncadd.s32 $0xFFFFC000  }
0x26: {  	s12 =	simm.s32 $0x0;
	s11 =	sadd.s32 s7, s28;
	[bflag:$0x0] =	sbarrier.arrive $0xFFFF  }
0x27: {  	[tilespmem:s12], [sflag:$0x3] =	stream.linear.gather [hbm4b:s11+s12], $0x1400, $0x38;
	[tilespmem:$0x1E800] =	vst v63  }
0x28: {  	_ =	swait.ge [sflag:s9], $0x1400  }
0x29: {  	[sflag:s9] =	ssyncset.done $0x0  }
0x2a: {  	s29 =	simm.s32 $0x1400;
	s10 =	sadd.s32 s6, s28;
	[sflag:s9] =	ssyncadd.s32 $0xFFFFEC00  }
0x2b: {  	[tilespmem:s29], [sflag:$0x3] =	stream.linear.gather [hbm4b:s10+s12], $0x1400, $0x38;
	[tilespmem:$0x1E800] =	vst v63  }
0x2c: {  	_ =	swait.ge [sflag:s9], $0x1400  }
0x2d: {  	s30 =	simm.s32 $0x0;
	[sflag:s9] =	ssyncset.done $0x0  }
0x2e: {  	s10 =	simm.s32 $0x80;
	s12 =	simm.s32 $0x1;
	[sflag:s9] =	ssyncadd.s32 $0xFFFFEC00  }
0x2f: {  	[tilespmem:s8], [sflag:$0x1] =	stream.indirect.gather [hbm4b:s4+s10], $0x80, s30, s10, $0xb8;
	[tilespmem:$0x1E800] =	vst v63  }
0x30: {  	_ =	swait.ge [sflag:s12], $0x4000  }
0x31: {  	[sflag:s12] =	ssyncset.done $0x0  }
0x32: {  	s13 =	simm.s32 $0x80;
	s11 =	simm.s32 $0x6800;
	[sflag:s12] =	ssyncadd.s32 $0xFFFFC000  }
0x33: {  	[tilespmem:s11], [sflag:$0x2] =	stream.indirect.gather [hbm4b:s4+s10], $0x80, s13, s10, $0xb8;
	[tilespmem:$0x1E800] =	vst v63  }
0x34: {  	s31 =	simm.s32 $0x1400  }
0x35: {  	[spmem:s2] =	stream.indirect.scatter.add.f32 [tilespmem:s8], [sflag:$0x3], $0x80, s31, s10, $0xb8;
	[tilespmem:$0x1E800] =	vst v63  }
0x36: {  	_ =	swait.ge [sflag:s9], $0x4000  }
0x37: {  	[sflag:s9] =	ssyncset.done $0x0  }
0x38: {  	s13 =	simm.s32 $0x2;
	[sflag:s9] =	ssyncadd.s32 $0xFFFFC000  }
0x39: {  	_ =	swait.ge [sflag:s13], $0x4000  }
0x3a: {  	[sflag:s13] =	ssyncset.done $0x0  }
0x3b: {  	s14 =	simm.s32 $0x1480;
	[sflag:s13] =	ssyncadd.s32 $0xFFFFC000  }
0x3c: {  	[spmem:s2] =	stream.indirect.scatter.add.f32 [tilespmem:s11], [sflag:$0x3], $0x80, s14, s10, $0xb8;
	[tilespmem:$0x1E800] =	vst v63  }
0x3d: {  	_ =	swait.ge [sflag:s9], $0x4000  }
0x3e: {  	s15 =	simm.s32 $0x800;
	s14 =	simm.s32 $0x400;
	[sflag:s9] =	ssyncset.done $0x0  }
.LBB2_3:
0x3f: {  	s16 =	sshra.s32 s14, $0x2  }
0x40: {  	[sflag:s9] =	ssyncadd.s32 $0xFFFFC000;
	s14 =	smov.u32 s15;
	s17 =	sadd.s32 $0x400, s15  }
0x41: {  	[tilespmem:s8], [sflag:$0x1] =	stream.indirect.gather [hbm4b:s4+s10], $0x80, s16, s10, $0xb8;
	[tilespmem:$0x1E800] =	vst v63  }
0x42: {  	p0 =	sne.s32 s15, $0x4C00;
	_ =	swait.ge [sflag:s12], $0x4000  }
0x43: {  	[sflag:s12] =	ssyncset.done $0x0  }
0x44: {  	s15 =	sadd.s32 $0x80, s16;
	[sflag:s12] =	ssyncadd.s32 $0xFFFFC000  }
0x45: {  	[tilespmem:s11], [sflag:$0x2] =	stream.indirect.gather [hbm4b:s4+s10], $0x80, s15, s10, $0xb8;
	[tilespmem:$0x1E800] =	vst v63  }
0x46: {  	s15 =	sadd.s32 $0x1400, s16  }
0x47: {  	[spmem:s2] =	stream.indirect.scatter.add.f32 [tilespmem:s8], [sflag:$0x3], $0x80, s15, s10, $0xb8;
	[tilespmem:$0x1E800] =	vst v63  }
0x48: {  	_ =	swait.ge [sflag:s9], $0x4000  }
0x49: {  	[sflag:s9] =	ssyncset.done $0x0  }
0x4a: {  	[sflag:s9] =	ssyncadd.s32 $0xFFFFC000  }
0x4b: {  	_ =	swait.ge [sflag:s13], $0x4000  }
.Ltmp1:
0x4c: {  	[sflag:s13] =	ssyncset.done $0x0;
	(pc) =	sbr.rel @p0 .LBB2_3-.Ltmp1, $4  }
0x4d: {  	s15 =	sadd.s32 $0x1480, s16;
	[sflag:s13] =	ssyncadd.s32 $0xFFFFC000  }
0x4e: {  	[spmem:s2] =	stream.indirect.scatter.add.f32 [tilespmem:s11], [sflag:$0x3], $0x80, s15, s10, $0xb8;
	[tilespmem:$0x1E800] =	vst v63  }
0x4f: {  	_ =	swait.ge [sflag:s9], $0x4000  }
0x50: {  	s15 =	smov.u32 s17;
	[sflag:s9] =	ssyncset.done $0x0  }
0x51: {  	s14 =	sshra.s32 s14, $0x2;
	[sflag:s9] =	ssyncadd.s32 $0xFFFFC000  }
0x52: {  	[tilespmem:s8], [sflag:$0x1] =	stream.indirect.gather [hbm4b:s4+s10], $0x80, s14, s10, $0xb8;
	[tilespmem:$0x1E800] =	vst v63  }
0x53: {  	_ =	swait.ge [sflag:s12], $0x4000  }
0x54: {  	[sflag:s12] =	ssyncset.done $0x0  }
0x55: {  	s20 =	sadd.s32 $0x80, s14;
	[sflag:s12] =	ssyncadd.s32 $0xFFFFC000  }
0x56: {  	[tilespmem:s11], [sflag:$0x2] =	stream.indirect.gather [hbm4b:s4+s10], $0x80, s20, s10, $0xb8;
	[tilespmem:$0x1E800] =	vst v63  }
0x57: {  	s21 =	sadd.s32 $0x1400, s14  }
0x58: {  	[spmem:s2] =	stream.indirect.scatter.add.f32 [tilespmem:s8], [sflag:$0x3], $0x80, s21, s10, $0xb8;
	[tilespmem:$0x1E800] =	vst v63  }
0x59: {  	_ =	swait.ge [sflag:s9], $0x4000  }
0x5a: {  	[sflag:s9] =	ssyncset.done $0x0  }
0x5b: {  	[sflag:s9] =	ssyncadd.s32 $0xFFFFC000  }
0x5c: {  	_ =	swait.ge [sflag:s13], $0x4000  }
0x5d: {  	[sflag:s13] =	ssyncset.done $0x0  }
0x5e: {  	s23 =	smul.u32 $0x5000, s1;
	s22 =	sadd.s32 $0x1480, s14;
	[sflag:s13] =	ssyncadd.s32 $0xFFFFC000  }
0x5f: {  	[spmem:s2] =	stream.indirect.scatter.add.f32 [tilespmem:s11], [sflag:$0x3], $0x80, s22, s10, $0xb8;
	[tilespmem:$0x1E800] =	vst v63  }
0x60: {  	s8 =	sshrl.u32 s23, $0x3;
	_ =	swait.ge [sflag:s9], $0x4000  }
0x61: {  	s26 =	simm.s32 $0x0;
	s24 =	sadd.s32 $0x280, s8;
	[sflag:s9] =	ssyncset.done $0x0  }
0x62: {  	s25 =	sadd.s32 s7, s24;
	[sflag:s9] =	ssyncadd.s32 $0xFFFFC000;
	s9 =	simm.s32 $0x3  }
0x63: {  	[tilespmem:s26], [sflag:$0x3] =	stream.linear.gather [hbm4b:s25+s26], $0x1400, $0x38;
	[tilespmem:$0x1E800] =	vst v63  }
0x64: {  	_ =	swait.ge [sflag:s9], $0x1400  }
0x65: {  	[sflag:s9] =	ssyncset.done $0x0  }
0x66: {  	s28 =	simm.s32 $0x1400;
	s10 =	sadd.s32 s6, s24;
	[sflag:s9] =	ssyncadd.s32 $0xFFFFEC00  }
0x67: {  	[tilespmem:s28], [sflag:$0x3] =	stream.linear.gather [hbm4b:s10+s26], $0x1400, $0x38;
	[tilespmem:$0x1E800] =	vst v63  }
0x68: {  	_ =	swait.ge [sflag:s9], $0x1400  }
0x69: {  	s29 =	simm.s32 $0x0;
	s12 =	simm.s32 $0x2800;
	[sflag:s9] =	ssyncset.done $0x0  }
0x6a: {  	s13 =	simm.s32 $0x1;
	s10 =	simm.s32 $0x80;
	[sflag:s9] =	ssyncadd.s32 $0xFFFFEC00  }
0x6b: {  	[tilespmem:s12], [sflag:$0x1] =	stream.indirect.gather [hbm4b:s4+s10], $0x80, s29, s10, $0xb8;
	[tilespmem:$0x1E800] =	vst v63  }
0x6c: {  	_ =	swait.ge [sflag:s13], $0x4000  }
0x6d: {  	[sflag:s13] =	ssyncset.done $0x0  }
0x6e: {  	s30 =	simm.s32 $0x80;
	s11 =	simm.s32 $0x6800;
	[sflag:s13] =	ssyncadd.s32 $0xFFFFC000  }
0x6f: {  	[tilespmem:s11], [sflag:$0x2] =	stream.indirect.gather [hbm4b:s4+s10], $0x80, s30, s10, $0xb8;
	[tilespmem:$0x1E800] =	vst v63  }
0x70: {  	s31 =	simm.s32 $0x1400  }
0x71: {  	[spmem:s2] =	stream.indirect.scatter.add.f32 [tilespmem:s12], [sflag:$0x3], $0x80, s31, s10, $0xb8;
	[tilespmem:$0x1E800] =	vst v63  }
0x72: {  	_ =	swait.ge [sflag:s9], $0x4000  }
0x73: {  	[sflag:s9] =	ssyncset.done $0x0  }
0x74: {  	s14 =	simm.s32 $0x2;
	[sflag:s9] =	ssyncadd.s32 $0xFFFFC000  }
0x75: {  	_ =	swait.ge [sflag:s14], $0x4000  }
0x76: {  	[sflag:s14] =	ssyncset.done $0x0  }
0x77: {  	s15 =	simm.s32 $0x1480;
	[sflag:s14] =	ssyncadd.s32 $0xFFFFC000  }
0x78: {  	[spmem:s2] =	stream.indirect.scatter.add.f32 [tilespmem:s11], [sflag:$0x3], $0x80, s15, s10, $0xb8;
	[tilespmem:$0x1E800] =	vst v63  }
0x79: {  	_ =	swait.ge [sflag:s9], $0x4000  }
0x7a: {  	s16 =	simm.s32 $0x800;
	s15 =	simm.s32 $0x400;
	[sflag:s9] =	ssyncset.done $0x0  }
.LBB2_5:
0x7b: {  	s17 =	sshra.s32 s15, $0x2  }
0x7c: {  	[sflag:s9] =	ssyncadd.s32 $0xFFFFC000;
	s15 =	smov.u32 s16;
	s18 =	sadd.s32 $0x400, s16  }
0x7d: {  	[tilespmem:s12], [sflag:$0x1] =	stream.indirect.gather [hbm4b:s4+s10], $0x80, s17, s10, $0xb8;
	[tilespmem:$0x1E800] =	vst v63  }
0x7e: {  	p0 =	sne.s32 s16, $0x4C00;
	_ =	swait.ge [sflag:s13], $0x4000  }
0x7f: {  	[sflag:s13] =	ssyncset.done $0x0  }
0x80: {  	s16 =	sadd.s32 $0x80, s17;
	[sflag:s13] =	ssyncadd.s32 $0xFFFFC000  }
0x81: {  	[tilespmem:s11], [sflag:$0x2] =	stream.indirect.gather [hbm4b:s4+s10], $0x80, s16, s10, $0xb8;
	[tilespmem:$0x1E800] =	vst v63  }
0x82: {  	s16 =	sadd.s32 $0x1400, s17  }
0x83: {  	[spmem:s2] =	stream.indirect.scatter.add.f32 [tilespmem:s12], [sflag:$0x3], $0x80, s16, s10, $0xb8;
	[tilespmem:$0x1E800] =	vst v63  }
0x84: {  	_ =	swait.ge [sflag:s9], $0x4000  }
0x85: {  	[sflag:s9] =	ssyncset.done $0x0  }
0x86: {  	[sflag:s9] =	ssyncadd.s32 $0xFFFFC000  }
0x87: {  	_ =	swait.ge [sflag:s14], $0x4000  }
.Ltmp2:
0x88: {  	[sflag:s14] =	ssyncset.done $0x0;
	(pc) =	sbr.rel @p0 .LBB2_5-.Ltmp2, $4  }
0x89: {  	s16 =	sadd.s32 $0x1480, s17;
	[sflag:s14] =	ssyncadd.s32 $0xFFFFC000  }
0x8a: {  	[spmem:s2] =	stream.indirect.scatter.add.f32 [tilespmem:s11], [sflag:$0x3], $0x80, s16, s10, $0xb8;
	[tilespmem:$0x1E800] =	vst v63  }
0x8b: {  	_ =	swait.ge [sflag:s9], $0x4000  }
0x8c: {  	s16 =	smov.u32 s18;
	[sflag:s9] =	ssyncset.done $0x0  }
0x8d: {  	s15 =	sshra.s32 s15, $0x2;
	[sflag:s9] =	ssyncadd.s32 $0xFFFFC000  }
0x8e: {  	[tilespmem:s12], [sflag:$0x1] =	stream.indirect.gather [hbm4b:s4+s10], $0x80, s15, s10, $0xb8;
	[tilespmem:$0x1E800] =	vst v63  }
0x8f: {  	_ =	swait.ge [sflag:s13], $0x4000  }
0x90: {  	[sflag:s13] =	ssyncset.done $0x0  }
0x91: {  	s20 =	sadd.s32 $0x80, s15;
	[sflag:s13] =	ssyncadd.s32 $0xFFFFC000  }
0x92: {  	[tilespmem:s11], [sflag:$0x2] =	stream.indirect.gather [hbm4b:s4+s10], $0x80, s20, s10, $0xb8;
	[tilespmem:$0x1E800] =	vst v63  }
0x93: {  	s21 =	sadd.s32 $0x1400, s15  }
0x94: {  	[spmem:s2] =	stream.indirect.scatter.add.f32 [tilespmem:s12], [sflag:$0x3], $0x80, s21, s10, $0xb8;
	[tilespmem:$0x1E800] =	vst v63  }
0x95: {  	_ =	swait.ge [sflag:s9], $0x4000  }
0x96: {  	[sflag:s9] =	ssyncset.done $0x0  }
0x97: {  	[sflag:s9] =	ssyncadd.s32 $0xFFFFC000  }
0x98: {  	_ =	swait.ge [sflag:s14], $0x4000  }
0x99: {  	[sflag:s14] =	ssyncset.done $0x0  }
0x9a: {  	s22 =	sadd.s32 $0x1480, s15;
	[sflag:s14] =	ssyncadd.s32 $0xFFFFC000  }
0x9b: {  	[spmem:s2] =	stream.indirect.scatter.add.f32 [tilespmem:s11], [sflag:$0x3], $0x80, s22, s10, $0xb8;
	[tilespmem:$0x1E800] =	vst v63  }
0x9c: {  	_ =	swait.ge [sflag:s9], $0x4000  }
0x9d: {  	s23 =	sadd.s32 $0x500, s8;
	s25 =	simm.s32 $0x0;
	[sflag:s9] =	ssyncset.done $0x0  }
0x9e: {  	s24 =	sadd.s32 s7, s23;
	[sflag:s9] =	ssyncadd.s32 $0xFFFFC000;
	s9 =	simm.s32 $0x3  }
0x9f: {  	[tilespmem:s25], [sflag:$0x3] =	stream.linear.gather [hbm4b:s24+s25], $0x1400, $0x38;
	[tilespmem:$0x1E800] =	vst v63  }
0xa0: {  	_ =	swait.ge [sflag:s9], $0x1400  }
0xa1: {  	[sflag:s9] =	ssyncset.done $0x0  }
0xa2: {  	s26 =	simm.s32 $0x1400;
	s10 =	sadd.s32 s6, s23;
	[sflag:s9] =	ssyncadd.s32 $0xFFFFEC00  }
0xa3: {  	[tilespmem:s26], [sflag:$0x3] =	stream.linear.gather [hbm4b:s10+s25], $0x1400, $0x38;
	[tilespmem:$0x1E800] =	vst v63  }
0xa4: {  	_ =	swait.ge [sflag:s9], $0x1400  }
0xa5: {  	s28 =	simm.s32 $0x0;
	s13 =	simm.s32 $0x1;
	[sflag:s9] =	ssyncset.done $0x0  }
0xa6: {  	s12 =	simm.s32 $0x2800;
	s10 =	simm.s32 $0x80;
	[sflag:s9] =	ssyncadd.s32 $0xFFFFEC00  }
0xa7: {  	[tilespmem:s12], [sflag:$0x1] =	stream.indirect.gather [hbm4b:s4+s10], $0x80, s28, s10, $0xb8;
	[tilespmem:$0x1E800] =	vst v63  }
0xa8: {  	_ =	swait.ge [sflag:s13], $0x4000  }
0xa9: {  	[sflag:s13] =	ssyncset.done $0x0  }
0xaa: {  	s29 =	simm.s32 $0x80;
	s11 =	simm.s32 $0x6800;
	[sflag:s13] =	ssyncadd.s32 $0xFFFFC000  }
0xab: {  	[tilespmem:s11], [sflag:$0x2] =	stream.indirect.gather [hbm4b:s4+s10], $0x80, s29, s10, $0xb8;
	[tilespmem:$0x1E800] =	vst v63  }
0xac: {  	s30 =	simm.s32 $0x1400  }
0xad: {  	[spmem:s2] =	stream.indirect.scatter.add.f32 [tilespmem:s12], [sflag:$0x3], $0x80, s30, s10, $0xb8;
	[tilespmem:$0x1E800] =	vst v63  }
0xae: {  	_ =	swait.ge [sflag:s9], $0x4000  }
0xaf: {  	[sflag:s9] =	ssyncset.done $0x0  }
0xb0: {  	s14 =	simm.s32 $0x2;
	[sflag:s9] =	ssyncadd.s32 $0xFFFFC000  }
0xb1: {  	_ =	swait.ge [sflag:s14], $0x4000  }
0xb2: {  	[sflag:s14] =	ssyncset.done $0x0  }
0xb3: {  	s31 =	simm.s32 $0x1480;
	[sflag:s14] =	ssyncadd.s32 $0xFFFFC000  }
0xb4: {  	[spmem:s2] =	stream.indirect.scatter.add.f32 [tilespmem:s11], [sflag:$0x3], $0x80, s31, s10, $0xb8;
	[tilespmem:$0x1E800] =	vst v63  }
0xb5: {  	_ =	swait.ge [sflag:s9], $0x4000  }
0xb6: {  	s16 =	simm.s32 $0x800;
	s15 =	simm.s32 $0x400;
	[sflag:s9] =	ssyncset.done $0x0  }
.LBB2_7:
0xb7: {  	s17 =	sshra.s32 s15, $0x2  }
0xb8: {  	[sflag:s9] =	ssyncadd.s32 $0xFFFFC000;
	s15 =	smov.u32 s16;
	s18 =	sadd.s32 $0x400, s16  }
0xb9: {  	[tilespmem:s12], [sflag:$0x1] =	stream.indirect.gather [hbm4b:s4+s10], $0x80, s17, s10, $0xb8;
	[tilespmem:$0x1E800] =	vst v63  }
0xba: {  	p0 =	sne.s32 s16, $0x4C00;
	_ =	swait.ge [sflag:s13], $0x4000  }
0xbb: {  	[sflag:s13] =	ssyncset.done $0x0  }
0xbc: {  	s16 =	sadd.s32 $0x80, s17;
	[sflag:s13] =	ssyncadd.s32 $0xFFFFC000  }
0xbd: {  	[tilespmem:s11], [sflag:$0x2] =	stream.indirect.gather [hbm4b:s4+s10], $0x80, s16, s10, $0xb8;
	[tilespmem:$0x1E800] =	vst v63  }
0xbe: {  	s16 =	sadd.s32 $0x1400, s17  }
0xbf: {  	[spmem:s2] =	stream.indirect.scatter.add.f32 [tilespmem:s12], [sflag:$0x3], $0x80, s16, s10, $0xb8;
	[tilespmem:$0x1E800] =	vst v63  }
0xc0: {  	_ =	swait.ge [sflag:s9], $0x4000  }
0xc1: {  	[sflag:s9] =	ssyncset.done $0x0  }
0xc2: {  	[sflag:s9] =	ssyncadd.s32 $0xFFFFC000  }
0xc3: {  	_ =	swait.ge [sflag:s14], $0x4000  }
.Ltmp3:
0xc4: {  	[sflag:s14] =	ssyncset.done $0x0;
	(pc) =	sbr.rel @p0 .LBB2_7-.Ltmp3, $4  }
0xc5: {  	s16 =	sadd.s32 $0x1480, s17;
	[sflag:s14] =	ssyncadd.s32 $0xFFFFC000  }
0xc6: {  	[spmem:s2] =	stream.indirect.scatter.add.f32 [tilespmem:s11], [sflag:$0x3], $0x80, s16, s10, $0xb8;
	[tilespmem:$0x1E800] =	vst v63  }
0xc7: {  	_ =	swait.ge [sflag:s9], $0x4000  }
0xc8: {  	s16 =	smov.u32 s18;
	[sflag:s9] =	ssyncset.done $0x0  }
0xc9: {  	s15 =	sshra.s32 s15, $0x2;
	[sflag:s9] =	ssyncadd.s32 $0xFFFFC000  }
0xca: {  	[tilespmem:s12], [sflag:$0x1] =	stream.indirect.gather [hbm4b:s4+s10], $0x80, s15, s10, $0xb8;
	[tilespmem:$0x1E800] =	vst v63  }
0xcb: {  	_ =	swait.ge [sflag:s13], $0x4000  }
0xcc: {  	[sflag:s13] =	ssyncset.done $0x0  }
0xcd: {  	s22 =	sadd.s32 $0x80, s15;
	[sflag:s13] =	ssyncadd.s32 $0xFFFFC000  }
0xce: {  	[tilespmem:s11], [sflag:$0x2] =	stream.indirect.gather [hbm4b:s4+s10], $0x80, s22, s10, $0xb8;
	[tilespmem:$0x1E800] =	vst v63  }
0xcf: {  	s23 =	sadd.s32 $0x1400, s15  }
0xd0: {  	[spmem:s2] =	stream.indirect.scatter.add.f32 [tilespmem:s12], [sflag:$0x3], $0x80, s23, s10, $0xb8;
	[tilespmem:$0x1E800] =	vst v63  }
0xd1: {  	_ =	swait.ge [sflag:s9], $0x4000  }
0xd2: {  	[sflag:s9] =	ssyncset.done $0x0  }
0xd3: {  	[sflag:s9] =	ssyncadd.s32 $0xFFFFC000  }
0xd4: {  	_ =	swait.ge [sflag:s14], $0x4000  }
0xd5: {  	[sflag:s14] =	ssyncset.done $0x0  }
0xd6: {  	s24 =	sadd.s32 $0x1480, s15;
	[sflag:s14] =	ssyncadd.s32 $0xFFFFC000  }
0xd7: {  	[spmem:s2] =	stream.indirect.scatter.add.f32 [tilespmem:s11], [sflag:$0x3], $0x80, s24, s10, $0xb8;
	[tilespmem:$0x1E800] =	vst v63  }
0xd8: {  	_ =	swait.ge [sflag:s9], $0x4000  }
0xd9: {  	s8 =	sadd.s32 $0x780, s8;
	[sflag:s9] =	ssyncset.done $0x0  }
0xda: {  	s25 =	simm.s32 $0x0;
	s7 =	sadd.s32 s7, s8;
	[sflag:s9] =	ssyncadd.s32 $0xFFFFC000  }
0xdb: {  	[tilespmem:s25], [sflag:$0x3] =	stream.linear.gather [hbm4b:s7+s25], $0x1400, $0x38;
	[tilespmem:$0x1E800] =	vst v63  }
0xdc: {  	s7 =	simm.s32 $0x3  }
0xdd: {  	_ =	swait.ge [sflag:s7], $0x1400  }
0xde: {  	[sflag:s7] =	ssyncset.done $0x0  }
0xdf: {  	s26 =	simm.s32 $0x1400;
	s6 =	sadd.s32 s6, s8;
	[sflag:s7] =	ssyncadd.s32 $0xFFFFEC00  }
0xe0: {  	[tilespmem:s26], [sflag:$0x3] =	stream.linear.gather [hbm4b:s6+s25], $0x1400, $0x38;
	[tilespmem:$0x1E800] =	vst v63  }
0xe1: {  	_ =	swait.ge [sflag:s7], $0x1400  }
0xe2: {  	s28 =	simm.s32 $0x0;
	s10 =	simm.s32 $0x1;
	[sflag:s7] =	ssyncset.done $0x0  }
0xe3: {  	s9 =	simm.s32 $0x2800;
	s6 =	simm.s32 $0x80;
	[sflag:s7] =	ssyncadd.s32 $0xFFFFEC00  }
0xe4: {  	[tilespmem:s9], [sflag:$0x1] =	stream.indirect.gather [hbm4b:s4+s6], $0x80, s28, s6, $0xb8;
	[tilespmem:$0x1E800] =	vst v63  }
0xe5: {  	_ =	swait.ge [sflag:s10], $0x4000  }
0xe6: {  	[sflag:s10] =	ssyncset.done $0x0  }
0xe7: {  	s29 =	simm.s32 $0x80;
	s8 =	simm.s32 $0x6800;
	[sflag:s10] =	ssyncadd.s32 $0xFFFFC000  }
0xe8: {  	[tilespmem:s8], [sflag:$0x2] =	stream.indirect.gather [hbm4b:s4+s6], $0x80, s29, s6, $0xb8;
	[tilespmem:$0x1E800] =	vst v63  }
0xe9: {  	s30 =	simm.s32 $0x1400  }
0xea: {  	[spmem:s2] =	stream.indirect.scatter.add.f32 [tilespmem:s9], [sflag:$0x3], $0x80, s30, s6, $0xb8;
	[tilespmem:$0x1E800] =	vst v63  }
0xeb: {  	_ =	swait.ge [sflag:s7], $0x4000  }
0xec: {  	[sflag:s7] =	ssyncset.done $0x0  }
0xed: {  	s11 =	simm.s32 $0x2;
	[sflag:s7] =	ssyncadd.s32 $0xFFFFC000  }
0xee: {  	_ =	swait.ge [sflag:s11], $0x4000  }
0xef: {  	[sflag:s11] =	ssyncset.done $0x0  }
0xf0: {  	s31 =	simm.s32 $0x1480;
	[sflag:s11] =	ssyncadd.s32 $0xFFFFC000  }
0xf1: {  	[spmem:s2] =	stream.indirect.scatter.add.f32 [tilespmem:s8], [sflag:$0x3], $0x80, s31, s6, $0xb8;
	[tilespmem:$0x1E800] =	vst v63  }
0xf2: {  	_ =	swait.ge [sflag:s7], $0x4000  }
0xf3: {  	s13 =	simm.s32 $0x800;
	s12 =	simm.s32 $0x400;
	[sflag:s7] =	ssyncset.done $0x0  }
.LBB2_9:
0xf4: {  	s14 =	sshra.s32 s12, $0x2  }
0xf5: {  	[sflag:s7] =	ssyncadd.s32 $0xFFFFC000;
	s12 =	smov.u32 s13;
	s15 =	sadd.s32 $0x400, s13  }
0xf6: {  	[tilespmem:s9], [sflag:$0x1] =	stream.indirect.gather [hbm4b:s4+s6], $0x80, s14, s6, $0xb8;
	[tilespmem:$0x1E800] =	vst v63  }
0xf7: {  	p0 =	sne.s32 s13, $0x4C00;
	_ =	swait.ge [sflag:s10], $0x4000  }
0xf8: {  	[sflag:s10] =	ssyncset.done $0x0  }
0xf9: {  	s13 =	sadd.s32 $0x80, s14;
	[sflag:s10] =	ssyncadd.s32 $0xFFFFC000  }
0xfa: {  	[tilespmem:s8], [sflag:$0x2] =	stream.indirect.gather [hbm4b:s4+s6], $0x80, s13, s6, $0xb8;
	[tilespmem:$0x1E800] =	vst v63  }
0xfb: {  	s13 =	sadd.s32 $0x1400, s14  }
0xfc: {  	[spmem:s2] =	stream.indirect.scatter.add.f32 [tilespmem:s9], [sflag:$0x3], $0x80, s13, s6, $0xb8;
	[tilespmem:$0x1E800] =	vst v63  }
0xfd: {  	_ =	swait.ge [sflag:s7], $0x4000  }
0xfe: {  	[sflag:s7] =	ssyncset.done $0x0  }
0xff: {  	[sflag:s7] =	ssyncadd.s32 $0xFFFFC000  }
0x100: {  	_ =	swait.ge [sflag:s11], $0x4000  }
.Ltmp4:
0x101: {  	[sflag:s11] =	ssyncset.done $0x0;
	(pc) =	sbr.rel @p0 .LBB2_9-.Ltmp4, $4  }
0x102: {  	s13 =	sadd.s32 $0x1480, s14;
	[sflag:s11] =	ssyncadd.s32 $0xFFFFC000  }
0x103: {  	[spmem:s2] =	stream.indirect.scatter.add.f32 [tilespmem:s8], [sflag:$0x3], $0x80, s13, s6, $0xb8;
	[tilespmem:$0x1E800] =	vst v63  }
0x104: {  	_ =	swait.ge [sflag:s7], $0x4000  }
0x105: {  	s13 =	smov.u32 s15;
	[sflag:s7] =	ssyncset.done $0x0  }
0x106: {  	s12 =	sshra.s32 s12, $0x2;
	[sflag:s7] =	ssyncadd.s32 $0xFFFFC000  }
0x107: {  	[tilespmem:s9], [sflag:$0x1] =	stream.indirect.gather [hbm4b:s4+s6], $0x80, s12, s6, $0xb8;
	[tilespmem:$0x1E800] =	vst v63  }
0x108: {  	_ =	swait.ge [sflag:s10], $0x4000  }
0x109: {  	[sflag:s10] =	ssyncset.done $0x0  }
0x10a: {  	s24 =	sadd.s32 $0x80, s12;
	[sflag:s10] =	ssyncadd.s32 $0xFFFFC000  }
0x10b: {  	[tilespmem:s8], [sflag:$0x2] =	stream.indirect.gather [hbm4b:s4+s6], $0x80, s24, s6, $0xb8;
	[tilespmem:$0x1E800] =	vst v63  }
0x10c: {  	s25 =	sadd.s32 $0x1400, s12  }
0x10d: {  	[spmem:s2] =	stream.indirect.scatter.add.f32 [tilespmem:s9], [sflag:$0x3], $0x80, s25, s6, $0xb8;
	[tilespmem:$0x1E800] =	vst v63  }
0x10e: {  	_ =	swait.ge [sflag:s7], $0x4000  }
0x10f: {  	[sflag:s7] =	ssyncset.done $0x0  }
0x110: {  	[sflag:s7] =	ssyncadd.s32 $0xFFFFC000  }
0x111: {  	_ =	swait.ge [sflag:s11], $0x4000  }
0x112: {  	[sflag:s11] =	ssyncset.done $0x0  }
0x113: {  	s26 =	sadd.s32 $0x1480, s12;
	[sflag:s11] =	ssyncadd.s32 $0xFFFFC000  }
0x114: {  	[spmem:s2] =	stream.indirect.scatter.add.f32 [tilespmem:s8], [sflag:$0x3], $0x80, s26, s6, $0xb8;
	[tilespmem:$0x1E800] =	vst v63  }
0x115: {  	_ =	swait.ge [sflag:s7], $0x4000  }
0x116: {  	s28 =	smul.u32 $0x2800, s1;
	s29 =	sshll.u32 s1, $0x6;
	[sflag:s7] =	ssyncset.done $0x0  }
0x117: {  	s30 =	sshrl.u32 s5, $0x3;
	s31 =	simm.s32 $0x3;
	[sflag:s7] =	ssyncadd.s32 $0xFFFFC000  }
0x118: {  	s2 =	sadd.s32 s3, s28;
	s3 =	sor.u32 $0x1C03, s29;
	[bflag:$0x0] =	sbarrier.arrive $0xFFFF  }
0x119: {  	[hbm:s2], [sflag:s3] =	dma.local [spmem:s30], $0x2800  }
0x11a: {  	_ =	swait.ge [sflag:s31], $0x2800  }
0x11b: {  	[sflag:s31] =	ssyncset.done $0x0  }
0x11c: {  	[sflag:s31] =	ssyncadd.s32 $0xFFFFD800  }
0x11d: {  	_ =	sfence.sel $0x180000  }
0x11e: {  	[bflag:$0x0] =	sbarrier.arrive $0xFFFF  }
0x11f: {  	p0 =	sne.s32 s1, $0x0;
	_ =	strace $0x9000004D  }
0x120: {  	s0 =	sadd.s32 @!p0 $0x100000, s0;
	[bflag:$0x2] =	sbarrier.arrive $0xFFFF  }
0x121: {  	[sflag:s0] =	ssyncadd.tile.s32 @!p0 $0x1;
	_ =	shalt  }
.Lfunc_end2:
_tile_overlayer_lowered:
.L_overlay_start_2:
0x122: {  	(tag) =	ssettag $0x2  }
0x123: {  	s0 =	rddreg [dreg:$0x0];
	s2 =	stileid.u32  }
0x124: {  	s1 =	rddreg [dreg:$0x1];
	p0 =	sne.s32 s2, $0x0  }
0x125: {  	s3 =	rddreg [dreg:$0x2];
	[bflag:$0x3] =	sbarrier.arrive $0xFFFF;
	s2 =	simm.s32 @!p0 $0x1C03  }
0x126: {  	[timem:s3], [sflag:s2] =	dma.local @!p0 [hbm:s0], s1  }
0x127: {  	s0 =	simm.s32 @!p0 $0x3  }
0x128: {  	_ =	swait.ge @!p0 [sflag:s0], s1  }
0x129: {  	s1 =	ssub.s32 @!p0 $0x0, s1;
	[sflag:s0] =	ssyncset.done @!p0 $0x0  }
0x12a: {  	[sflag:s0] =	ssyncadd.s32 @!p0 s1  }
0x12b: {  	[bflag:$0x3] =	sbarrier.arrive $0xFFFF  }
0x12c: {  	_ =	shalt  }

// kernel: kernel.8.cloned.1.call-start
scs
__scs_entry_jumppad:
0x0: {  	(pc) =	sbr.rel $0x88, $3  }
0x1: {  	(tag) =	ssettag $0x0;
	lr =	simm.s32 $0x1  }
0x2: {  	[smem:$0x3F98] =	sst lr;
	_ =	strace $0xD0000000  }
0x3: {  	_ = 	snop  }
0x4: {  	_ = 	snop  }
0x5: {  	_ = 	snop  }
0x6: {  	_ = 	snop  }
0x7: {  	_ = 	snop  }
__scs_overlays_trampoline_lowered:
0x8: {  	[smem:$0x3FA7] =	sst s0  }
0x9: {  	[smem:$0x3FA8] =	sst s1  }
0xa: {  	[smem:$0x3FA9] =	sst s2  }
0xb: {  	[smem:$0x3FAA] =	sst s3  }
0xc: {  	[smem:$0x3FAB] =	sst s4  }
0xd: {  	[smem:$0x3FAC] =	sst s5  }
0xe: {  	[smem:$0x3FAD] =	sst s6  }
0xf: {  	[smem:$0x3FAE] =	sst s7  }
0x10: {  	[smem:$0x3FAF] =	sst s8  }
0x11: {  	[smem:$0x3FB0] =	sst s9;
	s0 =	simm.s32 @!p0 $0x0  }
0x12: {  	s1 =	sld [smem:$0x3F96];
	s0 =	simm.s32 @p0 $0x1  }
0x13: {  	[smem:$0x3FB1] =	sst s0;
	s0 =	simm.s32 @!p1 $0x0  }
0x14: {  	s2 =	sld [smem:$0x3F95];
	s0 =	simm.s32 @p1 $0x1  }
0x15: {  	[smem:$0x3FB2] =	sst s0;
	s0 =	simm.s32 @!p2 $0x0  }
0x16: {  	s3 =	sld [smem:$0x3FDB];
	s0 =	simm.s32 @p2 $0x1  }
0x17: {  	s4 =	simm.s32 $0x1BF5;
	[smem:$0x3FB4] =	sst s0  }
0x18: {  	s0 =	sld [smem:$0x3F97];
	_ =	swait.ge [sflag:s4], $0x0  }
0x19: {  	s7 =	sld [smem:$0x3F98]  }
0x1a: {  	s8 =	sadd.s32 $0xFFFFE003, lr  }
0x1b: {  	s9 =	sadd.s32 $0xFFFFFEF7, lr;
	s5 =	simm.s32 $0xFFFFFFFF;
	p2 =	slt.u32 s8, $0xFFFFF086  }
0x1c: {  	p1 =	slt.u32 s9, $0xF7A;
	s5 =	simm.s32 @!p2 $0x0  }
0x1d: {  	s5 =	simm.s32 @p1 $0x1;
	p0 =	seq.s32 s7, s2  }
0x1e: {  	s7 =	smul.u32 @!p0 $0xF7A, s2;
	p2 =	seq.s32 @!p0 s5, $0x0  }
0x1f: {  	s9 =	smul.u32 $0xF7A, s1;
	s8 =	simm.s32 @!p0 $0x1BF5;
	p2 =	por !p2, p0  }
0x20: {  	[sflag:s8] =	ssyncset.s32 @!p0 $0xFFFFF086;
	s6 =	sadd.s32 @!p0 s3, s7;
	s7 =	simm.s32 @!p0 $0x108  }
0x21: {  	s3 =	sadd.s32 s3, s9;
	s6 =	sadd.s32 @!p0 $0x88, s6;
	s7 =	simm.s32 @p2 $0x1082  }
0x22: {  	[simem:s7], [sflag:s8] =	dma.local @!p0 [hbm:s6], $0xF7A  }
0x23: {  	s9 =	sor.u32 $0xD0000000, s2;
	s6 =	simm.s32 $0x108;
	_ =	swait.ge @!p0 [sflag:s8], $0x0  }
0x24: {  	s3 =	sadd.s32 $0x88, s3;
	s6 =	simm.s32 @!p1 $0x1082;
	[sflag:s4] =	ssyncset.s32 $0xFFFFF086  }
0x25: {  	[simem:s6], [sflag:s4] =	dma.local [hbm:s3], $0xF7A  }
0x26: {  	[smem:$0x3F98] =	sst s1;
	(tag) =	ssettag s2;
	_ =	strace s9  }
0x27: {  	s1 =	sld [smem:$0x3FA8]  }
0x28: {  	s2 =	sld [smem:$0x3FA9]  }
0x29: {  	s4 =	sld [smem:$0x3FAB]  }
0x2a: {  	p0 =	seq.s32 s5, $0x0;
	s5 =	sld [smem:$0x3FAC]  }
0x2b: {  	s6 =	sld [smem:$0x3FAD]  }
0x2c: {  	s7 =	sld [smem:$0x3FAE]  }
0x2d: {  	s3 =	simm.s32 $0x108;
	s8 =	sld [smem:$0x3FAF]  }
0x2e: {  	s3 =	simm.s32 @!p0 $0x1082;
	s9 =	sld [smem:$0x3FB0]  }
0x2f: {  	lr =	sadd.s32 s0, s3;
	s0 =	sld [smem:$0x3FA7]  }
0x30: {  	s3 =	sld [smem:$0x3FAA]  }
0x31: {  	[smem:$0x3FB3] =	sst s10  }
0x32: {  	s10 =	sld [smem:$0x3FB1];
	_ =	sdelay $0x3  }
0x33: {  	p0 =	seq.s32 s10, $0x1;
	s10 =	sld [smem:$0x3FB3];
	_ =	sdelay $0x3  }
0x34: {  	[smem:$0x3FB3] =	sst s10  }
0x35: {  	s10 =	sld [smem:$0x3FB2];
	_ =	sdelay $0x3  }
0x36: {  	p1 =	seq.s32 s10, $0x1;
	s10 =	sld [smem:$0x3FB3];
	_ =	sdelay $0x3  }
0x37: {  	[smem:$0x3FB3] =	sst s10  }
0x38: {  	s10 =	sld [smem:$0x3FB4]  }
0x39: {  	_ = 	snop;
	(pc) =	sbr.ind lr, $3  }
0x3a: {  	_ = 	snop  }
0x3b: {  	_ = 	snop  }
0x3c: {  	p2 =	seq.s32 s10, $0x1;
	s10 =	sld [smem:$0x3FB3]  }
0x3d: {  	_ =	shalt  }
0x3e: {  	_ =	shalt  }
0x3f: {  	_ =	shalt  }
0x40: {  	_ =	shalt  }
0x41: {  	_ =	shalt  }
0x42: {  	_ =	shalt  }
0x43: {  	_ =	shalt  }
0x44: {  	_ =	shalt  }
0x45: {  	_ =	shalt  }
0x46: {  	_ =	shalt  }
0x47: {  	_ =	shalt  }
0x48: {  	_ =	shalt  }
0x49: {  	_ =	shalt  }
0x4a: {  	_ =	shalt  }
0x4b: {  	_ =	shalt  }
0x4c: {  	_ =	shalt  }
0x4d: {  	_ =	shalt  }
0x4e: {  	_ =	shalt  }
0x4f: {  	_ =	shalt  }
0x50: {  	_ =	shalt  }
0x51: {  	_ =	shalt  }
0x52: {  	_ =	shalt  }
0x53: {  	_ =	shalt  }
0x54: {  	_ =	shalt  }
0x55: {  	_ =	shalt  }
0x56: {  	_ =	shalt  }
0x57: {  	_ =	shalt  }
0x58: {  	_ =	shalt  }
0x59: {  	_ =	shalt  }
0x5a: {  	_ =	shalt  }
0x5b: {  	_ =	shalt  }
0x5c: {  	_ =	shalt  }
0x5d: {  	_ =	shalt  }
0x5e: {  	_ =	shalt  }
0x5f: {  	_ =	shalt  }
0x60: {  	_ =	shalt  }
0x61: {  	_ =	shalt  }
0x62: {  	_ =	shalt  }
0x63: {  	_ =	shalt  }
0x64: {  	_ =	shalt  }
0x65: {  	_ =	shalt  }
0x66: {  	_ =	shalt  }
0x67: {  	_ =	shalt  }
0x68: {  	_ =	shalt  }
0x69: {  	_ =	shalt  }
0x6a: {  	_ =	shalt  }
0x6b: {  	_ =	shalt  }
0x6c: {  	_ =	shalt  }
0x6d: {  	_ =	shalt  }
0x6e: {  	_ =	shalt  }
0x6f: {  	_ =	shalt  }
0x70: {  	_ =	shalt  }
0x71: {  	_ =	shalt  }
0x72: {  	_ =	shalt  }
0x73: {  	_ =	shalt  }
0x74: {  	_ =	shalt  }
0x75: {  	_ =	shalt  }
0x76: {  	_ =	shalt  }
0x77: {  	_ =	shalt  }
0x78: {  	_ =	shalt  }
0x79: {  	_ =	shalt  }
0x7a: {  	_ =	shalt  }
0x7b: {  	_ =	shalt  }
0x7c: {  	_ =	shalt  }
0x7d: {  	_ =	shalt  }
0x7e: {  	_ =	shalt  }
0x7f: {  	_ =	shalt  }
0x80: {  	_ =	shalt  }
0x81: {  	_ =	shalt  }
0x82: {  	_ =	shalt  }
0x83: {  	_ =	shalt  }
0x84: {  	_ =	shalt  }
0x85: {  	_ =	shalt  }
0x86: {  	_ =	shalt  }
0x87: {  	_ =	shalt  }
.Lfunc_end0:
.L_simem_size_0:
called_computation_lowered:
.L_overlay_start_0:
0x88: {  	s2 =	sld [smem:$0x3FD9]  }
0x89: {  	s3 =	sld [smem:$0x3FFE];
	_ =	sdelay $0x1  }
0x8a: {  	s1 =	srdreg.scid  }
0x8b: {  	s0 =	sand.u32 $0x1, s1  }
0x8c: {  	s16 =	sshll.u32 s0, $0xA;
	s2 =	sadd.s32 s3, s2  }
0x8d: {  	s2 =	sadd.s32 s2, s16  }
0x8e: {  	[smem:$0x3FBF] =	sst s2  }
0x8f: {  	_ = 	snop  }
0x90: {  	(tm) =	ssettm $0x1  }
0x91: {  	s17 =	sld [smem:$0x3FFB];
	_ =	sdelay $0x3  }
0x92: {  	_ =	strace s17  }
0x93: {  	s2 =	sld [smem:$0x3FFC];
	_ =	sdelay $0x3  }
0x94: {  	_ =	strace s2  }
0x95: {  	s2 =	sld [smem:$0x3FFD];
	_ =	sdelay $0x3  }
0x96: {  	_ =	strace s2  }
0x97: {  	_ =	strace $0x8FFFFFFF  }
0x98: {  	s18 =	sld [smem:$0x3FDB];
	_ =	sdelay $0x1  }
0x99: {  	s19 =	simm.s32 $_scs_section_size  }
0x9a: {  	s4 =	simm.s32 $_size__tile_overlayer_lowered;
	s5 =	simm.s32 $_tile_overlayer_lowered  }
0x9b: {  	s22 =	simm.s32 $0x1BFF;
	s21 =	sshll.u32 s5, $0x1;
	s2 =	sadd.s32 s19, s18  }
0x9c: {  	s6 =	simm.s32 $0x0;
	s20 =	sshll.u32 s4, $0x1;
	s4 =	sadd.s32 s21, s2  }
0x9d: {  	[timem:s6], [sflag:s22] =	dma.local [hbm:s4], s20  }
0x9e: {  	_ =	swait.ge [sflag:s22], s20  }
0x9f: {  	s3 =	ssub.s32 $0x0, s20;
	[sflag:s22] =	ssyncset.done $0x0  }
0xa0: {  	[sflag:s22] =	ssyncadd.s32 s3;
	_ =	sdelay $0x1  }
0xa1: {  	s23 =	simm.s32 $0x1B8B  }
0xa2: {  	_ =	swait.ge [sflag:s23], $0x1  }
0xa3: {  	[sflag:s23] =	ssyncset.done $0x0  }
0xa4: {  	s25 =	simm.s32 $0x1B8E;
	s24 =	sld [smem:$0x3FFE];
	[sflag:s23] =	ssyncadd.s32 $0xFFFFFFFF  }
0xa5: {  	s26 =	simm.s32 $execute0_lowered;
	[smem:$0x3FD2] =	sst s25  }
0xa6: {  	s4 =	sshll.u32 s26, $0x1;
	_ =	strace $0x80000046;
	[dreg:$0x1] =	wrdreg $0xFFFFFFFF  }
0xa7: {  	s28 =	simm.s32 $_size_execute0_lowered;
	s2 =	sadd.s32 s2, s4;
	[dreg:$0x0] =	wrdreg $0x0  }
0xa8: {  	s4 =	sshll.u32 s28, $0x1;
	[dreg:$0x2] =	wrdreg s2  }
0xa9: {  	[dreg:$0x3] =	wrdreg s4  }
0xaa: {  	[dreg:$0x4] =	wrdreg $0xC0  }
0xab: {  	_ =	task [dreg:s6], $0x5FFFF  }
0xac: {  	[dreg:$0x1] =	wrdreg $0xFFFFFFFF  }
0xad: {  	[dreg:$0x0] =	wrdreg $0x60  }
0xae: {  	[dreg:$0x2] =	wrdreg s24  }
0xaf: {  	[dreg:$0x3] =	wrdreg $0x68000  }
0xb0: {  	[dreg:$0x4] =	wrdreg $0x9  }
0xb1: {  	_ =	task.clear_ibuf [dreg:s6], $0x5FFFF;
	_ =	strace $0x90000046  }
0xb2: {  	s29 =	simm.s32 $0x9;
	_ =	strace $0x80000048  }
0xb3: {  	_ =	swait.ge [sflag:s29], $0x1  }
0xb4: {  	[sflag:s29] =	ssyncadd.s32 $0xFFFFFFFF  }
0xb5: {  	_ =	strace $0x90000048  }
0xb6: {  	_ =	sfence  }
0xb7: {  	s30 =	sld [smem:$0x0];
	_ =	sdelay $0x2  }
0xb8: {  	s31 =	sshll.u32 s1, $0xD;
	s1 =	sshrl.u32 s1, $0x2  }
0xb9: {  	s3 =	sand.u32 $0x4000, s31;
	s1 =	sadd.s32 s1, s30  }
0xba: {  	s0 =	sor.u32 s3, s0;
	s1 =	sshll.u32 s1, $0x11  }
0xbb: {  	s0 =	sor.u32 s1, s0  }
0xbc: {  	s0 =	sadd.s32 $0x8F2B, s0  }
0xbd: {  	[sflag:s0] =	ssyncadd.remote.s32 $0x1  }
0xbe: {  	_ =	sfence.sel $0xFFFF  }
0xbf: {  	[dreg:$0x0] =	wrdreg $0xFFFFFFFF;
	(pc) =	sbr.abs _section_cstart, $3  }
0xc0: {  	[dreg:$0x1] =	wrdreg $0xFFFFFFFF  }
0xc1: {  	_ =	task.clear_ibuf [dreg:s6], $0x2FFFF;
	_ =	strace $0x9FFFFFFF  }
0xc2: {  	(tm) =	ssettm $0x7FFFFFFF  }
0xc3: {  	_ =	shalt  }
tec
execute0_lowered:
.L_overlay_start_1:
0x0: {  	(tag) =	ssettag $0x1  }
0x1: {  	s4 =	rddreg [dreg:$0x0]  }
0x2: {  	s2 =	rddreg [dreg:$0x1]  }
0x3: {  	s1 =	srdreg.scid;
	s0 =	rddreg [dreg:$0x2]  }
0x4: {  	s3 =	simm.s32 $0x0;
	s12 =	simm.s32 $0x2800;
	s5 =	sand.u32 $0x1, s1  }
0x5: {  	s13 =	simm.s32 $0x1;
	s1 =	stileid.u32;
	s7 =	smul.u32 $0x140000, s5  }
0x6: {  	s14 =	simm.s32 $0x80;
	[smem:$0x7FF] =	sst s3;
	s8 =	smul.u32 $0x14000, s1  }
0x7: {  	s6 =	sshll.u32 s5, $0x4;
	_ =	strace $0x80000047;
	s30 =	smul.u32 $0x50000, s1  }
0x8: {  	s5 =	ssub.s32 $0x2, s5;
	s15 =	sshll.u32 s1, $0x6;
	s6 =	sor.u32 s1, s6  }
0x9: {  	s31 =	sshrl.u32 s5, $0x1;
	s6 =	smul.u32 $0x500, s6;
	s7 =	sadd.s32 s8, s7  }
0xa: {  	s15 =	sor.u32 $0x1C01, s15;
	s8 =	sshrl.u32 s30, $0x2;
	s7 =	sshrl.u32 s7, $0x3  }
0xb: {  	s9 =	ssub.s32 s5, s31;
	s6 =	sadd.s32 s6, s4;
	s7 =	sadd.s32 s7, s4  }
0xc: {  	s4 =	sadd.s32 s8, s2;
	s5 =	sadd.s32 $0xD000, s6;
	s6 =	sadd.s32 $0x17000, s7  }
0xd: {  	s7 =	smax.u32 s9, $0x1;
	s8 =	sadd.s32 $0x4000, s4;
	s9 =	sadd.s32 $0x8000, s4  }
0xe: {  	v0 =	vimm.f32 $0.0e+00;
	v1 =	vimm.f32 $1.000000000e+00;
	s10 =	sadd.s32 $0xC000, s4;
	s11 =	sadd.s32 $0x10000, s4;
	s16 =	sshrl.u32 s4, $0x3  }
.LBB2_1:
0xf: {  	s17 =	simm.s32 $0x200;
	s18 =	simm.s32 $0x0  }
.LBB2_2:
0x10: {  	p0 =	sne.s32 s17, $0xFE00;
	[tilespmem:s18+$0x2800] =	vst v0;
	s18 =	smov.u32 s17;
	s17 =	sadd.s32 $0x200, s17  }
.Ltmp0:
0x11: {  	(pc) =	sbr.rel @p0 .LBB2_2-.Ltmp0, $2  }
0x12: {  	_ =	sdelay $0x2  }
0x13: {  	s18 =	sshra.s32 s18, $0x2  }
0x14: {  	[tilespmem:s18+$0x2800] =	vst v0  }
0x15: {  	[spmem:s4] =	stream.linear.scatter [tilespmem:s12], [sflag:$0x1], $0x4000, $0x38;
	[tilespmem:$0x9000] =	vst v63  }
0x16: {  	_ =	swait.ge [sflag:s13], $0x4000  }
0x17: {  	[sflag:s13] =	ssyncset.done $0x0  }
0x18: {  	[sflag:s13] =	ssyncadd.s32 $0xFFFFC000  }
0x19: {  	[spmem:s8] =	stream.linear.scatter [tilespmem:s12], [sflag:$0x1], $0x4000, $0x38;
	[tilespmem:$0x9000] =	vst v63  }
0x1a: {  	_ =	swait.ge [sflag:s13], $0x4000  }
0x1b: {  	[sflag:s13] =	ssyncset.done $0x0  }
0x1c: {  	[sflag:s13] =	ssyncadd.s32 $0xFFFFC000  }
0x1d: {  	[spmem:s9] =	stream.linear.scatter [tilespmem:s12], [sflag:$0x1], $0x4000, $0x38;
	[tilespmem:$0x9000] =	vst v63  }
0x1e: {  	_ =	swait.ge [sflag:s13], $0x4000  }
0x1f: {  	[sflag:s13] =	ssyncset.done $0x0  }
0x20: {  	[sflag:s13] =	ssyncadd.s32 $0xFFFFC000  }
0x21: {  	[spmem:s10] =	stream.linear.scatter [tilespmem:s12], [sflag:$0x1], $0x4000, $0x38;
	[tilespmem:$0x9000] =	vst v63  }
0x22: {  	_ =	swait.ge [sflag:s13], $0x4000  }
0x23: {  	[sflag:s13] =	ssyncset.done $0x0  }
0x24: {  	[sflag:s13] =	ssyncadd.s32 $0xFFFFC000  }
0x25: {  	[spmem:s11] =	stream.linear.scatter [tilespmem:s12], [sflag:$0x1], $0x4000, $0x38;
	[tilespmem:$0x9000] =	vst v63  }
0x26: {  	_ =	swait.ge [sflag:s13], $0x4000  }
0x27: {  	[sflag:s13] =	ssyncset.done $0x0  }
0x28: {  	s17 =	simm.s32 $0x200;
	s18 =	simm.s32 $0x0;
	[sflag:s13] =	ssyncadd.s32 $0xFFFFC000  }
.LBB2_4:
0x29: {  	p0 =	sne.s32 s17, $0xFE00;
	[tilespmem:s18+$0x2800] =	vst v1;
	s18 =	smov.u32 s17;
	s17 =	sadd.s32 $0x200, s17  }
.Ltmp1:
0x2a: {  	(pc) =	sbr.rel @p0 .LBB2_4-.Ltmp1, $2  }
0x2b: {  	_ =	sdelay $0x2  }
0x2c: {  	s18 =	sshra.s32 s18, $0x2  }
0x2d: {  	[tilespmem:s18+$0x2800] =	vst v1;
	s17 =	simm.s32 $0x0  }
0x2e: {  	[tilespmem:s17], [sflag:$0x1] =	stream.linear.gather [hbm4b:s5+s17], $0x2800, $0x38;
	[tilespmem:$0x9000] =	vst v63  }
0x2f: {  	_ =	swait.ge [sflag:s13], $0x2800  }
0x30: {  	[sflag:s13] =	ssyncset.done $0x0  }
0x31: {  	[sflag:s13] =	ssyncadd.s32 $0xFFFFD800  }
0x32: {  	s31 =	simm.s32 $0x0;
	[bflag:$0x0] =	sbarrier.arrive $0xFFFF  }
0x33: {  	[spmem:s2] =	stream.indirect.scatter.add.f32 [tilespmem:s12], [sflag:$0x1], $0x10, s31, s14, $0xb8;
	[tilespmem:$0x9000] =	vst v63  }
0x34: {  	_ =	swait.ge [sflag:s13], $0x800  }
0x35: {  	s17 =	simm.s32 $0x200;
	[sflag:s13] =	ssyncset.done $0x0  }
.LBB2_6:
0x36: {  	s18 =	sshra.s32 s17, $0x2;
	[sflag:s13] =	ssyncadd.s32 $0xFFFFF800;
	p0 =	sne.s32 s17, $0x9E00  }
0x37: {  	[spmem:s2] =	stream.indirect.scatter.add.f32 [tilespmem:s12], [sflag:$0x1], $0x10, s18, s14, $0xb8;
	[tilespmem:$0x9000] =	vst v63  }
.Ltmp2:
0x38: {  	_ = 	snop;
	(pc) =	sbr.rel @p0 .LBB2_6-.Ltmp2, $4  }
0x39: {  	_ = 	snop  }
0x3a: {  	s17 =	sadd.s32 $0x200, s17  }
0x3b: {  	_ =	swait.ge [sflag:s13], $0x800  }
0x3c: {  	[sflag:s13] =	ssyncset.done $0x0  }
0x3d: {  	s3 =	sadd.s32 $0x1, s3  }
0x3e: {  	[sflag:s13] =	ssyncadd.s32 $0xFFFFF800;
	p0 =	sne.s32 s3, s7  }
.Ltmp3:
0x3f: {  	[bflag:$0x0] =	sbarrier.arrive $0xFFFF;
	(pc) =	sbr.rel @p0 .LBB2_1-.Ltmp3, $4  }
0x40: {  	[hbm:s6], [sflag:s15] =	dma.local [spmem:s16], $0x2800  }
0x41: {  	_ =	swait.ge [sflag:s13], $0x2800  }
0x42: {  	[sflag:s13] =	ssyncset.done $0x0  }
0x43: {  	[sflag:s13] =	ssyncadd.s32 $0xFFFFD800  }
0x44: {  	_ =	sfence.sel $0x180000  }
0x45: {  	[bflag:$0x0] =	sbarrier.arrive $0xFFFF  }
0x46: {  	p0 =	sne.s32 s1, $0x0;
	_ =	strace $0x90000047  }
0x47: {  	s0 =	sadd.s32 @!p0 $0x100000, s0;
	[bflag:$0x2] =	sbarrier.arrive $0xFFFF  }
0x48: {  	[sflag:s0] =	ssyncadd.tile.s32 @!p0 $0x1;
	_ =	shalt  }
.Lfunc_end2:
_tile_overlayer_lowered:
.L_overlay_start_2:
0x49: {  	(tag) =	ssettag $0x2  }
0x4a: {  	s0 =	rddreg [dreg:$0x0];
	s2 =	stileid.u32  }
0x4b: {  	s1 =	rddreg [dreg:$0x1];
	p0 =	sne.s32 s2, $0x0  }
0x4c: {  	s3 =	rddreg [dreg:$0x2];
	[bflag:$0x3] =	sbarrier.arrive $0xFFFF;
	s2 =	simm.s32 @!p0 $0x1C01  }
0x4d: {  	[timem:s3], [sflag:s2] =	dma.local @!p0 [hbm:s0], s1  }
0x4e: {  	s0 =	simm.s32 @!p0 $0x1  }
0x4f: {  	_ =	swait.ge @!p0 [sflag:s0], s1  }
0x50: {  	s1 =	ssub.s32 @!p0 $0x0, s1;
	[sflag:s0] =	ssyncset.done @!p0 $0x0  }
0x51: {  	[sflag:s0] =	ssyncadd.s32 @!p0 s1  }
0x52: {  	[bflag:$0x3] =	sbarrier.arrive $0xFFFF  }
0x53: {  	_ =	shalt  }

</sc_bundles>
